<compile_context>
chip_gen: v7x
topology: tpu7x:2x2x1
jax: 0.10.2.dev20260603
libtpu: 0.0.44.dev20260713+nightly
codegen_flags: <defaults>
</compile_context>

<pallas_src>
import functools

import jax
import jax.numpy as jnp
from jax import lax
from jax.experimental import pallas as pl
from jax.experimental.pallas import tpu as pltpu
from jax.experimental.pallas import tpu_sc as plsc

B, L, D = 16, 2048, 256
LANES = 16
NW = 32
RPW = (B * L) // NW
CHUNK = 64
NCH = RPW // CHUNK
NBUF = 4

_SC_MESH = plsc.VectorSubcoreMesh(core_axis_name="c", subcore_axis_name="s")


@functools.partial(
    pl.kernel,
    out_type=jax.ShapeDtypeStruct((B * L, D), jnp.float32),
    mesh=_SC_MESH,
    compiler_params=pltpu.CompilerParams(needs_layout_passes=False),
    scratch_types=[
        pltpu.VMEM((L,), jnp.int32),
        pltpu.VMEM((L,), jnp.int32),
        pltpu.VMEM((RPW,), jnp.int32),
        pltpu.VMEM((NBUF, CHUNK, D), jnp.float32),
        pltpu.SemaphoreType.DMA,
        pltpu.SemaphoreType.DMA,
        pltpu.SemaphoreType.DMA,
        pltpu.SemaphoreType.DMA,
        pltpu.SemaphoreType.DMA,
        pltpu.SemaphoreType.DMA,
        pltpu.SemaphoreType.DMA,
        pltpu.SemaphoreType.DMA,
    ],
)
def _sc_flatten(mask_hbm, ex_hbm, out_hbm, mask_v, vpos_v, idx_v, rows_v,
                g0, g1, g2, g3, w0, w1, w2, w3):
    cid = lax.axis_index("c")
    sid = lax.axis_index("s")
    wid = sid * 2 + cid
    b = wid // 2
    h = wid % 2

    pltpu.sync_copy(mask_hbm.at[pl.ds(b * L, L)], mask_v)

    def _compact(i, cnt):
        mi = mask_v[pl.ds(i * LANES, LANES)]
        rank = cnt + plsc.cumsum(mi) - 1
        pos = i * LANES + lax.iota(jnp.int32, LANES)
        plsc.store_scatter(vpos_v, [rank], pos, mask=mi != 0)
        return cnt + jnp.sum(mi)

    nv = lax.fori_loop(0, L // LANES, _compact, jnp.int32(0))

    base_j = h * RPW
    base_g = b * L

    def _indices(k, _):
        jv = base_j + k * LANES + lax.iota(jnp.int32, LANES)
        src = plsc.load_gather(vpos_v, [jv % nv])
        idx_v[pl.ds(k * LANES, LANES)] = src + base_g
        return 0

    out0 = base_g + base_j
    gsems = (g0, g1, g2, g3)
    wsems = (w0, w1, w2, w3)

    def _gather(c):
        return pltpu.async_copy(
            ex_hbm.at[idx_v.at[pl.ds(c * CHUNK, CHUNK)]], rows_v.at[c % NBUF],
            gsems[c % NBUF])

    def _write(c):
        return pltpu.async_copy(
            rows_v.at[c % NBUF], out_hbm.at[pl.ds(out0 + c * CHUNK, CHUNK)],
            wsems[c % NBUF])

    lax.fori_loop(0, NBUF * CHUNK // LANES, _indices, 0)
    gd = {c: _gather(c) for c in range(NBUF)}
    lax.fori_loop(NBUF * CHUNK // LANES, RPW // LANES, _indices, 0)

    wd = {}
    for c in range(NCH):
        gd[c].wait()
        wd[c] = _write(c)
        if c + NBUF < NCH:
            wd[c].wait()
            gd[c + NBUF] = _gather(c + NBUF)
    for c in range(NCH - NBUF, NCH):
        wd[c].wait()


_CTX_TB = 2048


def _ctx_body(ctx_ref, out_ref):
    row = ctx_ref[pl.ds(pl.program_id(0), 1), :]
    out_ref[...] = jnp.broadcast_to(row, out_ref.shape)


_ctx_broadcast = pl.pallas_call(
    _ctx_body,
    grid=(B, L // _CTX_TB),
    in_specs=[pl.BlockSpec((B, D), lambda b, t: (0, 0))],
    out_specs=pl.BlockSpec((_CTX_TB, D), lambda b, t: (b * (L // _CTX_TB) + t, 0)),
    out_shape=jax.ShapeDtypeStruct((B * L, D), jnp.float32),
)


def kernel(context_feature, example_feature, mask):
    mask_i = mask.astype(jnp.int32).reshape(B * L)
    ex_flat = example_feature.reshape(B * L, D)
    flat_ex = _sc_flatten(mask_i, ex_flat)
    flat_ctx = _ctx_broadcast(context_feature)
    return flat_ctx, flat_ex

# --- scband reference (transcript-rebuilt; emitter-appended) ---
"""Pipeline reference for scband-flatten-list-84817014161416 (READ-ONLY COPY).

The authoritative reference and input builder live on the scoring server;
editing this copy changes nothing except your own understanding.
"""

import jax, jax.numpy as jnp
import numpy as np

B, L, D = 16, 2048, 256


def setup_inputs(seed: int = 0) -> dict:
    key = jax.random.key(seed)
    k1, k2, k3 = jax.random.split(key, 3)
    context_feature = jax.random.normal(k1, (B, D), dtype=jnp.float32)
    example_feature = jax.random.normal(k2, (B, L, D), dtype=jnp.float32)
    mask = jax.random.randint(k3, (B, L), 0, 2).astype(bool)
    # guarantee at least one valid example per query (tfr assumes num_valid >= 1)
    mask = mask.at[:, 0].set(True)
    return {"context_feature": context_feature, "example_feature": example_feature, "mask": mask}


def _padded_indices(mask):
    # Faithful port of tfr utils.padded_nd_indices (shuffle=False):
    # valid positions first (stable / original order), then invalid slots are
    # filled by cycling through the valid positions circularly.
    Bm, Lm = mask.shape
    num_valid = jnp.sum(mask.astype(jnp.int32), axis=1)
    pos = jnp.arange(Lm)[None, :]
    # sort key pushes invalid positions to the back; position term keeps stability
    sort_keys = jnp.where(mask, 0, 1) * Lm + pos
    order = jnp.argsort(sort_keys, axis=1)  # [B, L] valid positions first, in original order
    circ = jnp.mod(pos, jnp.maximum(num_valid[:, None], 1))  # circular index into valid prefix
    return jnp.take_along_axis(order, circ, axis=1)  # [B, L] gather indices along list axis


def reference(context_feature, example_feature, mask):
    Bm, Lm = mask.shape
    idx = _padded_indices(mask)
    # context: repeat each row list_size times -> [B*L, D]
    flat_ctx = jnp.reshape(
        jnp.repeat(context_feature[:, None, :], Lm, axis=1), (Bm * Lm, context_feature.shape[-1]))
    # example: gather_nd with circularly padded indices -> [B*L, D]
    padded = jnp.take_along_axis(example_feature, idx[:, :, None], axis=1)
    flat_ex = jnp.reshape(padded, (Bm * Lm, example_feature.shape[-1]))
    return flat_ctx, flat_ex

if __name__ == "__main__":
    import jax
    _d = setup_inputs()
    print(jax.jit(kernel)(*tuple(_d.values())))

</pallas_src>

<mosaic_0001>
#map = affine_map<(d0, d1) -> (0)>
#map1 = affine_map<(d0, d1) -> (0, 0)>
module attributes {stable_mosaic.version = 14 : i64} {
  func.func @_sc_flatten(%arg0: i32, %arg1: i32, %arg2: memref<32768xi32, #tpu.memory_space<hbm>>, %arg3: memref<32768x256xf32, #tpu.memory_space<hbm>>, %arg4: memref<32768x256xf32, #tpu.memory_space<hbm>>, %arg5: memref<2048xi32, #tpu.memory_space<vmem>>, %arg6: memref<2048xi32, #tpu.memory_space<vmem>>, %arg7: memref<1024xi32, #tpu.memory_space<vmem>>, %arg8: memref<4x64x256xf32, #tpu.memory_space<vmem>>, %arg9: memref<!tpu.dma_semaphore, #tpu.memory_space<semaphore_mem>>, %arg10: memref<!tpu.dma_semaphore, #tpu.memory_space<semaphore_mem>>, %arg11: memref<!tpu.dma_semaphore, #tpu.memory_space<semaphore_mem>>, %arg12: memref<!tpu.dma_semaphore, #tpu.memory_space<semaphore_mem>>, %arg13: memref<!tpu.dma_semaphore, #tpu.memory_space<semaphore_mem>>, %arg14: memref<!tpu.dma_semaphore, #tpu.memory_space<semaphore_mem>>, %arg15: memref<!tpu.dma_semaphore, #tpu.memory_space<semaphore_mem>>, %arg16: memref<!tpu.dma_semaphore, #tpu.memory_space<semaphore_mem>>) attributes {dimension_semantics = [#tpu.dimension_semantics<core_parallel>, #tpu.dimension_semantics<subcore_parallel>], iteration_bounds = array<i64: 2, 16>, scalar_prefetch = 0 : i64, scratch_operands = 12 : i64, tpu.core_type = #tpu.core_type<sc_vector_subcore>, window_params = [{transform_indices = #map}, {transform_indices = #map1}, {transform_indices = #map1}]} {
    %mul3A = arith.constant 2 : i32
    %mul3A_0 = arith.muli %arg1, %mul3A : i32
    %add3A = arith.addi %mul3A_0, %arg0 : i32
    %jit3A = arith.constant 2 : i32
    %div3A = arith.divsi %add3A, %jit3A : i32
    %sign3A = arith.constant 0 : i32
    %sign3A_1 = arith.cmpi sgt, %add3A, %sign3A : i32
    %sign3A_2 = arith.extui %sign3A_1 : i1 to i32
    %sign3A_3 = arith.constant 0 : i32
    %sign3A_4 = arith.cmpi slt, %add3A, %sign3A_3 : i32
    %sign3A_5 = arith.extui %sign3A_4 : i1 to i32
    %sign3A_6 = arith.subi %sign3A_2, %sign3A_5 : i32
    %sign3A_7 = arith.constant 0 : i32
    %sign3A_8 = arith.cmpi sgt, %jit3A, %sign3A_7 : i32
    %sign3A_9 = arith.extui %sign3A_8 : i1 to i32
    %sign3A_10 = arith.constant 0 : i32
    %sign3A_11 = arith.cmpi slt, %jit3A, %sign3A_10 : i32
    %sign3A_12 = arith.extui %sign3A_11 : i1 to i32
    %sign3A_13 = arith.subi %sign3A_9, %sign3A_12 : i32
    %ne3A = arith.cmpi ne, %sign3A_6, %sign3A_13 : i32
    %rem3A = arith.remsi %add3A, %jit3A : i32
    %ne3A_14 = arith.constant 0 : i32
    %ne3A_15 = arith.cmpi ne, %rem3A, %ne3A_14 : i32
    %and3A = arith.andi %ne3A, %ne3A_15 : i1
    %sub3A = arith.constant 1 : i32
    %sub3A_16 = arith.subi %div3A, %sub3A : i32
    %select_n3A = arith.select %and3A, %sub3A_16, %div3A : i32
    %jit3A_17 = arith.constant 2 : i32
    %eq3A = arith.constant 0 : i32
    %eq3A_18 = arith.cmpi eq, %jit3A_17, %eq3A : i32
    %jit3A_19 = arith.constant 1 : i32
    %select_n3A_20 = arith.select %eq3A_18, %jit3A_19, %jit3A_17 : i32
    %rem3A_21 = arith.remsi %add3A, %select_n3A_20 : i32
    %ne3A_22 = arith.constant 0 : i32
    %ne3A_23 = arith.cmpi ne, %rem3A_21, %ne3A_22 : i32
    %lt3A = arith.constant 0 : i32
    %lt3A_24 = arith.cmpi slt, %rem3A_21, %lt3A : i32
    %lt3A_25 = arith.constant 0 : i32
    %lt3A_26 = arith.cmpi slt, %select_n3A_20, %lt3A_25 : i32
    %ne3A_27 = arith.xori %lt3A_24, %lt3A_26 : i1
    %and3A_28 = arith.andi %ne3A_27, %ne3A_23 : i1
    %add3A_29 = arith.addi %rem3A_21, %select_n3A_20 : i32
    %select_n3A_30 = arith.select %and3A_28, %add3A_29, %rem3A_21 : i32
    %mul3A_31 = arith.constant 2048 : i32
    %mul3A_32 = arith.muli %select_n3A, %mul3A_31 : i32
    "tpu.region"() ({
      %run_scoped3A = tpu.sem_alloc : memref<!tpu.dma_semaphore, #tpu.memory_space<semaphore_mem>>
      %dma_start3A_824 = tpu.memref_slice %arg2[%mul3A_32] : memref<32768xi32, #tpu.memory_space<hbm>> -> memref<2048xi32, #tpu.memory_space<hbm>>
      %dma_start3A_825 = tpu.memref_slice %arg2[%mul3A_32] : memref<32768xi32, #tpu.memory_space<hbm>> -> memref<2048xi32, #tpu.memory_space<hbm>>
      tpu.enqueue_dma source(%dma_start3A_825 : memref<2048xi32, #tpu.memory_space<hbm>>) target(%arg5 : memref<2048xi32, #tpu.memory_space<vmem>>) target_semaphore(%run_scoped3A : memref<!tpu.dma_semaphore, #tpu.memory_space<semaphore_mem>>)
      %dma_wait3A_826 = tpu.memref_slice %arg2[%mul3A_32] : memref<32768xi32, #tpu.memory_space<hbm>> -> memref<2048xi32, #tpu.memory_space<hbm>>
      %dma_wait3A_827 = tpu.memref_slice %arg2[%mul3A_32] : memref<32768xi32, #tpu.memory_space<hbm>> -> memref<2048xi32, #tpu.memory_space<hbm>>
      tpu.wait_dma2 semaphore(%run_scoped3A : memref<!tpu.dma_semaphore, #tpu.memory_space<semaphore_mem>>) src(%dma_wait3A_827 : memref<2048xi32, #tpu.memory_space<hbm>>) dst(%arg5 : memref<2048xi32, #tpu.memory_space<vmem>>)
      tpu.yield
    }) : () -> ()
    %scan3A = arith.constant 0 : i32
    %scan3A_33 = arith.constant 0 : i32
    %scan3A_34 = arith.constant 128 : i32
    %scan3A_35 = arith.addi %scan3A_33, %scan3A_34 : i32
    %scan3A_36 = arith.constant 1 : i32
    %scan3A_37 = scf.for %scan3A_824 = %scan3A_33 to %scan3A_35 step %scan3A_36 iter_args(%scan3A_825 = %scan3A) -> (i32)  : i32 {
      %mul3A_826 = arith.constant 16 : i32
      %mul3A_827 = arith.muli %scan3A_824, %mul3A_826 : i32
      %get3A = arith.index_cast %mul3A_827 : i32 to index
      %get3A_828 = tpu.vector_load %arg5[%get3A] {strides = array<i32>} : memref<2048xi32, #tpu.memory_space<vmem>>, vector<16xi32>,
      %broadcast_in_dim3A = arith.constant true
      %broadcast_in_dim3A_829 = vector.broadcast %broadcast_in_dim3A : i1 to vector<16xi1>
      %masked_cumsum3A = tpu.scan <sum>, %get3A_828 masked %broadcast_in_dim3A_829 : vector<16xi32>, vector<16xi1> -> vector<16xi32>
      %add3A_830 = vector.broadcast %scan3A_825 : i32 to vector<16xi32>
      %add3A_831 = arith.addi %add3A_830, %masked_cumsum3A : vector<16xi32>
      %sub3A_832 = arith.constant 1 : i32
      %sub3A_833 = vector.broadcast %sub3A_832 : i32 to vector<16xi32>
      %sub3A_834 = arith.subi %add3A_831, %sub3A_833 : vector<16xi32>
      %mul3A_835 = arith.constant 16 : i32
      %mul3A_836 = arith.muli %scan3A_824, %mul3A_835 : i32
      %iota3A = tpu.iota {dimensions = array<i32: 0>} : vector<16xi32>
      %add3A_837 = vector.broadcast %mul3A_836 : i32 to vector<16xi32>
      %add3A_838 = arith.addi %add3A_837, %iota3A : vector<16xi32>
      %ne3A_839 = arith.constant 0 : i32
      %ne3A_840 = vector.broadcast %ne3A_839 : i32 to vector<16xi32>
      %ne3A_841 = arith.cmpi ne, %get3A_828, %ne3A_840 : vector<16xi32>
      tpu.vector_store_idx %arg6[%sub3A_834], %add3A_838 masked %ne3A_841 : memref<2048xi32, #tpu.memory_space<vmem>>[vector<16xi32>], vector<16xi32>, vector<16xi1>
      %reduce_sum3A = arith.constant true
      %reduce_sum3A_842 = vector.broadcast %reduce_sum3A : i1 to vector<16xi1>
      %reduce_sum3A_843 = tpu.scan <sum>, %get3A_828 masked %reduce_sum3A_842 : vector<16xi32>, vector<16xi1> -> vector<16xi32>
      %reduce_sum3A_844 = vector.extract %reduce_sum3A_843[15] : i32 from vector<16xi32>
      %add3A_845 = arith.addi %scan3A_825, %reduce_sum3A_844 : i32
      scf.yield %add3A_845 : i32
    }
    %scan3A_38 = arith.constant 128 : i32
    %mul3A_39 = arith.constant 1024 : i32
    %mul3A_40 = arith.muli %select_n3A_30, %mul3A_39 : i32
    %mul3A_41 = arith.constant 2048 : i32
    %mul3A_42 = arith.muli %select_n3A, %mul3A_41 : i32
    %add3A_43 = arith.addi %mul3A_42, %mul3A_40 : i32
    %scan3A_44 = arith.constant 0 : i32
    %scan3A_45 = arith.constant 0 : i32
    %scan3A_46 = arith.constant 16 : i32
    %scan3A_47 = arith.addi %scan3A_45, %scan3A_46 : i32
    %scan3A_48 = arith.constant 1 : i32
    %scan3A_49 = scf.for %scan3A_824 = %scan3A_45 to %scan3A_47 step %scan3A_48 iter_args(%scan3A_825 = %scan3A_44) -> (i32)  : i32 {
      %mul3A_826 = arith.constant 16 : i32
      %mul3A_827 = arith.muli %scan3A_824, %mul3A_826 : i32
      %add3A_828 = arith.addi %mul3A_40, %mul3A_827 : i32
      %iota3A = tpu.iota {dimensions = array<i32: 0>} : vector<16xi32>
      %add3A_829 = vector.broadcast %add3A_828 : i32 to vector<16xi32>
      %add3A_830 = arith.addi %add3A_829, %iota3A : vector<16xi32>
      %eq3A_831 = arith.constant 0 : i32
      %eq3A_832 = arith.cmpi eq, %scan3A_37, %eq3A_831 : i32
      %jit3A_833 = arith.constant 1 : i32
      %select_n3A_834 = arith.select %eq3A_832, %jit3A_833, %scan3A_37 : i32
      %rem3A_835 = vector.broadcast %select_n3A_834 : i32 to vector<16xi32>
      %rem3A_836 = arith.remsi %add3A_830, %rem3A_835 : vector<16xi32>
      %ne3A_837 = arith.constant 0 : i32
      %ne3A_838 = vector.broadcast %ne3A_837 : i32 to vector<16xi32>
      %ne3A_839 = arith.cmpi ne, %rem3A_836, %ne3A_838 : vector<16xi32>
      %lt3A_840 = arith.constant 0 : i32
      %lt3A_841 = vector.broadcast %lt3A_840 : i32 to vector<16xi32>
      %lt3A_842 = arith.cmpi slt, %rem3A_836, %lt3A_841 : vector<16xi32>
      %lt3A_843 = arith.constant 0 : i32
      %lt3A_844 = arith.cmpi slt, %select_n3A_834, %lt3A_843 : i32
      %ne3A_845 = vector.broadcast %lt3A_844 : i1 to vector<16xi1>
      %ne3A_846 = vector.broadcast %ne3A_845 : vector<16xi1> to vector<16xi1>
      %ne3A_847 = arith.xori %lt3A_842, %ne3A_846 : vector<16xi1>
      %and3A_848 = arith.andi %ne3A_847, %ne3A_839 : vector<16xi1>
      %add3A_849 = vector.broadcast %select_n3A_834 : i32 to vector<16xi32>
      %add3A_850 = arith.addi %rem3A_836, %add3A_849 : vector<16xi32>
      %select_n3A_851 = arith.select %and3A_848, %add3A_850, %rem3A_836 : vector<16xi1>, vector<16xi32>
      %gather3A = tpu.vector_load_idx %arg6[%select_n3A_851] : memref<2048xi32, #tpu.memory_space<vmem>>[vector<16xi32>], vector<16xi32>,
      %add3A_852 = vector.broadcast %mul3A_42 : i32 to vector<16xi32>
      %add3A_853 = arith.addi %gather3A, %add3A_852 : vector<16xi32>
      %mul3A_854 = arith.constant 16 : i32
      %mul3A_855 = arith.muli %scan3A_824, %mul3A_854 : i32
      %swap3A = arith.index_cast %mul3A_855 : i32 to index
      %swap3A_856 = tpu.vector_load %arg7[%swap3A] {strides = array<i32>} : memref<1024xi32, #tpu.memory_space<vmem>>, vector<16xi32>,
      tpu.vector_store %arg7[%swap3A], %add3A_853 {strides = array<i32>} : memref<1024xi32, #tpu.memory_space<vmem>>, vector<16xi32>,
      %scan3A_857 = arith.constant 0 : i32
      scf.yield %scan3A_857 : i32
    }
    %scan3A_50 = arith.constant 16 : i32
    %dma_start3A = arith.constant 0 : i32
    %dma_start3A_51 = arith.constant 0 : i32
    %dma_start3A_52 = arith.constant 0 : i32
    %dma_start3A_53 = tpu.memref_slice %arg8[%dma_start3A, %dma_start3A_51, %dma_start3A_52] : memref<4x64x256xf32, #tpu.memory_space<vmem>> -> memref<1x64x256xf32, #tpu.memory_space<vmem>>
    %dma_start3A_54 = tpu.memref_squeeze %dma_start3A_53 : memref<1x64x256xf32, #tpu.memory_space<vmem>> -> memref<64x256xf32, #tpu.memory_space<vmem>>
    %dma_start3A_55 = arith.constant 0 : i32
    %dma_start3A_56 = tpu.memref_slice %arg7[%dma_start3A_55] : memref<1024xi32, #tpu.memory_space<vmem>> -> memref<64xi32, #tpu.memory_space<vmem>>
    %dma_start3A_57 = arith.constant 0 : i32
    %dma_start3A_58 = arith.constant 0 : i32
    %dma_start3A_59 = tpu.memref_slice %arg3[%dma_start3A_57, %dma_start3A_58] : memref<32768x256xf32, #tpu.memory_space<hbm>> -> memref<32768x256xf32, #tpu.memory_space<hbm>>
    tpu.enqueue_indirect_dma source(%dma_start3A_59 : memref<32768x256xf32, #tpu.memory_space<hbm>>) target(%dma_start3A_54 : memref<64x256xf32, #tpu.memory_space<vmem>>) offsets(%dma_start3A_56 : memref<64xi32, #tpu.memory_space<vmem>>) semaphore(%arg9 : memref<!tpu.dma_semaphore, #tpu.memory_space<semaphore_mem>>)
    %dma_start3A_60 = arith.constant 1 : i32
    %dma_start3A_61 = arith.constant 0 : i32
    %dma_start3A_62 = arith.constant 0 : i32
    %dma_start3A_63 = tpu.memref_slice %arg8[%dma_start3A_60, %dma_start3A_61, %dma_start3A_62] : memref<4x64x256xf32, #tpu.memory_space<vmem>> -> memref<1x64x256xf32, #tpu.memory_space<vmem>>
    %dma_start3A_64 = tpu.memref_squeeze %dma_start3A_63 : memref<1x64x256xf32, #tpu.memory_space<vmem>> -> memref<64x256xf32, #tpu.memory_space<vmem>>
    %dma_start3A_65 = arith.constant 64 : i32
    %dma_start3A_66 = tpu.memref_slice %arg7[%dma_start3A_65] : memref<1024xi32, #tpu.memory_space<vmem>> -> memref<64xi32, #tpu.memory_space<vmem>>
    %dma_start3A_67 = arith.constant 0 : i32
    %dma_start3A_68 = arith.constant 0 : i32
    %dma_start3A_69 = tpu.memref_slice %arg3[%dma_start3A_67, %dma_start3A_68] : memref<32768x256xf32, #tpu.memory_space<hbm>> -> memref<32768x256xf32, #tpu.memory_space<hbm>>
    tpu.enqueue_indirect_dma source(%dma_start3A_69 : memref<32768x256xf32, #tpu.memory_space<hbm>>) target(%dma_start3A_64 : memref<64x256xf32, #tpu.memory_space<vmem>>) offsets(%dma_start3A_66 : memref<64xi32, #tpu.memory_space<vmem>>) semaphore(%arg10 : memref<!tpu.dma_semaphore, #tpu.memory_space<semaphore_mem>>)
    %dma_start3A_70 = arith.constant 2 : i32
    %dma_start3A_71 = arith.constant 0 : i32
    %dma_start3A_72 = arith.constant 0 : i32
    %dma_start3A_73 = tpu.memref_slice %arg8[%dma_start3A_70, %dma_start3A_71, %dma_start3A_72] : memref<4x64x256xf32, #tpu.memory_space<vmem>> -> memref<1x64x256xf32, #tpu.memory_space<vmem>>
    %dma_start3A_74 = tpu.memref_squeeze %dma_start3A_73 : memref<1x64x256xf32, #tpu.memory_space<vmem>> -> memref<64x256xf32, #tpu.memory_space<vmem>>
    %dma_start3A_75 = arith.constant 128 : i32
    %dma_start3A_76 = tpu.memref_slice %arg7[%dma_start3A_75] : memref<1024xi32, #tpu.memory_space<vmem>> -> memref<64xi32, #tpu.memory_space<vmem>>
    %dma_start3A_77 = arith.constant 0 : i32
    %dma_start3A_78 = arith.constant 0 : i32
    %dma_start3A_79 = tpu.memref_slice %arg3[%dma_start3A_77, %dma_start3A_78] : memref<32768x256xf32, #tpu.memory_space<hbm>> -> memref<32768x256xf32, #tpu.memory_space<hbm>>
    tpu.enqueue_indirect_dma source(%dma_start3A_79 : memref<32768x256xf32, #tpu.memory_space<hbm>>) target(%dma_start3A_74 : memref<64x256xf32, #tpu.memory_space<vmem>>) offsets(%dma_start3A_76 : memref<64xi32, #tpu.memory_space<vmem>>) semaphore(%arg11 : memref<!tpu.dma_semaphore, #tpu.memory_space<semaphore_mem>>)
    %dma_start3A_80 = arith.constant 3 : i32
    %dma_start3A_81 = arith.constant 0 : i32
    %dma_start3A_82 = arith.constant 0 : i32
    %dma_start3A_83 = tpu.memref_slice %arg8[%dma_start3A_80, %dma_start3A_81, %dma_start3A_82] : memref<4x64x256xf32, #tpu.memory_space<vmem>> -> memref<1x64x256xf32, #tpu.memory_space<vmem>>
    %dma_start3A_84 = tpu.memref_squeeze %dma_start3A_83 : memref<1x64x256xf32, #tpu.memory_space<vmem>> -> memref<64x256xf32, #tpu.memory_space<vmem>>
    %dma_start3A_85 = arith.constant 192 : i32
    %dma_start3A_86 = tpu.memref_slice %arg7[%dma_start3A_85] : memref<1024xi32, #tpu.memory_space<vmem>> -> memref<64xi32, #tpu.memory_space<vmem>>
    %dma_start3A_87 = arith.constant 0 : i32
    %dma_start3A_88 = arith.constant 0 : i32
    %dma_start3A_89 = tpu.memref_slice %arg3[%dma_start3A_87, %dma_start3A_88] : memref<32768x256xf32, #tpu.memory_space<hbm>> -> memref<32768x256xf32, #tpu.memory_space<hbm>>
    tpu.enqueue_indirect_dma source(%dma_start3A_89 : memref<32768x256xf32, #tpu.memory_space<hbm>>) target(%dma_start3A_84 : memref<64x256xf32, #tpu.memory_space<vmem>>) offsets(%dma_start3A_86 : memref<64xi32, #tpu.memory_space<vmem>>) semaphore(%arg12 : memref<!tpu.dma_semaphore, #tpu.memory_space<semaphore_mem>>)
    %scan3A_90 = arith.constant 0 : i32
    %scan3A_91 = arith.constant 16 : i32
    %scan3A_92 = arith.constant 48 : i32
    %scan3A_93 = arith.addi %scan3A_91, %scan3A_92 : i32
    %scan3A_94 = arith.constant 1 : i32
    %scan3A_95 = scf.for %scan3A_824 = %scan3A_91 to %scan3A_93 step %scan3A_94 iter_args(%scan3A_825 = %scan3A_90) -> (i32)  : i32 {
      %mul3A_826 = arith.constant 16 : i32
      %mul3A_827 = arith.muli %scan3A_824, %mul3A_826 : i32
      %add3A_828 = arith.addi %mul3A_40, %mul3A_827 : i32
      %iota3A = tpu.iota {dimensions = array<i32: 0>} : vector<16xi32>
      %add3A_829 = vector.broadcast %add3A_828 : i32 to vector<16xi32>
      %add3A_830 = arith.addi %add3A_829, %iota3A : vector<16xi32>
      %eq3A_831 = arith.constant 0 : i32
      %eq3A_832 = arith.cmpi eq, %scan3A_37, %eq3A_831 : i32
      %jit3A_833 = arith.constant 1 : i32
      %select_n3A_834 = arith.select %eq3A_832, %jit3A_833, %scan3A_37 : i32
      %rem3A_835 = vector.broadcast %select_n3A_834 : i32 to vector<16xi32>
      %rem3A_836 = arith.remsi %add3A_830, %rem3A_835 : vector<16xi32>
      %ne3A_837 = arith.constant 0 : i32
      %ne3A_838 = vector.broadcast %ne3A_837 : i32 to vector<16xi32>
      %ne3A_839 = arith.cmpi ne, %rem3A_836, %ne3A_838 : vector<16xi32>
      %lt3A_840 = arith.constant 0 : i32
      %lt3A_841 = vector.broadcast %lt3A_840 : i32 to vector<16xi32>
      %lt3A_842 = arith.cmpi slt, %rem3A_836, %lt3A_841 : vector<16xi32>
      %lt3A_843 = arith.constant 0 : i32
      %lt3A_844 = arith.cmpi slt, %select_n3A_834, %lt3A_843 : i32
      %ne3A_845 = vector.broadcast %lt3A_844 : i1 to vector<16xi1>
      %ne3A_846 = vector.broadcast %ne3A_845 : vector<16xi1> to vector<16xi1>
      %ne3A_847 = arith.xori %lt3A_842, %ne3A_846 : vector<16xi1>
      %and3A_848 = arith.andi %ne3A_847, %ne3A_839 : vector<16xi1>
      %add3A_849 = vector.broadcast %select_n3A_834 : i32 to vector<16xi32>
      %add3A_850 = arith.addi %rem3A_836, %add3A_849 : vector<16xi32>
      %select_n3A_851 = arith.select %and3A_848, %add3A_850, %rem3A_836 : vector<16xi1>, vector<16xi32>
      %gather3A = tpu.vector_load_idx %arg6[%select_n3A_851] : memref<2048xi32, #tpu.memory_space<vmem>>[vector<16xi32>], vector<16xi32>,
      %add3A_852 = vector.broadcast %mul3A_42 : i32 to vector<16xi32>
      %add3A_853 = arith.addi %gather3A, %add3A_852 : vector<16xi32>
      %mul3A_854 = arith.constant 16 : i32
      %mul3A_855 = arith.muli %scan3A_824, %mul3A_854 : i32
      %swap3A = arith.index_cast %mul3A_855 : i32 to index
      %swap3A_856 = tpu.vector_load %arg7[%swap3A] {strides = array<i32>} : memref<1024xi32, #tpu.memory_space<vmem>>, vector<16xi32>,
      tpu.vector_store %arg7[%swap3A], %add3A_853 {strides = array<i32>} : memref<1024xi32, #tpu.memory_space<vmem>>, vector<16xi32>,
      %scan3A_857 = arith.constant 0 : i32
      scf.yield %scan3A_857 : i32
    }
    %scan3A_96 = arith.constant 48 : i32
    %dma_wait3A = arith.constant 0 : i32
    %dma_wait3A_97 = arith.constant 0 : i32
    %dma_wait3A_98 = arith.constant 0 : i32
    %dma_wait3A_99 = tpu.memref_slice %arg8[%dma_wait3A, %dma_wait3A_97, %dma_wait3A_98] : memref<4x64x256xf32, #tpu.memory_space<vmem>> -> memref<1x64x256xf32, #tpu.memory_space<vmem>>
    %dma_wait3A_100 = tpu.memref_squeeze %dma_wait3A_99 : memref<1x64x256xf32, #tpu.memory_space<vmem>> -> memref<64x256xf32, #tpu.memory_space<vmem>>
    %dma_wait3A_101 = arith.constant 0 : i32
    %dma_wait3A_102 = tpu.memref_slice %arg7[%dma_wait3A_101] : memref<1024xi32, #tpu.memory_space<vmem>> -> memref<64xi32, #tpu.memory_space<vmem>>
    %dma_wait3A_103 = arith.constant 0 : i32
    %dma_wait3A_104 = arith.constant 0 : i32
    %dma_wait3A_105 = tpu.memref_slice %arg3[%dma_wait3A_103, %dma_wait3A_104] : memref<32768x256xf32, #tpu.memory_space<hbm>> -> memref<32768x256xf32, #tpu.memory_space<hbm>>
    tpu.wait_indirect_dma semaphore(%arg9 : memref<!tpu.dma_semaphore, #tpu.memory_space<semaphore_mem>>) src(%dma_wait3A_105 : memref<32768x256xf32, #tpu.memory_space<hbm>>) dst(%dma_wait3A_100 : memref<64x256xf32, #tpu.memory_space<vmem>>)
    %add3A_106 = arith.constant 0 : i32
    %add3A_107 = arith.addi %add3A_43, %add3A_106 : i32
    %dma_start3A_108 = arith.constant 0 : i32
    %dma_start3A_109 = arith.constant 0 : i32
    %dma_start3A_110 = arith.constant 0 : i32
    %dma_start3A_111 = tpu.memref_slice %arg8[%dma_start3A_108, %dma_start3A_109, %dma_start3A_110] : memref<4x64x256xf32, #tpu.memory_space<vmem>> -> memref<1x64x256xf32, #tpu.memory_space<vmem>>
    %dma_start3A_112 = tpu.memref_squeeze %dma_start3A_111 : memref<1x64x256xf32, #tpu.memory_space<vmem>> -> memref<64x256xf32, #tpu.memory_space<vmem>>
    %dma_start3A_113 = arith.constant 0 : i32
    %dma_start3A_114 = tpu.memref_slice %arg4[%add3A_107, %dma_start3A_113] : memref<32768x256xf32, #tpu.memory_space<hbm>> -> memref<64x256xf32, #tpu.memory_space<hbm>>
    %dma_start3A_115 = arith.constant 0 : i32
    %dma_start3A_116 = tpu.memref_slice %arg4[%add3A_107, %dma_start3A_115] : memref<32768x256xf32, #tpu.memory_space<hbm>> -> memref<64x256xf32, #tpu.memory_space<hbm>>
    %dma_start3A_117 = arith.constant 0 : i32
    %dma_start3A_118 = arith.constant 0 : i32
    %dma_start3A_119 = tpu.memref_slice %arg8[%dma_start3A_108, %dma_start3A_117, %dma_start3A_118] : memref<4x64x256xf32, #tpu.memory_space<vmem>> -> memref<1x64x256xf32, #tpu.memory_space<vmem>>
    %dma_start3A_120 = tpu.memref_squeeze %dma_start3A_119 : memref<1x64x256xf32, #tpu.memory_space<vmem>> -> memref<64x256xf32, #tpu.memory_space<vmem>>
    tpu.enqueue_dma source(%dma_start3A_120 : memref<64x256xf32, #tpu.memory_space<vmem>>) target(%dma_start3A_116 : memref<64x256xf32, #tpu.memory_space<hbm>>) target_semaphore(%arg13 : memref<!tpu.dma_semaphore, #tpu.memory_space<semaphore_mem>>)
    %dma_wait3A_121 = arith.constant 0 : i32
    %dma_wait3A_122 = arith.constant 0 : i32
    %dma_wait3A_123 = arith.constant 0 : i32
    %dma_wait3A_124 = tpu.memref_slice %arg8[%dma_wait3A_121, %dma_wait3A_122, %dma_wait3A_123] : memref<4x64x256xf32, #tpu.memory_space<vmem>> -> memref<1x64x256xf32, #tpu.memory_space<vmem>>
    %dma_wait3A_125 = tpu.memref_squeeze %dma_wait3A_124 : memref<1x64x256xf32, #tpu.memory_space<vmem>> -> memref<64x256xf32, #tpu.memory_space<vmem>>
    %dma_wait3A_126 = arith.constant 0 : i32
    %dma_wait3A_127 = tpu.memref_slice %arg4[%add3A_107, %dma_wait3A_126] : memref<32768x256xf32, #tpu.memory_space<hbm>> -> memref<64x256xf32, #tpu.memory_space<hbm>>
    %dma_wait3A_128 = arith.constant 0 : i32
    %dma_wait3A_129 = tpu.memref_slice %arg4[%add3A_107, %dma_wait3A_128] : memref<32768x256xf32, #tpu.memory_space<hbm>> -> memref<64x256xf32, #tpu.memory_space<hbm>>
    %dma_wait3A_130 = arith.constant 0 : i32
    %dma_wait3A_131 = arith.constant 0 : i32
    %dma_wait3A_132 = tpu.memref_slice %arg8[%dma_wait3A_121, %dma_wait3A_130, %dma_wait3A_131] : memref<4x64x256xf32, #tpu.memory_space<vmem>> -> memref<1x64x256xf32, #tpu.memory_space<vmem>>
    %dma_wait3A_133 = tpu.memref_squeeze %dma_wait3A_132 : memref<1x64x256xf32, #tpu.memory_space<vmem>> -> memref<64x256xf32, #tpu.memory_space<vmem>>
    tpu.wait_dma2 semaphore(%arg13 : memref<!tpu.dma_semaphore, #tpu.memory_space<semaphore_mem>>) src(%dma_wait3A_133 : memref<64x256xf32, #tpu.memory_space<vmem>>) dst(%dma_wait3A_129 : memref<64x256xf32, #tpu.memory_space<hbm>>)
    %dma_start3A_134 = arith.constant 0 : i32
    %dma_start3A_135 = arith.constant 0 : i32
    %dma_start3A_136 = arith.constant 0 : i32
    %dma_start3A_137 = tpu.memref_slice %arg8[%dma_start3A_134, %dma_start3A_135, %dma_start3A_136] : memref<4x64x256xf32, #tpu.memory_space<vmem>> -> memref<1x64x256xf32, #tpu.memory_space<vmem>>
    %dma_start3A_138 = tpu.memref_squeeze %dma_start3A_137 : memref<1x64x256xf32, #tpu.memory_space<vmem>> -> memref<64x256xf32, #tpu.memory_space<vmem>>
    %dma_start3A_139 = arith.constant 256 : i32
    %dma_start3A_140 = tpu.memref_slice %arg7[%dma_start3A_139] : memref<1024xi32, #tpu.memory_space<vmem>> -> memref<64xi32, #tpu.memory_space<vmem>>
    %dma_start3A_141 = arith.constant 0 : i32
    %dma_start3A_142 = arith.constant 0 : i32
    %dma_start3A_143 = tpu.memref_slice %arg3[%dma_start3A_141, %dma_start3A_142] : memref<32768x256xf32, #tpu.memory_space<hbm>> -> memref<32768x256xf32, #tpu.memory_space<hbm>>
    tpu.enqueue_indirect_dma source(%dma_start3A_143 : memref<32768x256xf32, #tpu.memory_space<hbm>>) target(%dma_start3A_138 : memref<64x256xf32, #tpu.memory_space<vmem>>) offsets(%dma_start3A_140 : memref<64xi32, #tpu.memory_space<vmem>>) semaphore(%arg9 : memref<!tpu.dma_semaphore, #tpu.memory_space<semaphore_mem>>)
    %dma_wait3A_144 = arith.constant 1 : i32
    %dma_wait3A_145 = arith.constant 0 : i32
    %dma_wait3A_146 = arith.constant 0 : i32
    %dma_wait3A_147 = tpu.memref_slice %arg8[%dma_wait3A_144, %dma_wait3A_145, %dma_wait3A_146] : memref<4x64x256xf32, #tpu.memory_space<vmem>> -> memref<1x64x256xf32, #tpu.memory_space<vmem>>
    %dma_wait3A_148 = tpu.memref_squeeze %dma_wait3A_147 : memref<1x64x256xf32, #tpu.memory_space<vmem>> -> memref<64x256xf32, #tpu.memory_space<vmem>>
    %dma_wait3A_149 = arith.constant 64 : i32
    %dma_wait3A_150 = tpu.memref_slice %arg7[%dma_wait3A_149] : memref<1024xi32, #tpu.memory_space<vmem>> -> memref<64xi32, #tpu.memory_space<vmem>>
    %dma_wait3A_151 = arith.constant 0 : i32
    %dma_wait3A_152 = arith.constant 0 : i32
    %dma_wait3A_153 = tpu.memref_slice %arg3[%dma_wait3A_151, %dma_wait3A_152] : memref<32768x256xf32, #tpu.memory_space<hbm>> -> memref<32768x256xf32, #tpu.memory_space<hbm>>
    tpu.wait_indirect_dma semaphore(%arg10 : memref<!tpu.dma_semaphore, #tpu.memory_space<semaphore_mem>>) src(%dma_wait3A_153 : memref<32768x256xf32, #tpu.memory_space<hbm>>) dst(%dma_wait3A_148 : memref<64x256xf32, #tpu.memory_space<vmem>>)
    %add3A_154 = arith.constant 64 : i32
    %add3A_155 = arith.addi %add3A_43, %add3A_154 : i32
    %dma_start3A_156 = arith.constant 1 : i32
    %dma_start3A_157 = arith.constant 0 : i32
    %dma_start3A_158 = arith.constant 0 : i32
    %dma_start3A_159 = tpu.memref_slice %arg8[%dma_start3A_156, %dma_start3A_157, %dma_start3A_158] : memref<4x64x256xf32, #tpu.memory_space<vmem>> -> memref<1x64x256xf32, #tpu.memory_space<vmem>>
    %dma_start3A_160 = tpu.memref_squeeze %dma_start3A_159 : memref<1x64x256xf32, #tpu.memory_space<vmem>> -> memref<64x256xf32, #tpu.memory_space<vmem>>
    %dma_start3A_161 = arith.constant 0 : i32
    %dma_start3A_162 = tpu.memref_slice %arg4[%add3A_155, %dma_start3A_161] : memref<32768x256xf32, #tpu.memory_space<hbm>> -> memref<64x256xf32, #tpu.memory_space<hbm>>
    %dma_start3A_163 = arith.constant 0 : i32
    %dma_start3A_164 = tpu.memref_slice %arg4[%add3A_155, %dma_start3A_163] : memref<32768x256xf32, #tpu.memory_space<hbm>> -> memref<64x256xf32, #tpu.memory_space<hbm>>
    %dma_start3A_165 = arith.constant 0 : i32
    %dma_start3A_166 = arith.constant 0 : i32
    %dma_start3A_167 = tpu.memref_slice %arg8[%dma_start3A_156, %dma_start3A_165, %dma_start3A_166] : memref<4x64x256xf32, #tpu.memory_space<vmem>> -> memref<1x64x256xf32, #tpu.memory_space<vmem>>
    %dma_start3A_168 = tpu.memref_squeeze %dma_start3A_167 : memref<1x64x256xf32, #tpu.memory_space<vmem>> -> memref<64x256xf32, #tpu.memory_space<vmem>>
    tpu.enqueue_dma source(%dma_start3A_168 : memref<64x256xf32, #tpu.memory_space<vmem>>) target(%dma_start3A_164 : memref<64x256xf32, #tpu.memory_space<hbm>>) target_semaphore(%arg14 : memref<!tpu.dma_semaphore, #tpu.memory_space<semaphore_mem>>)
    %dma_wait3A_169 = arith.constant 1 : i32
    %dma_wait3A_170 = arith.constant 0 : i32
    %dma_wait3A_171 = arith.constant 0 : i32
    %dma_wait3A_172 = tpu.memref_slice %arg8[%dma_wait3A_169, %dma_wait3A_170, %dma_wait3A_171] : memref<4x64x256xf32, #tpu.memory_space<vmem>> -> memref<1x64x256xf32, #tpu.memory_space<vmem>>
    %dma_wait3A_173 = tpu.memref_squeeze %dma_wait3A_172 : memref<1x64x256xf32, #tpu.memory_space<vmem>> -> memref<64x256xf32, #tpu.memory_space<vmem>>
    %dma_wait3A_174 = arith.constant 0 : i32
    %dma_wait3A_175 = tpu.memref_slice %arg4[%add3A_155, %dma_wait3A_174] : memref<32768x256xf32, #tpu.memory_space<hbm>> -> memref<64x256xf32, #tpu.memory_space<hbm>>
    %dma_wait3A_176 = arith.constant 0 : i32
    %dma_wait3A_177 = tpu.memref_slice %arg4[%add3A_155, %dma_wait3A_176] : memref<32768x256xf32, #tpu.memory_space<hbm>> -> memref<64x256xf32, #tpu.memory_space<hbm>>
    %dma_wait3A_178 = arith.constant 0 : i32
    %dma_wait3A_179 = arith.constant 0 : i32
    %dma_wait3A_180 = tpu.memref_slice %arg8[%dma_wait3A_169, %dma_wait3A_178, %dma_wait3A_179] : memref<4x64x256xf32, #tpu.memory_space<vmem>> -> memref<1x64x256xf32, #tpu.memory_space<vmem>>
    %dma_wait3A_181 = tpu.memref_squeeze %dma_wait3A_180 : memref<1x64x256xf32, #tpu.memory_space<vmem>> -> memref<64x256xf32, #tpu.memory_space<vmem>>
    tpu.wait_dma2 semaphore(%arg14 : memref<!tpu.dma_semaphore, #tpu.memory_space<semaphore_mem>>) src(%dma_wait3A_181 : memref<64x256xf32, #tpu.memory_space<vmem>>) dst(%dma_wait3A_177 : memref<64x256xf32, #tpu.memory_space<hbm>>)
    %dma_start3A_182 = arith.constant 1 : i32
    %dma_start3A_183 = arith.constant 0 : i32
    %dma_start3A_184 = arith.constant 0 : i32
    %dma_start3A_185 = tpu.memref_slice %arg8[%dma_start3A_182, %dma_start3A_183, %dma_start3A_184] : memref<4x64x256xf32, #tpu.memory_space<vmem>> -> memref<1x64x256xf32, #tpu.memory_space<vmem>>
    %dma_start3A_186 = tpu.memref_squeeze %dma_start3A_185 : memref<1x64x256xf32, #tpu.memory_space<vmem>> -> memref<64x256xf32, #tpu.memory_space<vmem>>
    %dma_start3A_187 = arith.constant 320 : i32
    %dma_start3A_188 = tpu.memref_slice %arg7[%dma_start3A_187] : memref<1024xi32, #tpu.memory_space<vmem>> -> memref<64xi32, #tpu.memory_space<vmem>>
    %dma_start3A_189 = arith.constant 0 : i32
    %dma_start3A_190 = arith.constant 0 : i32
    %dma_start3A_191 = tpu.memref_slice %arg3[%dma_start3A_189, %dma_start3A_190] : memref<32768x256xf32, #tpu.memory_space<hbm>> -> memref<32768x256xf32, #tpu.memory_space<hbm>>
    tpu.enqueue_indirect_dma source(%dma_start3A_191 : memref<32768x256xf32, #tpu.memory_space<hbm>>) target(%dma_start3A_186 : memref<64x256xf32, #tpu.memory_space<vmem>>) offsets(%dma_start3A_188 : memref<64xi32, #tpu.memory_space<vmem>>) semaphore(%arg10 : memref<!tpu.dma_semaphore, #tpu.memory_space<semaphore_mem>>)
    %dma_wait3A_192 = arith.constant 2 : i32
    %dma_wait3A_193 = arith.constant 0 : i32
    %dma_wait3A_194 = arith.constant 0 : i32
    %dma_wait3A_195 = tpu.memref_slice %arg8[%dma_wait3A_192, %dma_wait3A_193, %dma_wait3A_194] : memref<4x64x256xf32, #tpu.memory_space<vmem>> -> memref<1x64x256xf32, #tpu.memory_space<vmem>>
    %dma_wait3A_196 = tpu.memref_squeeze %dma_wait3A_195 : memref<1x64x256xf32, #tpu.memory_space<vmem>> -> memref<64x256xf32, #tpu.memory_space<vmem>>
    %dma_wait3A_197 = arith.constant 128 : i32
    %dma_wait3A_198 = tpu.memref_slice %arg7[%dma_wait3A_197] : memref<1024xi32, #tpu.memory_space<vmem>> -> memref<64xi32, #tpu.memory_space<vmem>>
    %dma_wait3A_199 = arith.constant 0 : i32
    %dma_wait3A_200 = arith.constant 0 : i32
    %dma_wait3A_201 = tpu.memref_slice %arg3[%dma_wait3A_199, %dma_wait3A_200] : memref<32768x256xf32, #tpu.memory_space<hbm>> -> memref<32768x256xf32, #tpu.memory_space<hbm>>
    tpu.wait_indirect_dma semaphore(%arg11 : memref<!tpu.dma_semaphore, #tpu.memory_space<semaphore_mem>>) src(%dma_wait3A_201 : memref<32768x256xf32, #tpu.memory_space<hbm>>) dst(%dma_wait3A_196 : memref<64x256xf32, #tpu.memory_space<vmem>>)
    %add3A_202 = arith.constant 128 : i32
    %add3A_203 = arith.addi %add3A_43, %add3A_202 : i32
    %dma_start3A_204 = arith.constant 2 : i32
    %dma_start3A_205 = arith.constant 0 : i32
    %dma_start3A_206 = arith.constant 0 : i32
    %dma_start3A_207 = tpu.memref_slice %arg8[%dma_start3A_204, %dma_start3A_205, %dma_start3A_206] : memref<4x64x256xf32, #tpu.memory_space<vmem>> -> memref<1x64x256xf32, #tpu.memory_space<vmem>>
    %dma_start3A_208 = tpu.memref_squeeze %dma_start3A_207 : memref<1x64x256xf32, #tpu.memory_space<vmem>> -> memref<64x256xf32, #tpu.memory_space<vmem>>
    %dma_start3A_209 = arith.constant 0 : i32
    %dma_start3A_210 = tpu.memref_slice %arg4[%add3A_203, %dma_start3A_209] : memref<32768x256xf32, #tpu.memory_space<hbm>> -> memref<64x256xf32, #tpu.memory_space<hbm>>
    %dma_start3A_211 = arith.constant 0 : i32
    %dma_start3A_212 = tpu.memref_slice %arg4[%add3A_203, %dma_start3A_211] : memref<32768x256xf32, #tpu.memory_space<hbm>> -> memref<64x256xf32, #tpu.memory_space<hbm>>
    %dma_start3A_213 = arith.constant 0 : i32
    %dma_start3A_214 = arith.constant 0 : i32
    %dma_start3A_215 = tpu.memref_slice %arg8[%dma_start3A_204, %dma_start3A_213, %dma_start3A_214] : memref<4x64x256xf32, #tpu.memory_space<vmem>> -> memref<1x64x256xf32, #tpu.memory_space<vmem>>
    %dma_start3A_216 = tpu.memref_squeeze %dma_start3A_215 : memref<1x64x256xf32, #tpu.memory_space<vmem>> -> memref<64x256xf32, #tpu.memory_space<vmem>>
    tpu.enqueue_dma source(%dma_start3A_216 : memref<64x256xf32, #tpu.memory_space<vmem>>) target(%dma_start3A_212 : memref<64x256xf32, #tpu.memory_space<hbm>>) target_semaphore(%arg15 : memref<!tpu.dma_semaphore, #tpu.memory_space<semaphore_mem>>)
    %dma_wait3A_217 = arith.constant 2 : i32
    %dma_wait3A_218 = arith.constant 0 : i32
    %dma_wait3A_219 = arith.constant 0 : i32
    %dma_wait3A_220 = tpu.memref_slice %arg8[%dma_wait3A_217, %dma_wait3A_218, %dma_wait3A_219] : memref<4x64x256xf32, #tpu.memory_space<vmem>> -> memref<1x64x256xf32, #tpu.memory_space<vmem>>
    %dma_wait3A_221 = tpu.memref_squeeze %dma_wait3A_220 : memref<1x64x256xf32, #tpu.memory_space<vmem>> -> memref<64x256xf32, #tpu.memory_space<vmem>>
    %dma_wait3A_222 = arith.constant 0 : i32
    %dma_wait3A_223 = tpu.memref_slice %arg4[%add3A_203, %dma_wait3A_222] : memref<32768x256xf32, #tpu.memory_space<hbm>> -> memref<64x256xf32, #tpu.memory_space<hbm>>
    %dma_wait3A_224 = arith.constant 0 : i32
    %dma_wait3A_225 = tpu.memref_slice %arg4[%add3A_203, %dma_wait3A_224] : memref<32768x256xf32, #tpu.memory_space<hbm>> -> memref<64x256xf32, #tpu.memory_space<hbm>>
    %dma_wait3A_226 = arith.constant 0 : i32
    %dma_wait3A_227 = arith.constant 0 : i32
    %dma_wait3A_228 = tpu.memref_slice %arg8[%dma_wait3A_217, %dma_wait3A_226, %dma_wait3A_227] : memref<4x64x256xf32, #tpu.memory_space<vmem>> -> memref<1x64x256xf32, #tpu.memory_space<vmem>>
    %dma_wait3A_229 = tpu.memref_squeeze %dma_wait3A_228 : memref<1x64x256xf32, #tpu.memory_space<vmem>> -> memref<64x256xf32, #tpu.memory_space<vmem>>
    tpu.wait_dma2 semaphore(%arg15 : memref<!tpu.dma_semaphore, #tpu.memory_space<semaphore_mem>>) src(%dma_wait3A_229 : memref<64x256xf32, #tpu.memory_space<vmem>>) dst(%dma_wait3A_225 : memref<64x256xf32, #tpu.memory_space<hbm>>)
    %dma_start3A_230 = arith.constant 2 : i32
    %dma_start3A_231 = arith.constant 0 : i32
    %dma_start3A_232 = arith.constant 0 : i32
    %dma_start3A_233 = tpu.memref_slice %arg8[%dma_start3A_230, %dma_start3A_231, %dma_start3A_232] : memref<4x64x256xf32, #tpu.memory_space<vmem>> -> memref<1x64x256xf32, #tpu.memory_space<vmem>>
    %dma_start3A_234 = tpu.memref_squeeze %dma_start3A_233 : memref<1x64x256xf32, #tpu.memory_space<vmem>> -> memref<64x256xf32, #tpu.memory_space<vmem>>
    %dma_start3A_235 = arith.constant 384 : i32
    %dma_start3A_236 = tpu.memref_slice %arg7[%dma_start3A_235] : memref<1024xi32, #tpu.memory_space<vmem>> -> memref<64xi32, #tpu.memory_space<vmem>>
    %dma_start3A_237 = arith.constant 0 : i32
    %dma_start3A_238 = arith.constant 0 : i32
    %dma_start3A_239 = tpu.memref_slice %arg3[%dma_start3A_237, %dma_start3A_238] : memref<32768x256xf32, #tpu.memory_space<hbm>> -> memref<32768x256xf32, #tpu.memory_space<hbm>>
    tpu.enqueue_indirect_dma source(%dma_start3A_239 : memref<32768x256xf32, #tpu.memory_space<hbm>>) target(%dma_start3A_234 : memref<64x256xf32, #tpu.memory_space<vmem>>) offsets(%dma_start3A_236 : memref<64xi32, #tpu.memory_space<vmem>>) semaphore(%arg11 : memref<!tpu.dma_semaphore, #tpu.memory_space<semaphore_mem>>)
    %dma_wait3A_240 = arith.constant 3 : i32
    %dma_wait3A_241 = arith.constant 0 : i32
    %dma_wait3A_242 = arith.constant 0 : i32
    %dma_wait3A_243 = tpu.memref_slice %arg8[%dma_wait3A_240, %dma_wait3A_241, %dma_wait3A_242] : memref<4x64x256xf32, #tpu.memory_space<vmem>> -> memref<1x64x256xf32, #tpu.memory_space<vmem>>
    %dma_wait3A_244 = tpu.memref_squeeze %dma_wait3A_243 : memref<1x64x256xf32, #tpu.memory_space<vmem>> -> memref<64x256xf32, #tpu.memory_space<vmem>>
    %dma_wait3A_245 = arith.constant 192 : i32
    %dma_wait3A_246 = tpu.memref_slice %arg7[%dma_wait3A_245] : memref<1024xi32, #tpu.memory_space<vmem>> -> memref<64xi32, #tpu.memory_space<vmem>>
    %dma_wait3A_247 = arith.constant 0 : i32
    %dma_wait3A_248 = arith.constant 0 : i32
    %dma_wait3A_249 = tpu.memref_slice %arg3[%dma_wait3A_247, %dma_wait3A_248] : memref<32768x256xf32, #tpu.memory_space<hbm>> -> memref<32768x256xf32, #tpu.memory_space<hbm>>
    tpu.wait_indirect_dma semaphore(%arg12 : memref<!tpu.dma_semaphore, #tpu.memory_space<semaphore_mem>>) src(%dma_wait3A_249 : memref<32768x256xf32, #tpu.memory_space<hbm>>) dst(%dma_wait3A_244 : memref<64x256xf32, #tpu.memory_space<vmem>>)
    %add3A_250 = arith.constant 192 : i32
    %add3A_251 = arith.addi %add3A_43, %add3A_250 : i32
    %dma_start3A_252 = arith.constant 3 : i32
    %dma_start3A_253 = arith.constant 0 : i32
    %dma_start3A_254 = arith.constant 0 : i32
    %dma_start3A_255 = tpu.memref_slice %arg8[%dma_start3A_252, %dma_start3A_253, %dma_start3A_254] : memref<4x64x256xf32, #tpu.memory_space<vmem>> -> memref<1x64x256xf32, #tpu.memory_space<vmem>>
    %dma_start3A_256 = tpu.memref_squeeze %dma_start3A_255 : memref<1x64x256xf32, #tpu.memory_space<vmem>> -> memref<64x256xf32, #tpu.memory_space<vmem>>
    %dma_start3A_257 = arith.constant 0 : i32
    %dma_start3A_258 = tpu.memref_slice %arg4[%add3A_251, %dma_start3A_257] : memref<32768x256xf32, #tpu.memory_space<hbm>> -> memref<64x256xf32, #tpu.memory_space<hbm>>
    %dma_start3A_259 = arith.constant 0 : i32
    %dma_start3A_260 = tpu.memref_slice %arg4[%add3A_251, %dma_start3A_259] : memref<32768x256xf32, #tpu.memory_space<hbm>> -> memref<64x256xf32, #tpu.memory_space<hbm>>
    %dma_start3A_261 = arith.constant 0 : i32
    %dma_start3A_262 = arith.constant 0 : i32
    %dma_start3A_263 = tpu.memref_slice %arg8[%dma_start3A_252, %dma_start3A_261, %dma_start3A_262] : memref<4x64x256xf32, #tpu.memory_space<vmem>> -> memref<1x64x256xf32, #tpu.memory_space<vmem>>
    %dma_start3A_264 = tpu.memref_squeeze %dma_start3A_263 : memref<1x64x256xf32, #tpu.memory_space<vmem>> -> memref<64x256xf32, #tpu.memory_space<vmem>>
    tpu.enqueue_dma source(%dma_start3A_264 : memref<64x256xf32, #tpu.memory_space<vmem>>) target(%dma_start3A_260 : memref<64x256xf32, #tpu.memory_space<hbm>>) target_semaphore(%arg16 : memref<!tpu.dma_semaphore, #tpu.memory_space<semaphore_mem>>)
    %dma_wait3A_265 = arith.constant 3 : i32
    %dma_wait3A_266 = arith.constant 0 : i32
    %dma_wait3A_267 = arith.constant 0 : i32
    %dma_wait3A_268 = tpu.memref_slice %arg8[%dma_wait3A_265, %dma_wait3A_266, %dma_wait3A_267] : memref<4x64x256xf32, #tpu.memory_space<vmem>> -> memref<1x64x256xf32, #tpu.memory_space<vmem>>
    %dma_wait3A_269 = tpu.memref_squeeze %dma_wait3A_268 : memref<1x64x256xf32, #tpu.memory_space<vmem>> -> memref<64x256xf32, #tpu.memory_space<vmem>>
    %dma_wait3A_270 = arith.constant 0 : i32
    %dma_wait3A_271 = tpu.memref_slice %arg4[%add3A_251, %dma_wait3A_270] : memref<32768x256xf32, #tpu.memory_space<hbm>> -> memref<64x256xf32, #tpu.memory_space<hbm>>
    %dma_wait3A_272 = arith.constant 0 : i32
    %dma_wait3A_273 = tpu.memref_slice %arg4[%add3A_251, %dma_wait3A_272] : memref<32768x256xf32, #tpu.memory_space<hbm>> -> memref<64x256xf32, #tpu.memory_space<hbm>>
    %dma_wait3A_274 = arith.constant 0 : i32
    %dma_wait3A_275 = arith.constant 0 : i32
    %dma_wait3A_276 = tpu.memref_slice %arg8[%dma_wait3A_265, %dma_wait3A_274, %dma_wait3A_275] : memref<4x64x256xf32, #tpu.memory_space<vmem>> -> memref<1x64x256xf32, #tpu.memory_space<vmem>>
    %dma_wait3A_277 = tpu.memref_squeeze %dma_wait3A_276 : memref<1x64x256xf32, #tpu.memory_space<vmem>> -> memref<64x256xf32, #tpu.memory_space<vmem>>
    tpu.wait_dma2 semaphore(%arg16 : memref<!tpu.dma_semaphore, #tpu.memory_space<semaphore_mem>>) src(%dma_wait3A_277 : memref<64x256xf32, #tpu.memory_space<vmem>>) dst(%dma_wait3A_273 : memref<64x256xf32, #tpu.memory_space<hbm>>)
    %dma_start3A_278 = arith.constant 3 : i32
    %dma_start3A_279 = arith.constant 0 : i32
    %dma_start3A_280 = arith.constant 0 : i32
    %dma_start3A_281 = tpu.memref_slice %arg8[%dma_start3A_278, %dma_start3A_279, %dma_start3A_280] : memref<4x64x256xf32, #tpu.memory_space<vmem>> -> memref<1x64x256xf32, #tpu.memory_space<vmem>>
    %dma_start3A_282 = tpu.memref_squeeze %dma_start3A_281 : memref<1x64x256xf32, #tpu.memory_space<vmem>> -> memref<64x256xf32, #tpu.memory_space<vmem>>
    %dma_start3A_283 = arith.constant 448 : i32
    %dma_start3A_284 = tpu.memref_slice %arg7[%dma_start3A_283] : memref<1024xi32, #tpu.memory_space<vmem>> -> memref<64xi32, #tpu.memory_space<vmem>>
    %dma_start3A_285 = arith.constant 0 : i32
    %dma_start3A_286 = arith.constant 0 : i32
    %dma_start3A_287 = tpu.memref_slice %arg3[%dma_start3A_285, %dma_start3A_286] : memref<32768x256xf32, #tpu.memory_space<hbm>> -> memref<32768x256xf32, #tpu.memory_space<hbm>>
    tpu.enqueue_indirect_dma source(%dma_start3A_287 : memref<32768x256xf32, #tpu.memory_space<hbm>>) target(%dma_start3A_282 : memref<64x256xf32, #tpu.memory_space<vmem>>) offsets(%dma_start3A_284 : memref<64xi32, #tpu.memory_space<vmem>>) semaphore(%arg12 : memref<!tpu.dma_semaphore, #tpu.memory_space<semaphore_mem>>)
    %dma_wait3A_288 = arith.constant 0 : i32
    %dma_wait3A_289 = arith.constant 0 : i32
    %dma_wait3A_290 = arith.constant 0 : i32
    %dma_wait3A_291 = tpu.memref_slice %arg8[%dma_wait3A_288, %dma_wait3A_289, %dma_wait3A_290] : memref<4x64x256xf32, #tpu.memory_space<vmem>> -> memref<1x64x256xf32, #tpu.memory_space<vmem>>
    %dma_wait3A_292 = tpu.memref_squeeze %dma_wait3A_291 : memref<1x64x256xf32, #tpu.memory_space<vmem>> -> memref<64x256xf32, #tpu.memory_space<vmem>>
    %dma_wait3A_293 = arith.constant 256 : i32
    %dma_wait3A_294 = tpu.memref_slice %arg7[%dma_wait3A_293] : memref<1024xi32, #tpu.memory_space<vmem>> -> memref<64xi32, #tpu.memory_space<vmem>>
    %dma_wait3A_295 = arith.constant 0 : i32
    %dma_wait3A_296 = arith.constant 0 : i32
    %dma_wait3A_297 = tpu.memref_slice %arg3[%dma_wait3A_295, %dma_wait3A_296] : memref<32768x256xf32, #tpu.memory_space<hbm>> -> memref<32768x256xf32, #tpu.memory_space<hbm>>
    tpu.wait_indirect_dma semaphore(%arg9 : memref<!tpu.dma_semaphore, #tpu.memory_space<semaphore_mem>>) src(%dma_wait3A_297 : memref<32768x256xf32, #tpu.memory_space<hbm>>) dst(%dma_wait3A_292 : memref<64x256xf32, #tpu.memory_space<vmem>>)
    %add3A_298 = arith.constant 256 : i32
    %add3A_299 = arith.addi %add3A_43, %add3A_298 : i32
    %dma_start3A_300 = arith.constant 0 : i32
    %dma_start3A_301 = arith.constant 0 : i32
    %dma_start3A_302 = arith.constant 0 : i32
    %dma_start3A_303 = tpu.memref_slice %arg8[%dma_start3A_300, %dma_start3A_301, %dma_start3A_302] : memref<4x64x256xf32, #tpu.memory_space<vmem>> -> memref<1x64x256xf32, #tpu.memory_space<vmem>>
    %dma_start3A_304 = tpu.memref_squeeze %dma_start3A_303 : memref<1x64x256xf32, #tpu.memory_space<vmem>> -> memref<64x256xf32, #tpu.memory_space<vmem>>
    %dma_start3A_305 = arith.constant 0 : i32
    %dma_start3A_306 = tpu.memref_slice %arg4[%add3A_299, %dma_start3A_305] : memref<32768x256xf32, #tpu.memory_space<hbm>> -> memref<64x256xf32, #tpu.memory_space<hbm>>
    %dma_start3A_307 = arith.constant 0 : i32
    %dma_start3A_308 = tpu.memref_slice %arg4[%add3A_299, %dma_start3A_307] : memref<32768x256xf32, #tpu.memory_space<hbm>> -> memref<64x256xf32, #tpu.memory_space<hbm>>
    %dma_start3A_309 = arith.constant 0 : i32
    %dma_start3A_310 = arith.constant 0 : i32
    %dma_start3A_311 = tpu.memref_slice %arg8[%dma_start3A_300, %dma_start3A_309, %dma_start3A_310] : memref<4x64x256xf32, #tpu.memory_space<vmem>> -> memref<1x64x256xf32, #tpu.memory_space<vmem>>
    %dma_start3A_312 = tpu.memref_squeeze %dma_start3A_311 : memref<1x64x256xf32, #tpu.memory_space<vmem>> -> memref<64x256xf32, #tpu.memory_space<vmem>>
    tpu.enqueue_dma source(%dma_start3A_312 : memref<64x256xf32, #tpu.memory_space<vmem>>) target(%dma_start3A_308 : memref<64x256xf32, #tpu.memory_space<hbm>>) target_semaphore(%arg13 : memref<!tpu.dma_semaphore, #tpu.memory_space<semaphore_mem>>)
    %dma_wait3A_313 = arith.constant 0 : i32
    %dma_wait3A_314 = arith.constant 0 : i32
    %dma_wait3A_315 = arith.constant 0 : i32
    %dma_wait3A_316 = tpu.memref_slice %arg8[%dma_wait3A_313, %dma_wait3A_314, %dma_wait3A_315] : memref<4x64x256xf32, #tpu.memory_space<vmem>> -> memref<1x64x256xf32, #tpu.memory_space<vmem>>
    %dma_wait3A_317 = tpu.memref_squeeze %dma_wait3A_316 : memref<1x64x256xf32, #tpu.memory_space<vmem>> -> memref<64x256xf32, #tpu.memory_space<vmem>>
    %dma_wait3A_318 = arith.constant 0 : i32
    %dma_wait3A_319 = tpu.memref_slice %arg4[%add3A_299, %dma_wait3A_318] : memref<32768x256xf32, #tpu.memory_space<hbm>> -> memref<64x256xf32, #tpu.memory_space<hbm>>
    %dma_wait3A_320 = arith.constant 0 : i32
    %dma_wait3A_321 = tpu.memref_slice %arg4[%add3A_299, %dma_wait3A_320] : memref<32768x256xf32, #tpu.memory_space<hbm>> -> memref<64x256xf32, #tpu.memory_space<hbm>>
    %dma_wait3A_322 = arith.constant 0 : i32
    %dma_wait3A_323 = arith.constant 0 : i32
    %dma_wait3A_324 = tpu.memref_slice %arg8[%dma_wait3A_313, %dma_wait3A_322, %dma_wait3A_323] : memref<4x64x256xf32, #tpu.memory_space<vmem>> -> memref<1x64x256xf32, #tpu.memory_space<vmem>>
    %dma_wait3A_325 = tpu.memref_squeeze %dma_wait3A_324 : memref<1x64x256xf32, #tpu.memory_space<vmem>> -> memref<64x256xf32, #tpu.memory_space<vmem>>
    tpu.wait_dma2 semaphore(%arg13 : memref<!tpu.dma_semaphore, #tpu.memory_space<semaphore_mem>>) src(%dma_wait3A_325 : memref<64x256xf32, #tpu.memory_space<vmem>>) dst(%dma_wait3A_321 : memref<64x256xf32, #tpu.memory_space<hbm>>)
    %dma_start3A_326 = arith.constant 0 : i32
    %dma_start3A_327 = arith.constant 0 : i32
    %dma_start3A_328 = arith.constant 0 : i32
    %dma_start3A_329 = tpu.memref_slice %arg8[%dma_start3A_326, %dma_start3A_327, %dma_start3A_328] : memref<4x64x256xf32, #tpu.memory_space<vmem>> -> memref<1x64x256xf32, #tpu.memory_space<vmem>>
    %dma_start3A_330 = tpu.memref_squeeze %dma_start3A_329 : memref<1x64x256xf32, #tpu.memory_space<vmem>> -> memref<64x256xf32, #tpu.memory_space<vmem>>
    %dma_start3A_331 = arith.constant 512 : i32
    %dma_start3A_332 = tpu.memref_slice %arg7[%dma_start3A_331] : memref<1024xi32, #tpu.memory_space<vmem>> -> memref<64xi32, #tpu.memory_space<vmem>>
    %dma_start3A_333 = arith.constant 0 : i32
    %dma_start3A_334 = arith.constant 0 : i32
    %dma_start3A_335 = tpu.memref_slice %arg3[%dma_start3A_333, %dma_start3A_334] : memref<32768x256xf32, #tpu.memory_space<hbm>> -> memref<32768x256xf32, #tpu.memory_space<hbm>>
    tpu.enqueue_indirect_dma source(%dma_start3A_335 : memref<32768x256xf32, #tpu.memory_space<hbm>>) target(%dma_start3A_330 : memref<64x256xf32, #tpu.memory_space<vmem>>) offsets(%dma_start3A_332 : memref<64xi32, #tpu.memory_space<vmem>>) semaphore(%arg9 : memref<!tpu.dma_semaphore, #tpu.memory_space<semaphore_mem>>)
    %dma_wait3A_336 = arith.constant 1 : i32
    %dma_wait3A_337 = arith.constant 0 : i32
    %dma_wait3A_338 = arith.constant 0 : i32
    %dma_wait3A_339 = tpu.memref_slice %arg8[%dma_wait3A_336, %dma_wait3A_337, %dma_wait3A_338] : memref<4x64x256xf32, #tpu.memory_space<vmem>> -> memref<1x64x256xf32, #tpu.memory_space<vmem>>
    %dma_wait3A_340 = tpu.memref_squeeze %dma_wait3A_339 : memref<1x64x256xf32, #tpu.memory_space<vmem>> -> memref<64x256xf32, #tpu.memory_space<vmem>>
    %dma_wait3A_341 = arith.constant 320 : i32
    %dma_wait3A_342 = tpu.memref_slice %arg7[%dma_wait3A_341] : memref<1024xi32, #tpu.memory_space<vmem>> -> memref<64xi32, #tpu.memory_space<vmem>>
    %dma_wait3A_343 = arith.constant 0 : i32
    %dma_wait3A_344 = arith.constant 0 : i32
    %dma_wait3A_345 = tpu.memref_slice %arg3[%dma_wait3A_343, %dma_wait3A_344] : memref<32768x256xf32, #tpu.memory_space<hbm>> -> memref<32768x256xf32, #tpu.memory_space<hbm>>
    tpu.wait_indirect_dma semaphore(%arg10 : memref<!tpu.dma_semaphore, #tpu.memory_space<semaphore_mem>>) src(%dma_wait3A_345 : memref<32768x256xf32, #tpu.memory_space<hbm>>) dst(%dma_wait3A_340 : memref<64x256xf32, #tpu.memory_space<vmem>>)
    %add3A_346 = arith.constant 320 : i32
    %add3A_347 = arith.addi %add3A_43, %add3A_346 : i32
    %dma_start3A_348 = arith.constant 1 : i32
    %dma_start3A_349 = arith.constant 0 : i32
    %dma_start3A_350 = arith.constant 0 : i32
    %dma_start3A_351 = tpu.memref_slice %arg8[%dma_start3A_348, %dma_start3A_349, %dma_start3A_350] : memref<4x64x256xf32, #tpu.memory_space<vmem>> -> memref<1x64x256xf32, #tpu.memory_space<vmem>>
    %dma_start3A_352 = tpu.memref_squeeze %dma_start3A_351 : memref<1x64x256xf32, #tpu.memory_space<vmem>> -> memref<64x256xf32, #tpu.memory_space<vmem>>
    %dma_start3A_353 = arith.constant 0 : i32
    %dma_start3A_354 = tpu.memref_slice %arg4[%add3A_347, %dma_start3A_353] : memref<32768x256xf32, #tpu.memory_space<hbm>> -> memref<64x256xf32, #tpu.memory_space<hbm>>
    %dma_start3A_355 = arith.constant 0 : i32
    %dma_start3A_356 = tpu.memref_slice %arg4[%add3A_347, %dma_start3A_355] : memref<32768x256xf32, #tpu.memory_space<hbm>> -> memref<64x256xf32, #tpu.memory_space<hbm>>
    %dma_start3A_357 = arith.constant 0 : i32
    %dma_start3A_358 = arith.constant 0 : i32
    %dma_start3A_359 = tpu.memref_slice %arg8[%dma_start3A_348, %dma_start3A_357, %dma_start3A_358] : memref<4x64x256xf32, #tpu.memory_space<vmem>> -> memref<1x64x256xf32, #tpu.memory_space<vmem>>
    %dma_start3A_360 = tpu.memref_squeeze %dma_start3A_359 : memref<1x64x256xf32, #tpu.memory_space<vmem>> -> memref<64x256xf32, #tpu.memory_space<vmem>>
    tpu.enqueue_dma source(%dma_start3A_360 : memref<64x256xf32, #tpu.memory_space<vmem>>) target(%dma_start3A_356 : memref<64x256xf32, #tpu.memory_space<hbm>>) target_semaphore(%arg14 : memref<!tpu.dma_semaphore, #tpu.memory_space<semaphore_mem>>)
    %dma_wait3A_361 = arith.constant 1 : i32
    %dma_wait3A_362 = arith.constant 0 : i32
    %dma_wait3A_363 = arith.constant 0 : i32
    %dma_wait3A_364 = tpu.memref_slice %arg8[%dma_wait3A_361, %dma_wait3A_362, %dma_wait3A_363] : memref<4x64x256xf32, #tpu.memory_space<vmem>> -> memref<1x64x256xf32, #tpu.memory_space<vmem>>
    %dma_wait3A_365 = tpu.memref_squeeze %dma_wait3A_364 : memref<1x64x256xf32, #tpu.memory_space<vmem>> -> memref<64x256xf32, #tpu.memory_space<vmem>>
    %dma_wait3A_366 = arith.constant 0 : i32
    %dma_wait3A_367 = tpu.memref_slice %arg4[%add3A_347, %dma_wait3A_366] : memref<32768x256xf32, #tpu.memory_space<hbm>> -> memref<64x256xf32, #tpu.memory_space<hbm>>
    %dma_wait3A_368 = arith.constant 0 : i32
    %dma_wait3A_369 = tpu.memref_slice %arg4[%add3A_347, %dma_wait3A_368] : memref<32768x256xf32, #tpu.memory_space<hbm>> -> memref<64x256xf32, #tpu.memory_space<hbm>>
    %dma_wait3A_370 = arith.constant 0 : i32
    %dma_wait3A_371 = arith.constant 0 : i32
    %dma_wait3A_372 = tpu.memref_slice %arg8[%dma_wait3A_361, %dma_wait3A_370, %dma_wait3A_371] : memref<4x64x256xf32, #tpu.memory_space<vmem>> -> memref<1x64x256xf32, #tpu.memory_space<vmem>>
    %dma_wait3A_373 = tpu.memref_squeeze %dma_wait3A_372 : memref<1x64x256xf32, #tpu.memory_space<vmem>> -> memref<64x256xf32, #tpu.memory_space<vmem>>
    tpu.wait_dma2 semaphore(%arg14 : memref<!tpu.dma_semaphore, #tpu.memory_space<semaphore_mem>>) src(%dma_wait3A_373 : memref<64x256xf32, #tpu.memory_space<vmem>>) dst(%dma_wait3A_369 : memref<64x256xf32, #tpu.memory_space<hbm>>)
    %dma_start3A_374 = arith.constant 1 : i32
    %dma_start3A_375 = arith.constant 0 : i32
    %dma_start3A_376 = arith.constant 0 : i32
    %dma_start3A_377 = tpu.memref_slice %arg8[%dma_start3A_374, %dma_start3A_375, %dma_start3A_376] : memref<4x64x256xf32, #tpu.memory_space<vmem>> -> memref<1x64x256xf32, #tpu.memory_space<vmem>>
    %dma_start3A_378 = tpu.memref_squeeze %dma_start3A_377 : memref<1x64x256xf32, #tpu.memory_space<vmem>> -> memref<64x256xf32, #tpu.memory_space<vmem>>
    %dma_start3A_379 = arith.constant 576 : i32
    %dma_start3A_380 = tpu.memref_slice %arg7[%dma_start3A_379] : memref<1024xi32, #tpu.memory_space<vmem>> -> memref<64xi32, #tpu.memory_space<vmem>>
    %dma_start3A_381 = arith.constant 0 : i32
    %dma_start3A_382 = arith.constant 0 : i32
    %dma_start3A_383 = tpu.memref_slice %arg3[%dma_start3A_381, %dma_start3A_382] : memref<32768x256xf32, #tpu.memory_space<hbm>> -> memref<32768x256xf32, #tpu.memory_space<hbm>>
    tpu.enqueue_indirect_dma source(%dma_start3A_383 : memref<32768x256xf32, #tpu.memory_space<hbm>>) target(%dma_start3A_378 : memref<64x256xf32, #tpu.memory_space<vmem>>) offsets(%dma_start3A_380 : memref<64xi32, #tpu.memory_space<vmem>>) semaphore(%arg10 : memref<!tpu.dma_semaphore, #tpu.memory_space<semaphore_mem>>)
    %dma_wait3A_384 = arith.constant 2 : i32
    %dma_wait3A_385 = arith.constant 0 : i32
    %dma_wait3A_386 = arith.constant 0 : i32
    %dma_wait3A_387 = tpu.memref_slice %arg8[%dma_wait3A_384, %dma_wait3A_385, %dma_wait3A_386] : memref<4x64x256xf32, #tpu.memory_space<vmem>> -> memref<1x64x256xf32, #tpu.memory_space<vmem>>
    %dma_wait3A_388 = tpu.memref_squeeze %dma_wait3A_387 : memref<1x64x256xf32, #tpu.memory_space<vmem>> -> memref<64x256xf32, #tpu.memory_space<vmem>>
    %dma_wait3A_389 = arith.constant 384 : i32
    %dma_wait3A_390 = tpu.memref_slice %arg7[%dma_wait3A_389] : memref<1024xi32, #tpu.memory_space<vmem>> -> memref<64xi32, #tpu.memory_space<vmem>>
    %dma_wait3A_391 = arith.constant 0 : i32
    %dma_wait3A_392 = arith.constant 0 : i32
    %dma_wait3A_393 = tpu.memref_slice %arg3[%dma_wait3A_391, %dma_wait3A_392] : memref<32768x256xf32, #tpu.memory_space<hbm>> -> memref<32768x256xf32, #tpu.memory_space<hbm>>
    tpu.wait_indirect_dma semaphore(%arg11 : memref<!tpu.dma_semaphore, #tpu.memory_space<semaphore_mem>>) src(%dma_wait3A_393 : memref<32768x256xf32, #tpu.memory_space<hbm>>) dst(%dma_wait3A_388 : memref<64x256xf32, #tpu.memory_space<vmem>>)
    %add3A_394 = arith.constant 384 : i32
    %add3A_395 = arith.addi %add3A_43, %add3A_394 : i32
    %dma_start3A_396 = arith.constant 2 : i32
    %dma_start3A_397 = arith.constant 0 : i32
    %dma_start3A_398 = arith.constant 0 : i32
    %dma_start3A_399 = tpu.memref_slice %arg8[%dma_start3A_396, %dma_start3A_397, %dma_start3A_398] : memref<4x64x256xf32, #tpu.memory_space<vmem>> -> memref<1x64x256xf32, #tpu.memory_space<vmem>>
    %dma_start3A_400 = tpu.memref_squeeze %dma_start3A_399 : memref<1x64x256xf32, #tpu.memory_space<vmem>> -> memref<64x256xf32, #tpu.memory_space<vmem>>
    %dma_start3A_401 = arith.constant 0 : i32
    %dma_start3A_402 = tpu.memref_slice %arg4[%add3A_395, %dma_start3A_401] : memref<32768x256xf32, #tpu.memory_space<hbm>> -> memref<64x256xf32, #tpu.memory_space<hbm>>
    %dma_start3A_403 = arith.constant 0 : i32
    %dma_start3A_404 = tpu.memref_slice %arg4[%add3A_395, %dma_start3A_403] : memref<32768x256xf32, #tpu.memory_space<hbm>> -> memref<64x256xf32, #tpu.memory_space<hbm>>
    %dma_start3A_405 = arith.constant 0 : i32
    %dma_start3A_406 = arith.constant 0 : i32
    %dma_start3A_407 = tpu.memref_slice %arg8[%dma_start3A_396, %dma_start3A_405, %dma_start3A_406] : memref<4x64x256xf32, #tpu.memory_space<vmem>> -> memref<1x64x256xf32, #tpu.memory_space<vmem>>
    %dma_start3A_408 = tpu.memref_squeeze %dma_start3A_407 : memref<1x64x256xf32, #tpu.memory_space<vmem>> -> memref<64x256xf32, #tpu.memory_space<vmem>>
    tpu.enqueue_dma source(%dma_start3A_408 : memref<64x256xf32, #tpu.memory_space<vmem>>) target(%dma_start3A_404 : memref<64x256xf32, #tpu.memory_space<hbm>>) target_semaphore(%arg15 : memref<!tpu.dma_semaphore, #tpu.memory_space<semaphore_mem>>)
    %dma_wait3A_409 = arith.constant 2 : i32
    %dma_wait3A_410 = arith.constant 0 : i32
    %dma_wait3A_411 = arith.constant 0 : i32
    %dma_wait3A_412 = tpu.memref_slice %arg8[%dma_wait3A_409, %dma_wait3A_410, %dma_wait3A_411] : memref<4x64x256xf32, #tpu.memory_space<vmem>> -> memref<1x64x256xf32, #tpu.memory_space<vmem>>
    %dma_wait3A_413 = tpu.memref_squeeze %dma_wait3A_412 : memref<1x64x256xf32, #tpu.memory_space<vmem>> -> memref<64x256xf32, #tpu.memory_space<vmem>>
    %dma_wait3A_414 = arith.constant 0 : i32
    %dma_wait3A_415 = tpu.memref_slice %arg4[%add3A_395, %dma_wait3A_414] : memref<32768x256xf32, #tpu.memory_space<hbm>> -> memref<64x256xf32, #tpu.memory_space<hbm>>
    %dma_wait3A_416 = arith.constant 0 : i32
    %dma_wait3A_417 = tpu.memref_slice %arg4[%add3A_395, %dma_wait3A_416] : memref<32768x256xf32, #tpu.memory_space<hbm>> -> memref<64x256xf32, #tpu.memory_space<hbm>>
    %dma_wait3A_418 = arith.constant 0 : i32
    %dma_wait3A_419 = arith.constant 0 : i32
    %dma_wait3A_420 = tpu.memref_slice %arg8[%dma_wait3A_409, %dma_wait3A_418, %dma_wait3A_419] : memref<4x64x256xf32, #tpu.memory_space<vmem>> -> memref<1x64x256xf32, #tpu.memory_space<vmem>>
    %dma_wait3A_421 = tpu.memref_squeeze %dma_wait3A_420 : memref<1x64x256xf32, #tpu.memory_space<vmem>> -> memref<64x256xf32, #tpu.memory_space<vmem>>
    tpu.wait_dma2 semaphore(%arg15 : memref<!tpu.dma_semaphore, #tpu.memory_space<semaphore_mem>>) src(%dma_wait3A_421 : memref<64x256xf32, #tpu.memory_space<vmem>>) dst(%dma_wait3A_417 : memref<64x256xf32, #tpu.memory_space<hbm>>)
    %dma_start3A_422 = arith.constant 2 : i32
    %dma_start3A_423 = arith.constant 0 : i32
    %dma_start3A_424 = arith.constant 0 : i32
    %dma_start3A_425 = tpu.memref_slice %arg8[%dma_start3A_422, %dma_start3A_423, %dma_start3A_424] : memref<4x64x256xf32, #tpu.memory_space<vmem>> -> memref<1x64x256xf32, #tpu.memory_space<vmem>>
    %dma_start3A_426 = tpu.memref_squeeze %dma_start3A_425 : memref<1x64x256xf32, #tpu.memory_space<vmem>> -> memref<64x256xf32, #tpu.memory_space<vmem>>
    %dma_start3A_427 = arith.constant 640 : i32
    %dma_start3A_428 = tpu.memref_slice %arg7[%dma_start3A_427] : memref<1024xi32, #tpu.memory_space<vmem>> -> memref<64xi32, #tpu.memory_space<vmem>>
    %dma_start3A_429 = arith.constant 0 : i32
    %dma_start3A_430 = arith.constant 0 : i32
    %dma_start3A_431 = tpu.memref_slice %arg3[%dma_start3A_429, %dma_start3A_430] : memref<32768x256xf32, #tpu.memory_space<hbm>> -> memref<32768x256xf32, #tpu.memory_space<hbm>>
    tpu.enqueue_indirect_dma source(%dma_start3A_431 : memref<32768x256xf32, #tpu.memory_space<hbm>>) target(%dma_start3A_426 : memref<64x256xf32, #tpu.memory_space<vmem>>) offsets(%dma_start3A_428 : memref<64xi32, #tpu.memory_space<vmem>>) semaphore(%arg11 : memref<!tpu.dma_semaphore, #tpu.memory_space<semaphore_mem>>)
    %dma_wait3A_432 = arith.constant 3 : i32
    %dma_wait3A_433 = arith.constant 0 : i32
    %dma_wait3A_434 = arith.constant 0 : i32
    %dma_wait3A_435 = tpu.memref_slice %arg8[%dma_wait3A_432, %dma_wait3A_433, %dma_wait3A_434] : memref<4x64x256xf32, #tpu.memory_space<vmem>> -> memref<1x64x256xf32, #tpu.memory_space<vmem>>
    %dma_wait3A_436 = tpu.memref_squeeze %dma_wait3A_435 : memref<1x64x256xf32, #tpu.memory_space<vmem>> -> memref<64x256xf32, #tpu.memory_space<vmem>>
    %dma_wait3A_437 = arith.constant 448 : i32
    %dma_wait3A_438 = tpu.memref_slice %arg7[%dma_wait3A_437] : memref<1024xi32, #tpu.memory_space<vmem>> -> memref<64xi32, #tpu.memory_space<vmem>>
    %dma_wait3A_439 = arith.constant 0 : i32
    %dma_wait3A_440 = arith.constant 0 : i32
    %dma_wait3A_441 = tpu.memref_slice %arg3[%dma_wait3A_439, %dma_wait3A_440] : memref<32768x256xf32, #tpu.memory_space<hbm>> -> memref<32768x256xf32, #tpu.memory_space<hbm>>
    tpu.wait_indirect_dma semaphore(%arg12 : memref<!tpu.dma_semaphore, #tpu.memory_space<semaphore_mem>>) src(%dma_wait3A_441 : memref<32768x256xf32, #tpu.memory_space<hbm>>) dst(%dma_wait3A_436 : memref<64x256xf32, #tpu.memory_space<vmem>>)
    %add3A_442 = arith.constant 448 : i32
    %add3A_443 = arith.addi %add3A_43, %add3A_442 : i32
    %dma_start3A_444 = arith.constant 3 : i32
    %dma_start3A_445 = arith.constant 0 : i32
    %dma_start3A_446 = arith.constant 0 : i32
    %dma_start3A_447 = tpu.memref_slice %arg8[%dma_start3A_444, %dma_start3A_445, %dma_start3A_446] : memref<4x64x256xf32, #tpu.memory_space<vmem>> -> memref<1x64x256xf32, #tpu.memory_space<vmem>>
    %dma_start3A_448 = tpu.memref_squeeze %dma_start3A_447 : memref<1x64x256xf32, #tpu.memory_space<vmem>> -> memref<64x256xf32, #tpu.memory_space<vmem>>
    %dma_start3A_449 = arith.constant 0 : i32
    %dma_start3A_450 = tpu.memref_slice %arg4[%add3A_443, %dma_start3A_449] : memref<32768x256xf32, #tpu.memory_space<hbm>> -> memref<64x256xf32, #tpu.memory_space<hbm>>
    %dma_start3A_451 = arith.constant 0 : i32
    %dma_start3A_452 = tpu.memref_slice %arg4[%add3A_443, %dma_start3A_451] : memref<32768x256xf32, #tpu.memory_space<hbm>> -> memref<64x256xf32, #tpu.memory_space<hbm>>
    %dma_start3A_453 = arith.constant 0 : i32
    %dma_start3A_454 = arith.constant 0 : i32
    %dma_start3A_455 = tpu.memref_slice %arg8[%dma_start3A_444, %dma_start3A_453, %dma_start3A_454] : memref<4x64x256xf32, #tpu.memory_space<vmem>> -> memref<1x64x256xf32, #tpu.memory_space<vmem>>
    %dma_start3A_456 = tpu.memref_squeeze %dma_start3A_455 : memref<1x64x256xf32, #tpu.memory_space<vmem>> -> memref<64x256xf32, #tpu.memory_space<vmem>>
    tpu.enqueue_dma source(%dma_start3A_456 : memref<64x256xf32, #tpu.memory_space<vmem>>) target(%dma_start3A_452 : memref<64x256xf32, #tpu.memory_space<hbm>>) target_semaphore(%arg16 : memref<!tpu.dma_semaphore, #tpu.memory_space<semaphore_mem>>)
    %dma_wait3A_457 = arith.constant 3 : i32
    %dma_wait3A_458 = arith.constant 0 : i32
    %dma_wait3A_459 = arith.constant 0 : i32
    %dma_wait3A_460 = tpu.memref_slice %arg8[%dma_wait3A_457, %dma_wait3A_458, %dma_wait3A_459] : memref<4x64x256xf32, #tpu.memory_space<vmem>> -> memref<1x64x256xf32, #tpu.memory_space<vmem>>
    %dma_wait3A_461 = tpu.memref_squeeze %dma_wait3A_460 : memref<1x64x256xf32, #tpu.memory_space<vmem>> -> memref<64x256xf32, #tpu.memory_space<vmem>>
    %dma_wait3A_462 = arith.constant 0 : i32
    %dma_wait3A_463 = tpu.memref_slice %arg4[%add3A_443, %dma_wait3A_462] : memref<32768x256xf32, #tpu.memory_space<hbm>> -> memref<64x256xf32, #tpu.memory_space<hbm>>
    %dma_wait3A_464 = arith.constant 0 : i32
    %dma_wait3A_465 = tpu.memref_slice %arg4[%add3A_443, %dma_wait3A_464] : memref<32768x256xf32, #tpu.memory_space<hbm>> -> memref<64x256xf32, #tpu.memory_space<hbm>>
    %dma_wait3A_466 = arith.constant 0 : i32
    %dma_wait3A_467 = arith.constant 0 : i32
    %dma_wait3A_468 = tpu.memref_slice %arg8[%dma_wait3A_457, %dma_wait3A_466, %dma_wait3A_467] : memref<4x64x256xf32, #tpu.memory_space<vmem>> -> memref<1x64x256xf32, #tpu.memory_space<vmem>>
    %dma_wait3A_469 = tpu.memref_squeeze %dma_wait3A_468 : memref<1x64x256xf32, #tpu.memory_space<vmem>> -> memref<64x256xf32, #tpu.memory_space<vmem>>
    tpu.wait_dma2 semaphore(%arg16 : memref<!tpu.dma_semaphore, #tpu.memory_space<semaphore_mem>>) src(%dma_wait3A_469 : memref<64x256xf32, #tpu.memory_space<vmem>>) dst(%dma_wait3A_465 : memref<64x256xf32, #tpu.memory_space<hbm>>)
    %dma_start3A_470 = arith.constant 3 : i32
    %dma_start3A_471 = arith.constant 0 : i32
    %dma_start3A_472 = arith.constant 0 : i32
    %dma_start3A_473 = tpu.memref_slice %arg8[%dma_start3A_470, %dma_start3A_471, %dma_start3A_472] : memref<4x64x256xf32, #tpu.memory_space<vmem>> -> memref<1x64x256xf32, #tpu.memory_space<vmem>>
    %dma_start3A_474 = tpu.memref_squeeze %dma_start3A_473 : memref<1x64x256xf32, #tpu.memory_space<vmem>> -> memref<64x256xf32, #tpu.memory_space<vmem>>
    %dma_start3A_475 = arith.constant 704 : i32
    %dma_start3A_476 = tpu.memref_slice %arg7[%dma_start3A_475] : memref<1024xi32, #tpu.memory_space<vmem>> -> memref<64xi32, #tpu.memory_space<vmem>>
    %dma_start3A_477 = arith.constant 0 : i32
    %dma_start3A_478 = arith.constant 0 : i32
    %dma_start3A_479 = tpu.memref_slice %arg3[%dma_start3A_477, %dma_start3A_478] : memref<32768x256xf32, #tpu.memory_space<hbm>> -> memref<32768x256xf32, #tpu.memory_space<hbm>>
    tpu.enqueue_indirect_dma source(%dma_start3A_479 : memref<32768x256xf32, #tpu.memory_space<hbm>>) target(%dma_start3A_474 : memref<64x256xf32, #tpu.memory_space<vmem>>) offsets(%dma_start3A_476 : memref<64xi32, #tpu.memory_space<vmem>>) semaphore(%arg12 : memref<!tpu.dma_semaphore, #tpu.memory_space<semaphore_mem>>)
    %dma_wait3A_480 = arith.constant 0 : i32
    %dma_wait3A_481 = arith.constant 0 : i32
    %dma_wait3A_482 = arith.constant 0 : i32
    %dma_wait3A_483 = tpu.memref_slice %arg8[%dma_wait3A_480, %dma_wait3A_481, %dma_wait3A_482] : memref<4x64x256xf32, #tpu.memory_space<vmem>> -> memref<1x64x256xf32, #tpu.memory_space<vmem>>
    %dma_wait3A_484 = tpu.memref_squeeze %dma_wait3A_483 : memref<1x64x256xf32, #tpu.memory_space<vmem>> -> memref<64x256xf32, #tpu.memory_space<vmem>>
    %dma_wait3A_485 = arith.constant 512 : i32
    %dma_wait3A_486 = tpu.memref_slice %arg7[%dma_wait3A_485] : memref<1024xi32, #tpu.memory_space<vmem>> -> memref<64xi32, #tpu.memory_space<vmem>>
    %dma_wait3A_487 = arith.constant 0 : i32
    %dma_wait3A_488 = arith.constant 0 : i32
    %dma_wait3A_489 = tpu.memref_slice %arg3[%dma_wait3A_487, %dma_wait3A_488] : memref<32768x256xf32, #tpu.memory_space<hbm>> -> memref<32768x256xf32, #tpu.memory_space<hbm>>
    tpu.wait_indirect_dma semaphore(%arg9 : memref<!tpu.dma_semaphore, #tpu.memory_space<semaphore_mem>>) src(%dma_wait3A_489 : memref<32768x256xf32, #tpu.memory_space<hbm>>) dst(%dma_wait3A_484 : memref<64x256xf32, #tpu.memory_space<vmem>>)
    %add3A_490 = arith.constant 512 : i32
    %add3A_491 = arith.addi %add3A_43, %add3A_490 : i32
    %dma_start3A_492 = arith.constant 0 : i32
    %dma_start3A_493 = arith.constant 0 : i32
    %dma_start3A_494 = arith.constant 0 : i32
    %dma_start3A_495 = tpu.memref_slice %arg8[%dma_start3A_492, %dma_start3A_493, %dma_start3A_494] : memref<4x64x256xf32, #tpu.memory_space<vmem>> -> memref<1x64x256xf32, #tpu.memory_space<vmem>>
    %dma_start3A_496 = tpu.memref_squeeze %dma_start3A_495 : memref<1x64x256xf32, #tpu.memory_space<vmem>> -> memref<64x256xf32, #tpu.memory_space<vmem>>
    %dma_start3A_497 = arith.constant 0 : i32
    %dma_start3A_498 = tpu.memref_slice %arg4[%add3A_491, %dma_start3A_497] : memref<32768x256xf32, #tpu.memory_space<hbm>> -> memref<64x256xf32, #tpu.memory_space<hbm>>
    %dma_start3A_499 = arith.constant 0 : i32
    %dma_start3A_500 = tpu.memref_slice %arg4[%add3A_491, %dma_start3A_499] : memref<32768x256xf32, #tpu.memory_space<hbm>> -> memref<64x256xf32, #tpu.memory_space<hbm>>
    %dma_start3A_501 = arith.constant 0 : i32
    %dma_start3A_502 = arith.constant 0 : i32
    %dma_start3A_503 = tpu.memref_slice %arg8[%dma_start3A_492, %dma_start3A_501, %dma_start3A_502] : memref<4x64x256xf32, #tpu.memory_space<vmem>> -> memref<1x64x256xf32, #tpu.memory_space<vmem>>
    %dma_start3A_504 = tpu.memref_squeeze %dma_start3A_503 : memref<1x64x256xf32, #tpu.memory_space<vmem>> -> memref<64x256xf32, #tpu.memory_space<vmem>>
    tpu.enqueue_dma source(%dma_start3A_504 : memref<64x256xf32, #tpu.memory_space<vmem>>) target(%dma_start3A_500 : memref<64x256xf32, #tpu.memory_space<hbm>>) target_semaphore(%arg13 : memref<!tpu.dma_semaphore, #tpu.memory_space<semaphore_mem>>)
    %dma_wait3A_505 = arith.constant 0 : i32
    %dma_wait3A_506 = arith.constant 0 : i32
    %dma_wait3A_507 = arith.constant 0 : i32
    %dma_wait3A_508 = tpu.memref_slice %arg8[%dma_wait3A_505, %dma_wait3A_506, %dma_wait3A_507] : memref<4x64x256xf32, #tpu.memory_space<vmem>> -> memref<1x64x256xf32, #tpu.memory_space<vmem>>
    %dma_wait3A_509 = tpu.memref_squeeze %dma_wait3A_508 : memref<1x64x256xf32, #tpu.memory_space<vmem>> -> memref<64x256xf32, #tpu.memory_space<vmem>>
    %dma_wait3A_510 = arith.constant 0 : i32
    %dma_wait3A_511 = tpu.memref_slice %arg4[%add3A_491, %dma_wait3A_510] : memref<32768x256xf32, #tpu.memory_space<hbm>> -> memref<64x256xf32, #tpu.memory_space<hbm>>
    %dma_wait3A_512 = arith.constant 0 : i32
    %dma_wait3A_513 = tpu.memref_slice %arg4[%add3A_491, %dma_wait3A_512] : memref<32768x256xf32, #tpu.memory_space<hbm>> -> memref<64x256xf32, #tpu.memory_space<hbm>>
    %dma_wait3A_514 = arith.constant 0 : i32
    %dma_wait3A_515 = arith.constant 0 : i32
    %dma_wait3A_516 = tpu.memref_slice %arg8[%dma_wait3A_505, %dma_wait3A_514, %dma_wait3A_515] : memref<4x64x256xf32, #tpu.memory_space<vmem>> -> memref<1x64x256xf32, #tpu.memory_space<vmem>>
    %dma_wait3A_517 = tpu.memref_squeeze %dma_wait3A_516 : memref<1x64x256xf32, #tpu.memory_space<vmem>> -> memref<64x256xf32, #tpu.memory_space<vmem>>
    tpu.wait_dma2 semaphore(%arg13 : memref<!tpu.dma_semaphore, #tpu.memory_space<semaphore_mem>>) src(%dma_wait3A_517 : memref<64x256xf32, #tpu.memory_space<vmem>>) dst(%dma_wait3A_513 : memref<64x256xf32, #tpu.memory_space<hbm>>)
    %dma_start3A_518 = arith.constant 0 : i32
    %dma_start3A_519 = arith.constant 0 : i32
    %dma_start3A_520 = arith.constant 0 : i32
    %dma_start3A_521 = tpu.memref_slice %arg8[%dma_start3A_518, %dma_start3A_519, %dma_start3A_520] : memref<4x64x256xf32, #tpu.memory_space<vmem>> -> memref<1x64x256xf32, #tpu.memory_space<vmem>>
    %dma_start3A_522 = tpu.memref_squeeze %dma_start3A_521 : memref<1x64x256xf32, #tpu.memory_space<vmem>> -> memref<64x256xf32, #tpu.memory_space<vmem>>
    %dma_start3A_523 = arith.constant 768 : i32
    %dma_start3A_524 = tpu.memref_slice %arg7[%dma_start3A_523] : memref<1024xi32, #tpu.memory_space<vmem>> -> memref<64xi32, #tpu.memory_space<vmem>>
    %dma_start3A_525 = arith.constant 0 : i32
    %dma_start3A_526 = arith.constant 0 : i32
    %dma_start3A_527 = tpu.memref_slice %arg3[%dma_start3A_525, %dma_start3A_526] : memref<32768x256xf32, #tpu.memory_space<hbm>> -> memref<32768x256xf32, #tpu.memory_space<hbm>>
    tpu.enqueue_indirect_dma source(%dma_start3A_527 : memref<32768x256xf32, #tpu.memory_space<hbm>>) target(%dma_start3A_522 : memref<64x256xf32, #tpu.memory_space<vmem>>) offsets(%dma_start3A_524 : memref<64xi32, #tpu.memory_space<vmem>>) semaphore(%arg9 : memref<!tpu.dma_semaphore, #tpu.memory_space<semaphore_mem>>)
    %dma_wait3A_528 = arith.constant 1 : i32
    %dma_wait3A_529 = arith.constant 0 : i32
    %dma_wait3A_530 = arith.constant 0 : i32
    %dma_wait3A_531 = tpu.memref_slice %arg8[%dma_wait3A_528, %dma_wait3A_529, %dma_wait3A_530] : memref<4x64x256xf32, #tpu.memory_space<vmem>> -> memref<1x64x256xf32, #tpu.memory_space<vmem>>
    %dma_wait3A_532 = tpu.memref_squeeze %dma_wait3A_531 : memref<1x64x256xf32, #tpu.memory_space<vmem>> -> memref<64x256xf32, #tpu.memory_space<vmem>>
    %dma_wait3A_533 = arith.constant 576 : i32
    %dma_wait3A_534 = tpu.memref_slice %arg7[%dma_wait3A_533] : memref<1024xi32, #tpu.memory_space<vmem>> -> memref<64xi32, #tpu.memory_space<vmem>>
    %dma_wait3A_535 = arith.constant 0 : i32
    %dma_wait3A_536 = arith.constant 0 : i32
    %dma_wait3A_537 = tpu.memref_slice %arg3[%dma_wait3A_535, %dma_wait3A_536] : memref<32768x256xf32, #tpu.memory_space<hbm>> -> memref<32768x256xf32, #tpu.memory_space<hbm>>
    tpu.wait_indirect_dma semaphore(%arg10 : memref<!tpu.dma_semaphore, #tpu.memory_space<semaphore_mem>>) src(%dma_wait3A_537 : memref<32768x256xf32, #tpu.memory_space<hbm>>) dst(%dma_wait3A_532 : memref<64x256xf32, #tpu.memory_space<vmem>>)
    %add3A_538 = arith.constant 576 : i32
    %add3A_539 = arith.addi %add3A_43, %add3A_538 : i32
    %dma_start3A_540 = arith.constant 1 : i32
    %dma_start3A_541 = arith.constant 0 : i32
    %dma_start3A_542 = arith.constant 0 : i32
    %dma_start3A_543 = tpu.memref_slice %arg8[%dma_start3A_540, %dma_start3A_541, %dma_start3A_542] : memref<4x64x256xf32, #tpu.memory_space<vmem>> -> memref<1x64x256xf32, #tpu.memory_space<vmem>>
    %dma_start3A_544 = tpu.memref_squeeze %dma_start3A_543 : memref<1x64x256xf32, #tpu.memory_space<vmem>> -> memref<64x256xf32, #tpu.memory_space<vmem>>
    %dma_start3A_545 = arith.constant 0 : i32
    %dma_start3A_546 = tpu.memref_slice %arg4[%add3A_539, %dma_start3A_545] : memref<32768x256xf32, #tpu.memory_space<hbm>> -> memref<64x256xf32, #tpu.memory_space<hbm>>
    %dma_start3A_547 = arith.constant 0 : i32
    %dma_start3A_548 = tpu.memref_slice %arg4[%add3A_539, %dma_start3A_547] : memref<32768x256xf32, #tpu.memory_space<hbm>> -> memref<64x256xf32, #tpu.memory_space<hbm>>
    %dma_start3A_549 = arith.constant 0 : i32
    %dma_start3A_550 = arith.constant 0 : i32
    %dma_start3A_551 = tpu.memref_slice %arg8[%dma_start3A_540, %dma_start3A_549, %dma_start3A_550] : memref<4x64x256xf32, #tpu.memory_space<vmem>> -> memref<1x64x256xf32, #tpu.memory_space<vmem>>
    %dma_start3A_552 = tpu.memref_squeeze %dma_start3A_551 : memref<1x64x256xf32, #tpu.memory_space<vmem>> -> memref<64x256xf32, #tpu.memory_space<vmem>>
    tpu.enqueue_dma source(%dma_start3A_552 : memref<64x256xf32, #tpu.memory_space<vmem>>) target(%dma_start3A_548 : memref<64x256xf32, #tpu.memory_space<hbm>>) target_semaphore(%arg14 : memref<!tpu.dma_semaphore, #tpu.memory_space<semaphore_mem>>)
    %dma_wait3A_553 = arith.constant 1 : i32
    %dma_wait3A_554 = arith.constant 0 : i32
    %dma_wait3A_555 = arith.constant 0 : i32
    %dma_wait3A_556 = tpu.memref_slice %arg8[%dma_wait3A_553, %dma_wait3A_554, %dma_wait3A_555] : memref<4x64x256xf32, #tpu.memory_space<vmem>> -> memref<1x64x256xf32, #tpu.memory_space<vmem>>
    %dma_wait3A_557 = tpu.memref_squeeze %dma_wait3A_556 : memref<1x64x256xf32, #tpu.memory_space<vmem>> -> memref<64x256xf32, #tpu.memory_space<vmem>>
    %dma_wait3A_558 = arith.constant 0 : i32
    %dma_wait3A_559 = tpu.memref_slice %arg4[%add3A_539, %dma_wait3A_558] : memref<32768x256xf32, #tpu.memory_space<hbm>> -> memref<64x256xf32, #tpu.memory_space<hbm>>
    %dma_wait3A_560 = arith.constant 0 : i32
    %dma_wait3A_561 = tpu.memref_slice %arg4[%add3A_539, %dma_wait3A_560] : memref<32768x256xf32, #tpu.memory_space<hbm>> -> memref<64x256xf32, #tpu.memory_space<hbm>>
    %dma_wait3A_562 = arith.constant 0 : i32
    %dma_wait3A_563 = arith.constant 0 : i32
    %dma_wait3A_564 = tpu.memref_slice %arg8[%dma_wait3A_553, %dma_wait3A_562, %dma_wait3A_563] : memref<4x64x256xf32, #tpu.memory_space<vmem>> -> memref<1x64x256xf32, #tpu.memory_space<vmem>>
    %dma_wait3A_565 = tpu.memref_squeeze %dma_wait3A_564 : memref<1x64x256xf32, #tpu.memory_space<vmem>> -> memref<64x256xf32, #tpu.memory_space<vmem>>
    tpu.wait_dma2 semaphore(%arg14 : memref<!tpu.dma_semaphore, #tpu.memory_space<semaphore_mem>>) src(%dma_wait3A_565 : memref<64x256xf32, #tpu.memory_space<vmem>>) dst(%dma_wait3A_561 : memref<64x256xf32, #tpu.memory_space<hbm>>)
    %dma_start3A_566 = arith.constant 1 : i32
    %dma_start3A_567 = arith.constant 0 : i32
    %dma_start3A_568 = arith.constant 0 : i32
    %dma_start3A_569 = tpu.memref_slice %arg8[%dma_start3A_566, %dma_start3A_567, %dma_start3A_568] : memref<4x64x256xf32, #tpu.memory_space<vmem>> -> memref<1x64x256xf32, #tpu.memory_space<vmem>>
    %dma_start3A_570 = tpu.memref_squeeze %dma_start3A_569 : memref<1x64x256xf32, #tpu.memory_space<vmem>> -> memref<64x256xf32, #tpu.memory_space<vmem>>
    %dma_start3A_571 = arith.constant 832 : i32
    %dma_start3A_572 = tpu.memref_slice %arg7[%dma_start3A_571] : memref<1024xi32, #tpu.memory_space<vmem>> -> memref<64xi32, #tpu.memory_space<vmem>>
    %dma_start3A_573 = arith.constant 0 : i32
    %dma_start3A_574 = arith.constant 0 : i32
    %dma_start3A_575 = tpu.memref_slice %arg3[%dma_start3A_573, %dma_start3A_574] : memref<32768x256xf32, #tpu.memory_space<hbm>> -> memref<32768x256xf32, #tpu.memory_space<hbm>>
    tpu.enqueue_indirect_dma source(%dma_start3A_575 : memref<32768x256xf32, #tpu.memory_space<hbm>>) target(%dma_start3A_570 : memref<64x256xf32, #tpu.memory_space<vmem>>) offsets(%dma_start3A_572 : memref<64xi32, #tpu.memory_space<vmem>>) semaphore(%arg10 : memref<!tpu.dma_semaphore, #tpu.memory_space<semaphore_mem>>)
    %dma_wait3A_576 = arith.constant 2 : i32
    %dma_wait3A_577 = arith.constant 0 : i32
    %dma_wait3A_578 = arith.constant 0 : i32
    %dma_wait3A_579 = tpu.memref_slice %arg8[%dma_wait3A_576, %dma_wait3A_577, %dma_wait3A_578] : memref<4x64x256xf32, #tpu.memory_space<vmem>> -> memref<1x64x256xf32, #tpu.memory_space<vmem>>
    %dma_wait3A_580 = tpu.memref_squeeze %dma_wait3A_579 : memref<1x64x256xf32, #tpu.memory_space<vmem>> -> memref<64x256xf32, #tpu.memory_space<vmem>>
    %dma_wait3A_581 = arith.constant 640 : i32
    %dma_wait3A_582 = tpu.memref_slice %arg7[%dma_wait3A_581] : memref<1024xi32, #tpu.memory_space<vmem>> -> memref<64xi32, #tpu.memory_space<vmem>>
    %dma_wait3A_583 = arith.constant 0 : i32
    %dma_wait3A_584 = arith.constant 0 : i32
    %dma_wait3A_585 = tpu.memref_slice %arg3[%dma_wait3A_583, %dma_wait3A_584] : memref<32768x256xf32, #tpu.memory_space<hbm>> -> memref<32768x256xf32, #tpu.memory_space<hbm>>
    tpu.wait_indirect_dma semaphore(%arg11 : memref<!tpu.dma_semaphore, #tpu.memory_space<semaphore_mem>>) src(%dma_wait3A_585 : memref<32768x256xf32, #tpu.memory_space<hbm>>) dst(%dma_wait3A_580 : memref<64x256xf32, #tpu.memory_space<vmem>>)
    %add3A_586 = arith.constant 640 : i32
    %add3A_587 = arith.addi %add3A_43, %add3A_586 : i32
    %dma_start3A_588 = arith.constant 2 : i32
    %dma_start3A_589 = arith.constant 0 : i32
    %dma_start3A_590 = arith.constant 0 : i32
    %dma_start3A_591 = tpu.memref_slice %arg8[%dma_start3A_588, %dma_start3A_589, %dma_start3A_590] : memref<4x64x256xf32, #tpu.memory_space<vmem>> -> memref<1x64x256xf32, #tpu.memory_space<vmem>>
    %dma_start3A_592 = tpu.memref_squeeze %dma_start3A_591 : memref<1x64x256xf32, #tpu.memory_space<vmem>> -> memref<64x256xf32, #tpu.memory_space<vmem>>
    %dma_start3A_593 = arith.constant 0 : i32
    %dma_start3A_594 = tpu.memref_slice %arg4[%add3A_587, %dma_start3A_593] : memref<32768x256xf32, #tpu.memory_space<hbm>> -> memref<64x256xf32, #tpu.memory_space<hbm>>
    %dma_start3A_595 = arith.constant 0 : i32
    %dma_start3A_596 = tpu.memref_slice %arg4[%add3A_587, %dma_start3A_595] : memref<32768x256xf32, #tpu.memory_space<hbm>> -> memref<64x256xf32, #tpu.memory_space<hbm>>
    %dma_start3A_597 = arith.constant 0 : i32
    %dma_start3A_598 = arith.constant 0 : i32
    %dma_start3A_599 = tpu.memref_slice %arg8[%dma_start3A_588, %dma_start3A_597, %dma_start3A_598] : memref<4x64x256xf32, #tpu.memory_space<vmem>> -> memref<1x64x256xf32, #tpu.memory_space<vmem>>
    %dma_start3A_600 = tpu.memref_squeeze %dma_start3A_599 : memref<1x64x256xf32, #tpu.memory_space<vmem>> -> memref<64x256xf32, #tpu.memory_space<vmem>>
    tpu.enqueue_dma source(%dma_start3A_600 : memref<64x256xf32, #tpu.memory_space<vmem>>) target(%dma_start3A_596 : memref<64x256xf32, #tpu.memory_space<hbm>>) target_semaphore(%arg15 : memref<!tpu.dma_semaphore, #tpu.memory_space<semaphore_mem>>)
    %dma_wait3A_601 = arith.constant 2 : i32
    %dma_wait3A_602 = arith.constant 0 : i32
    %dma_wait3A_603 = arith.constant 0 : i32
    %dma_wait3A_604 = tpu.memref_slice %arg8[%dma_wait3A_601, %dma_wait3A_602, %dma_wait3A_603] : memref<4x64x256xf32, #tpu.memory_space<vmem>> -> memref<1x64x256xf32, #tpu.memory_space<vmem>>
    %dma_wait3A_605 = tpu.memref_squeeze %dma_wait3A_604 : memref<1x64x256xf32, #tpu.memory_space<vmem>> -> memref<64x256xf32, #tpu.memory_space<vmem>>
    %dma_wait3A_606 = arith.constant 0 : i32
    %dma_wait3A_607 = tpu.memref_slice %arg4[%add3A_587, %dma_wait3A_606] : memref<32768x256xf32, #tpu.memory_space<hbm>> -> memref<64x256xf32, #tpu.memory_space<hbm>>
    %dma_wait3A_608 = arith.constant 0 : i32
    %dma_wait3A_609 = tpu.memref_slice %arg4[%add3A_587, %dma_wait3A_608] : memref<32768x256xf32, #tpu.memory_space<hbm>> -> memref<64x256xf32, #tpu.memory_space<hbm>>
    %dma_wait3A_610 = arith.constant 0 : i32
    %dma_wait3A_611 = arith.constant 0 : i32
    %dma_wait3A_612 = tpu.memref_slice %arg8[%dma_wait3A_601, %dma_wait3A_610, %dma_wait3A_611] : memref<4x64x256xf32, #tpu.memory_space<vmem>> -> memref<1x64x256xf32, #tpu.memory_space<vmem>>
    %dma_wait3A_613 = tpu.memref_squeeze %dma_wait3A_612 : memref<1x64x256xf32, #tpu.memory_space<vmem>> -> memref<64x256xf32, #tpu.memory_space<vmem>>
    tpu.wait_dma2 semaphore(%arg15 : memref<!tpu.dma_semaphore, #tpu.memory_space<semaphore_mem>>) src(%dma_wait3A_613 : memref<64x256xf32, #tpu.memory_space<vmem>>) dst(%dma_wait3A_609 : memref<64x256xf32, #tpu.memory_space<hbm>>)
    %dma_start3A_614 = arith.constant 2 : i32
    %dma_start3A_615 = arith.constant 0 : i32
    %dma_start3A_616 = arith.constant 0 : i32
    %dma_start3A_617 = tpu.memref_slice %arg8[%dma_start3A_614, %dma_start3A_615, %dma_start3A_616] : memref<4x64x256xf32, #tpu.memory_space<vmem>> -> memref<1x64x256xf32, #tpu.memory_space<vmem>>
    %dma_start3A_618 = tpu.memref_squeeze %dma_start3A_617 : memref<1x64x256xf32, #tpu.memory_space<vmem>> -> memref<64x256xf32, #tpu.memory_space<vmem>>
    %dma_start3A_619 = arith.constant 896 : i32
    %dma_start3A_620 = tpu.memref_slice %arg7[%dma_start3A_619] : memref<1024xi32, #tpu.memory_space<vmem>> -> memref<64xi32, #tpu.memory_space<vmem>>
    %dma_start3A_621 = arith.constant 0 : i32
    %dma_start3A_622 = arith.constant 0 : i32
    %dma_start3A_623 = tpu.memref_slice %arg3[%dma_start3A_621, %dma_start3A_622] : memref<32768x256xf32, #tpu.memory_space<hbm>> -> memref<32768x256xf32, #tpu.memory_space<hbm>>
    tpu.enqueue_indirect_dma source(%dma_start3A_623 : memref<32768x256xf32, #tpu.memory_space<hbm>>) target(%dma_start3A_618 : memref<64x256xf32, #tpu.memory_space<vmem>>) offsets(%dma_start3A_620 : memref<64xi32, #tpu.memory_space<vmem>>) semaphore(%arg11 : memref<!tpu.dma_semaphore, #tpu.memory_space<semaphore_mem>>)
    %dma_wait3A_624 = arith.constant 3 : i32
    %dma_wait3A_625 = arith.constant 0 : i32
    %dma_wait3A_626 = arith.constant 0 : i32
    %dma_wait3A_627 = tpu.memref_slice %arg8[%dma_wait3A_624, %dma_wait3A_625, %dma_wait3A_626] : memref<4x64x256xf32, #tpu.memory_space<vmem>> -> memref<1x64x256xf32, #tpu.memory_space<vmem>>
    %dma_wait3A_628 = tpu.memref_squeeze %dma_wait3A_627 : memref<1x64x256xf32, #tpu.memory_space<vmem>> -> memref<64x256xf32, #tpu.memory_space<vmem>>
    %dma_wait3A_629 = arith.constant 704 : i32
    %dma_wait3A_630 = tpu.memref_slice %arg7[%dma_wait3A_629] : memref<1024xi32, #tpu.memory_space<vmem>> -> memref<64xi32, #tpu.memory_space<vmem>>
    %dma_wait3A_631 = arith.constant 0 : i32
    %dma_wait3A_632 = arith.constant 0 : i32
    %dma_wait3A_633 = tpu.memref_slice %arg3[%dma_wait3A_631, %dma_wait3A_632] : memref<32768x256xf32, #tpu.memory_space<hbm>> -> memref<32768x256xf32, #tpu.memory_space<hbm>>
    tpu.wait_indirect_dma semaphore(%arg12 : memref<!tpu.dma_semaphore, #tpu.memory_space<semaphore_mem>>) src(%dma_wait3A_633 : memref<32768x256xf32, #tpu.memory_space<hbm>>) dst(%dma_wait3A_628 : memref<64x256xf32, #tpu.memory_space<vmem>>)
    %add3A_634 = arith.constant 704 : i32
    %add3A_635 = arith.addi %add3A_43, %add3A_634 : i32
    %dma_start3A_636 = arith.constant 3 : i32
    %dma_start3A_637 = arith.constant 0 : i32
    %dma_start3A_638 = arith.constant 0 : i32
    %dma_start3A_639 = tpu.memref_slice %arg8[%dma_start3A_636, %dma_start3A_637, %dma_start3A_638] : memref<4x64x256xf32, #tpu.memory_space<vmem>> -> memref<1x64x256xf32, #tpu.memory_space<vmem>>
    %dma_start3A_640 = tpu.memref_squeeze %dma_start3A_639 : memref<1x64x256xf32, #tpu.memory_space<vmem>> -> memref<64x256xf32, #tpu.memory_space<vmem>>
    %dma_start3A_641 = arith.constant 0 : i32
    %dma_start3A_642 = tpu.memref_slice %arg4[%add3A_635, %dma_start3A_641] : memref<32768x256xf32, #tpu.memory_space<hbm>> -> memref<64x256xf32, #tpu.memory_space<hbm>>
    %dma_start3A_643 = arith.constant 0 : i32
    %dma_start3A_644 = tpu.memref_slice %arg4[%add3A_635, %dma_start3A_643] : memref<32768x256xf32, #tpu.memory_space<hbm>> -> memref<64x256xf32, #tpu.memory_space<hbm>>
    %dma_start3A_645 = arith.constant 0 : i32
    %dma_start3A_646 = arith.constant 0 : i32
    %dma_start3A_647 = tpu.memref_slice %arg8[%dma_start3A_636, %dma_start3A_645, %dma_start3A_646] : memref<4x64x256xf32, #tpu.memory_space<vmem>> -> memref<1x64x256xf32, #tpu.memory_space<vmem>>
    %dma_start3A_648 = tpu.memref_squeeze %dma_start3A_647 : memref<1x64x256xf32, #tpu.memory_space<vmem>> -> memref<64x256xf32, #tpu.memory_space<vmem>>
    tpu.enqueue_dma source(%dma_start3A_648 : memref<64x256xf32, #tpu.memory_space<vmem>>) target(%dma_start3A_644 : memref<64x256xf32, #tpu.memory_space<hbm>>) target_semaphore(%arg16 : memref<!tpu.dma_semaphore, #tpu.memory_space<semaphore_mem>>)
    %dma_wait3A_649 = arith.constant 3 : i32
    %dma_wait3A_650 = arith.constant 0 : i32
    %dma_wait3A_651 = arith.constant 0 : i32
    %dma_wait3A_652 = tpu.memref_slice %arg8[%dma_wait3A_649, %dma_wait3A_650, %dma_wait3A_651] : memref<4x64x256xf32, #tpu.memory_space<vmem>> -> memref<1x64x256xf32, #tpu.memory_space<vmem>>
    %dma_wait3A_653 = tpu.memref_squeeze %dma_wait3A_652 : memref<1x64x256xf32, #tpu.memory_space<vmem>> -> memref<64x256xf32, #tpu.memory_space<vmem>>
    %dma_wait3A_654 = arith.constant 0 : i32
    %dma_wait3A_655 = tpu.memref_slice %arg4[%add3A_635, %dma_wait3A_654] : memref<32768x256xf32, #tpu.memory_space<hbm>> -> memref<64x256xf32, #tpu.memory_space<hbm>>
    %dma_wait3A_656 = arith.constant 0 : i32
    %dma_wait3A_657 = tpu.memref_slice %arg4[%add3A_635, %dma_wait3A_656] : memref<32768x256xf32, #tpu.memory_space<hbm>> -> memref<64x256xf32, #tpu.memory_space<hbm>>
    %dma_wait3A_658 = arith.constant 0 : i32
    %dma_wait3A_659 = arith.constant 0 : i32
    %dma_wait3A_660 = tpu.memref_slice %arg8[%dma_wait3A_649, %dma_wait3A_658, %dma_wait3A_659] : memref<4x64x256xf32, #tpu.memory_space<vmem>> -> memref<1x64x256xf32, #tpu.memory_space<vmem>>
    %dma_wait3A_661 = tpu.memref_squeeze %dma_wait3A_660 : memref<1x64x256xf32, #tpu.memory_space<vmem>> -> memref<64x256xf32, #tpu.memory_space<vmem>>
    tpu.wait_dma2 semaphore(%arg16 : memref<!tpu.dma_semaphore, #tpu.memory_space<semaphore_mem>>) src(%dma_wait3A_661 : memref<64x256xf32, #tpu.memory_space<vmem>>) dst(%dma_wait3A_657 : memref<64x256xf32, #tpu.memory_space<hbm>>)
    %dma_start3A_662 = arith.constant 3 : i32
    %dma_start3A_663 = arith.constant 0 : i32
    %dma_start3A_664 = arith.constant 0 : i32
    %dma_start3A_665 = tpu.memref_slice %arg8[%dma_start3A_662, %dma_start3A_663, %dma_start3A_664] : memref<4x64x256xf32, #tpu.memory_space<vmem>> -> memref<1x64x256xf32, #tpu.memory_space<vmem>>
    %dma_start3A_666 = tpu.memref_squeeze %dma_start3A_665 : memref<1x64x256xf32, #tpu.memory_space<vmem>> -> memref<64x256xf32, #tpu.memory_space<vmem>>
    %dma_start3A_667 = arith.constant 960 : i32
    %dma_start3A_668 = tpu.memref_slice %arg7[%dma_start3A_667] : memref<1024xi32, #tpu.memory_space<vmem>> -> memref<64xi32, #tpu.memory_space<vmem>>
    %dma_start3A_669 = arith.constant 0 : i32
    %dma_start3A_670 = arith.constant 0 : i32
    %dma_start3A_671 = tpu.memref_slice %arg3[%dma_start3A_669, %dma_start3A_670] : memref<32768x256xf32, #tpu.memory_space<hbm>> -> memref<32768x256xf32, #tpu.memory_space<hbm>>
    tpu.enqueue_indirect_dma source(%dma_start3A_671 : memref<32768x256xf32, #tpu.memory_space<hbm>>) target(%dma_start3A_666 : memref<64x256xf32, #tpu.memory_space<vmem>>) offsets(%dma_start3A_668 : memref<64xi32, #tpu.memory_space<vmem>>) semaphore(%arg12 : memref<!tpu.dma_semaphore, #tpu.memory_space<semaphore_mem>>)
    %dma_wait3A_672 = arith.constant 0 : i32
    %dma_wait3A_673 = arith.constant 0 : i32
    %dma_wait3A_674 = arith.constant 0 : i32
    %dma_wait3A_675 = tpu.memref_slice %arg8[%dma_wait3A_672, %dma_wait3A_673, %dma_wait3A_674] : memref<4x64x256xf32, #tpu.memory_space<vmem>> -> memref<1x64x256xf32, #tpu.memory_space<vmem>>
    %dma_wait3A_676 = tpu.memref_squeeze %dma_wait3A_675 : memref<1x64x256xf32, #tpu.memory_space<vmem>> -> memref<64x256xf32, #tpu.memory_space<vmem>>
    %dma_wait3A_677 = arith.constant 768 : i32
    %dma_wait3A_678 = tpu.memref_slice %arg7[%dma_wait3A_677] : memref<1024xi32, #tpu.memory_space<vmem>> -> memref<64xi32, #tpu.memory_space<vmem>>
    %dma_wait3A_679 = arith.constant 0 : i32
    %dma_wait3A_680 = arith.constant 0 : i32
    %dma_wait3A_681 = tpu.memref_slice %arg3[%dma_wait3A_679, %dma_wait3A_680] : memref<32768x256xf32, #tpu.memory_space<hbm>> -> memref<32768x256xf32, #tpu.memory_space<hbm>>
    tpu.wait_indirect_dma semaphore(%arg9 : memref<!tpu.dma_semaphore, #tpu.memory_space<semaphore_mem>>) src(%dma_wait3A_681 : memref<32768x256xf32, #tpu.memory_space<hbm>>) dst(%dma_wait3A_676 : memref<64x256xf32, #tpu.memory_space<vmem>>)
    %add3A_682 = arith.constant 768 : i32
    %add3A_683 = arith.addi %add3A_43, %add3A_682 : i32
    %dma_start3A_684 = arith.constant 0 : i32
    %dma_start3A_685 = arith.constant 0 : i32
    %dma_start3A_686 = arith.constant 0 : i32
    %dma_start3A_687 = tpu.memref_slice %arg8[%dma_start3A_684, %dma_start3A_685, %dma_start3A_686] : memref<4x64x256xf32, #tpu.memory_space<vmem>> -> memref<1x64x256xf32, #tpu.memory_space<vmem>>
    %dma_start3A_688 = tpu.memref_squeeze %dma_start3A_687 : memref<1x64x256xf32, #tpu.memory_space<vmem>> -> memref<64x256xf32, #tpu.memory_space<vmem>>
    %dma_start3A_689 = arith.constant 0 : i32
    %dma_start3A_690 = tpu.memref_slice %arg4[%add3A_683, %dma_start3A_689] : memref<32768x256xf32, #tpu.memory_space<hbm>> -> memref<64x256xf32, #tpu.memory_space<hbm>>
    %dma_start3A_691 = arith.constant 0 : i32
    %dma_start3A_692 = tpu.memref_slice %arg4[%add3A_683, %dma_start3A_691] : memref<32768x256xf32, #tpu.memory_space<hbm>> -> memref<64x256xf32, #tpu.memory_space<hbm>>
    %dma_start3A_693 = arith.constant 0 : i32
    %dma_start3A_694 = arith.constant 0 : i32
    %dma_start3A_695 = tpu.memref_slice %arg8[%dma_start3A_684, %dma_start3A_693, %dma_start3A_694] : memref<4x64x256xf32, #tpu.memory_space<vmem>> -> memref<1x64x256xf32, #tpu.memory_space<vmem>>
    %dma_start3A_696 = tpu.memref_squeeze %dma_start3A_695 : memref<1x64x256xf32, #tpu.memory_space<vmem>> -> memref<64x256xf32, #tpu.memory_space<vmem>>
    tpu.enqueue_dma source(%dma_start3A_696 : memref<64x256xf32, #tpu.memory_space<vmem>>) target(%dma_start3A_692 : memref<64x256xf32, #tpu.memory_space<hbm>>) target_semaphore(%arg13 : memref<!tpu.dma_semaphore, #tpu.memory_space<semaphore_mem>>)
    %dma_wait3A_697 = arith.constant 1 : i32
    %dma_wait3A_698 = arith.constant 0 : i32
    %dma_wait3A_699 = arith.constant 0 : i32
    %dma_wait3A_700 = tpu.memref_slice %arg8[%dma_wait3A_697, %dma_wait3A_698, %dma_wait3A_699] : memref<4x64x256xf32, #tpu.memory_space<vmem>> -> memref<1x64x256xf32, #tpu.memory_space<vmem>>
    %dma_wait3A_701 = tpu.memref_squeeze %dma_wait3A_700 : memref<1x64x256xf32, #tpu.memory_space<vmem>> -> memref<64x256xf32, #tpu.memory_space<vmem>>
    %dma_wait3A_702 = arith.constant 832 : i32
    %dma_wait3A_703 = tpu.memref_slice %arg7[%dma_wait3A_702] : memref<1024xi32, #tpu.memory_space<vmem>> -> memref<64xi32, #tpu.memory_space<vmem>>
    %dma_wait3A_704 = arith.constant 0 : i32
    %dma_wait3A_705 = arith.constant 0 : i32
    %dma_wait3A_706 = tpu.memref_slice %arg3[%dma_wait3A_704, %dma_wait3A_705] : memref<32768x256xf32, #tpu.memory_space<hbm>> -> memref<32768x256xf32, #tpu.memory_space<hbm>>
    tpu.wait_indirect_dma semaphore(%arg10 : memref<!tpu.dma_semaphore, #tpu.memory_space<semaphore_mem>>) src(%dma_wait3A_706 : memref<32768x256xf32, #tpu.memory_space<hbm>>) dst(%dma_wait3A_701 : memref<64x256xf32, #tpu.memory_space<vmem>>)
    %add3A_707 = arith.constant 832 : i32
    %add3A_708 = arith.addi %add3A_43, %add3A_707 : i32
    %dma_start3A_709 = arith.constant 1 : i32
    %dma_start3A_710 = arith.constant 0 : i32
    %dma_start3A_711 = arith.constant 0 : i32
    %dma_start3A_712 = tpu.memref_slice %arg8[%dma_start3A_709, %dma_start3A_710, %dma_start3A_711] : memref<4x64x256xf32, #tpu.memory_space<vmem>> -> memref<1x64x256xf32, #tpu.memory_space<vmem>>
    %dma_start3A_713 = tpu.memref_squeeze %dma_start3A_712 : memref<1x64x256xf32, #tpu.memory_space<vmem>> -> memref<64x256xf32, #tpu.memory_space<vmem>>
    %dma_start3A_714 = arith.constant 0 : i32
    %dma_start3A_715 = tpu.memref_slice %arg4[%add3A_708, %dma_start3A_714] : memref<32768x256xf32, #tpu.memory_space<hbm>> -> memref<64x256xf32, #tpu.memory_space<hbm>>
    %dma_start3A_716 = arith.constant 0 : i32
    %dma_start3A_717 = tpu.memref_slice %arg4[%add3A_708, %dma_start3A_716] : memref<32768x256xf32, #tpu.memory_space<hbm>> -> memref<64x256xf32, #tpu.memory_space<hbm>>
    %dma_start3A_718 = arith.constant 0 : i32
    %dma_start3A_719 = arith.constant 0 : i32
    %dma_start3A_720 = tpu.memref_slice %arg8[%dma_start3A_709, %dma_start3A_718, %dma_start3A_719] : memref<4x64x256xf32, #tpu.memory_space<vmem>> -> memref<1x64x256xf32, #tpu.memory_space<vmem>>
    %dma_start3A_721 = tpu.memref_squeeze %dma_start3A_720 : memref<1x64x256xf32, #tpu.memory_space<vmem>> -> memref<64x256xf32, #tpu.memory_space<vmem>>
    tpu.enqueue_dma source(%dma_start3A_721 : memref<64x256xf32, #tpu.memory_space<vmem>>) target(%dma_start3A_717 : memref<64x256xf32, #tpu.memory_space<hbm>>) target_semaphore(%arg14 : memref<!tpu.dma_semaphore, #tpu.memory_space<semaphore_mem>>)
    %dma_wait3A_722 = arith.constant 2 : i32
    %dma_wait3A_723 = arith.constant 0 : i32
    %dma_wait3A_724 = arith.constant 0 : i32
    %dma_wait3A_725 = tpu.memref_slice %arg8[%dma_wait3A_722, %dma_wait3A_723, %dma_wait3A_724] : memref<4x64x256xf32, #tpu.memory_space<vmem>> -> memref<1x64x256xf32, #tpu.memory_space<vmem>>
    %dma_wait3A_726 = tpu.memref_squeeze %dma_wait3A_725 : memref<1x64x256xf32, #tpu.memory_space<vmem>> -> memref<64x256xf32, #tpu.memory_space<vmem>>
    %dma_wait3A_727 = arith.constant 896 : i32
    %dma_wait3A_728 = tpu.memref_slice %arg7[%dma_wait3A_727] : memref<1024xi32, #tpu.memory_space<vmem>> -> memref<64xi32, #tpu.memory_space<vmem>>
    %dma_wait3A_729 = arith.constant 0 : i32
    %dma_wait3A_730 = arith.constant 0 : i32
    %dma_wait3A_731 = tpu.memref_slice %arg3[%dma_wait3A_729, %dma_wait3A_730] : memref<32768x256xf32, #tpu.memory_space<hbm>> -> memref<32768x256xf32, #tpu.memory_space<hbm>>
    tpu.wait_indirect_dma semaphore(%arg11 : memref<!tpu.dma_semaphore, #tpu.memory_space<semaphore_mem>>) src(%dma_wait3A_731 : memref<32768x256xf32, #tpu.memory_space<hbm>>) dst(%dma_wait3A_726 : memref<64x256xf32, #tpu.memory_space<vmem>>)
    %add3A_732 = arith.constant 896 : i32
    %add3A_733 = arith.addi %add3A_43, %add3A_732 : i32
    %dma_start3A_734 = arith.constant 2 : i32
    %dma_start3A_735 = arith.constant 0 : i32
    %dma_start3A_736 = arith.constant 0 : i32
    %dma_start3A_737 = tpu.memref_slice %arg8[%dma_start3A_734, %dma_start3A_735, %dma_start3A_736] : memref<4x64x256xf32, #tpu.memory_space<vmem>> -> memref<1x64x256xf32, #tpu.memory_space<vmem>>
    %dma_start3A_738 = tpu.memref_squeeze %dma_start3A_737 : memref<1x64x256xf32, #tpu.memory_space<vmem>> -> memref<64x256xf32, #tpu.memory_space<vmem>>
    %dma_start3A_739 = arith.constant 0 : i32
    %dma_start3A_740 = tpu.memref_slice %arg4[%add3A_733, %dma_start3A_739] : memref<32768x256xf32, #tpu.memory_space<hbm>> -> memref<64x256xf32, #tpu.memory_space<hbm>>
    %dma_start3A_741 = arith.constant 0 : i32
    %dma_start3A_742 = tpu.memref_slice %arg4[%add3A_733, %dma_start3A_741] : memref<32768x256xf32, #tpu.memory_space<hbm>> -> memref<64x256xf32, #tpu.memory_space<hbm>>
    %dma_start3A_743 = arith.constant 0 : i32
    %dma_start3A_744 = arith.constant 0 : i32
    %dma_start3A_745 = tpu.memref_slice %arg8[%dma_start3A_734, %dma_start3A_743, %dma_start3A_744] : memref<4x64x256xf32, #tpu.memory_space<vmem>> -> memref<1x64x256xf32, #tpu.memory_space<vmem>>
    %dma_start3A_746 = tpu.memref_squeeze %dma_start3A_745 : memref<1x64x256xf32, #tpu.memory_space<vmem>> -> memref<64x256xf32, #tpu.memory_space<vmem>>
    tpu.enqueue_dma source(%dma_start3A_746 : memref<64x256xf32, #tpu.memory_space<vmem>>) target(%dma_start3A_742 : memref<64x256xf32, #tpu.memory_space<hbm>>) target_semaphore(%arg15 : memref<!tpu.dma_semaphore, #tpu.memory_space<semaphore_mem>>)
    %dma_wait3A_747 = arith.constant 3 : i32
    %dma_wait3A_748 = arith.constant 0 : i32
    %dma_wait3A_749 = arith.constant 0 : i32
    %dma_wait3A_750 = tpu.memref_slice %arg8[%dma_wait3A_747, %dma_wait3A_748, %dma_wait3A_749] : memref<4x64x256xf32, #tpu.memory_space<vmem>> -> memref<1x64x256xf32, #tpu.memory_space<vmem>>
    %dma_wait3A_751 = tpu.memref_squeeze %dma_wait3A_750 : memref<1x64x256xf32, #tpu.memory_space<vmem>> -> memref<64x256xf32, #tpu.memory_space<vmem>>
    %dma_wait3A_752 = arith.constant 960 : i32
    %dma_wait3A_753 = tpu.memref_slice %arg7[%dma_wait3A_752] : memref<1024xi32, #tpu.memory_space<vmem>> -> memref<64xi32, #tpu.memory_space<vmem>>
    %dma_wait3A_754 = arith.constant 0 : i32
    %dma_wait3A_755 = arith.constant 0 : i32
    %dma_wait3A_756 = tpu.memref_slice %arg3[%dma_wait3A_754, %dma_wait3A_755] : memref<32768x256xf32, #tpu.memory_space<hbm>> -> memref<32768x256xf32, #tpu.memory_space<hbm>>
    tpu.wait_indirect_dma semaphore(%arg12 : memref<!tpu.dma_semaphore, #tpu.memory_space<semaphore_mem>>) src(%dma_wait3A_756 : memref<32768x256xf32, #tpu.memory_space<hbm>>) dst(%dma_wait3A_751 : memref<64x256xf32, #tpu.memory_space<vmem>>)
    %add3A_757 = arith.constant 960 : i32
    %add3A_758 = arith.addi %add3A_43, %add3A_757 : i32
    %dma_start3A_759 = arith.constant 3 : i32
    %dma_start3A_760 = arith.constant 0 : i32
    %dma_start3A_761 = arith.constant 0 : i32
    %dma_start3A_762 = tpu.memref_slice %arg8[%dma_start3A_759, %dma_start3A_760, %dma_start3A_761] : memref<4x64x256xf32, #tpu.memory_space<vmem>> -> memref<1x64x256xf32, #tpu.memory_space<vmem>>
    %dma_start3A_763 = tpu.memref_squeeze %dma_start3A_762 : memref<1x64x256xf32, #tpu.memory_space<vmem>> -> memref<64x256xf32, #tpu.memory_space<vmem>>
    %dma_start3A_764 = arith.constant 0 : i32
    %dma_start3A_765 = tpu.memref_slice %arg4[%add3A_758, %dma_start3A_764] : memref<32768x256xf32, #tpu.memory_space<hbm>> -> memref<64x256xf32, #tpu.memory_space<hbm>>
    %dma_start3A_766 = arith.constant 0 : i32
    %dma_start3A_767 = tpu.memref_slice %arg4[%add3A_758, %dma_start3A_766] : memref<32768x256xf32, #tpu.memory_space<hbm>> -> memref<64x256xf32, #tpu.memory_space<hbm>>
    %dma_start3A_768 = arith.constant 0 : i32
    %dma_start3A_769 = arith.constant 0 : i32
    %dma_start3A_770 = tpu.memref_slice %arg8[%dma_start3A_759, %dma_start3A_768, %dma_start3A_769] : memref<4x64x256xf32, #tpu.memory_space<vmem>> -> memref<1x64x256xf32, #tpu.memory_space<vmem>>
    %dma_start3A_771 = tpu.memref_squeeze %dma_start3A_770 : memref<1x64x256xf32, #tpu.memory_space<vmem>> -> memref<64x256xf32, #tpu.memory_space<vmem>>
    tpu.enqueue_dma source(%dma_start3A_771 : memref<64x256xf32, #tpu.memory_space<vmem>>) target(%dma_start3A_767 : memref<64x256xf32, #tpu.memory_space<hbm>>) target_semaphore(%arg16 : memref<!tpu.dma_semaphore, #tpu.memory_space<semaphore_mem>>)
    %dma_wait3A_772 = arith.constant 0 : i32
    %dma_wait3A_773 = arith.constant 0 : i32
    %dma_wait3A_774 = arith.constant 0 : i32
    %dma_wait3A_775 = tpu.memref_slice %arg8[%dma_wait3A_772, %dma_wait3A_773, %dma_wait3A_774] : memref<4x64x256xf32, #tpu.memory_space<vmem>> -> memref<1x64x256xf32, #tpu.memory_space<vmem>>
    %dma_wait3A_776 = tpu.memref_squeeze %dma_wait3A_775 : memref<1x64x256xf32, #tpu.memory_space<vmem>> -> memref<64x256xf32, #tpu.memory_space<vmem>>
    %dma_wait3A_777 = arith.constant 0 : i32
    %dma_wait3A_778 = tpu.memref_slice %arg4[%add3A_683, %dma_wait3A_777] : memref<32768x256xf32, #tpu.memory_space<hbm>> -> memref<64x256xf32, #tpu.memory_space<hbm>>
    %dma_wait3A_779 = arith.constant 0 : i32
    %dma_wait3A_780 = tpu.memref_slice %arg4[%add3A_683, %dma_wait3A_779] : memref<32768x256xf32, #tpu.memory_space<hbm>> -> memref<64x256xf32, #tpu.memory_space<hbm>>
    %dma_wait3A_781 = arith.constant 0 : i32
    %dma_wait3A_782 = arith.constant 0 : i32
    %dma_wait3A_783 = tpu.memref_slice %arg8[%dma_wait3A_772, %dma_wait3A_781, %dma_wait3A_782] : memref<4x64x256xf32, #tpu.memory_space<vmem>> -> memref<1x64x256xf32, #tpu.memory_space<vmem>>
    %dma_wait3A_784 = tpu.memref_squeeze %dma_wait3A_783 : memref<1x64x256xf32, #tpu.memory_space<vmem>> -> memref<64x256xf32, #tpu.memory_space<vmem>>
    tpu.wait_dma2 semaphore(%arg13 : memref<!tpu.dma_semaphore, #tpu.memory_space<semaphore_mem>>) src(%dma_wait3A_784 : memref<64x256xf32, #tpu.memory_space<vmem>>) dst(%dma_wait3A_780 : memref<64x256xf32, #tpu.memory_space<hbm>>)
    %dma_wait3A_785 = arith.constant 1 : i32
    %dma_wait3A_786 = arith.constant 0 : i32
    %dma_wait3A_787 = arith.constant 0 : i32
    %dma_wait3A_788 = tpu.memref_slice %arg8[%dma_wait3A_785, %dma_wait3A_786, %dma_wait3A_787] : memref<4x64x256xf32, #tpu.memory_space<vmem>> -> memref<1x64x256xf32, #tpu.memory_space<vmem>>
    %dma_wait3A_789 = tpu.memref_squeeze %dma_wait3A_788 : memref<1x64x256xf32, #tpu.memory_space<vmem>> -> memref<64x256xf32, #tpu.memory_space<vmem>>
    %dma_wait3A_790 = arith.constant 0 : i32
    %dma_wait3A_791 = tpu.memref_slice %arg4[%add3A_708, %dma_wait3A_790] : memref<32768x256xf32, #tpu.memory_space<hbm>> -> memref<64x256xf32, #tpu.memory_space<hbm>>
    %dma_wait3A_792 = arith.constant 0 : i32
    %dma_wait3A_793 = tpu.memref_slice %arg4[%add3A_708, %dma_wait3A_792] : memref<32768x256xf32, #tpu.memory_space<hbm>> -> memref<64x256xf32, #tpu.memory_space<hbm>>
    %dma_wait3A_794 = arith.constant 0 : i32
    %dma_wait3A_795 = arith.constant 0 : i32
    %dma_wait3A_796 = tpu.memref_slice %arg8[%dma_wait3A_785, %dma_wait3A_794, %dma_wait3A_795] : memref<4x64x256xf32, #tpu.memory_space<vmem>> -> memref<1x64x256xf32, #tpu.memory_space<vmem>>
    %dma_wait3A_797 = tpu.memref_squeeze %dma_wait3A_796 : memref<1x64x256xf32, #tpu.memory_space<vmem>> -> memref<64x256xf32, #tpu.memory_space<vmem>>
    tpu.wait_dma2 semaphore(%arg14 : memref<!tpu.dma_semaphore, #tpu.memory_space<semaphore_mem>>) src(%dma_wait3A_797 : memref<64x256xf32, #tpu.memory_space<vmem>>) dst(%dma_wait3A_793 : memref<64x256xf32, #tpu.memory_space<hbm>>)
    %dma_wait3A_798 = arith.constant 2 : i32
    %dma_wait3A_799 = arith.constant 0 : i32
    %dma_wait3A_800 = arith.constant 0 : i32
    %dma_wait3A_801 = tpu.memref_slice %arg8[%dma_wait3A_798, %dma_wait3A_799, %dma_wait3A_800] : memref<4x64x256xf32, #tpu.memory_space<vmem>> -> memref<1x64x256xf32, #tpu.memory_space<vmem>>
    %dma_wait3A_802 = tpu.memref_squeeze %dma_wait3A_801 : memref<1x64x256xf32, #tpu.memory_space<vmem>> -> memref<64x256xf32, #tpu.memory_space<vmem>>
    %dma_wait3A_803 = arith.constant 0 : i32
    %dma_wait3A_804 = tpu.memref_slice %arg4[%add3A_733, %dma_wait3A_803] : memref<32768x256xf32, #tpu.memory_space<hbm>> -> memref<64x256xf32, #tpu.memory_space<hbm>>
    %dma_wait3A_805 = arith.constant 0 : i32
    %dma_wait3A_806 = tpu.memref_slice %arg4[%add3A_733, %dma_wait3A_805] : memref<32768x256xf32, #tpu.memory_space<hbm>> -> memref<64x256xf32, #tpu.memory_space<hbm>>
    %dma_wait3A_807 = arith.constant 0 : i32
    %dma_wait3A_808 = arith.constant 0 : i32
    %dma_wait3A_809 = tpu.memref_slice %arg8[%dma_wait3A_798, %dma_wait3A_807, %dma_wait3A_808] : memref<4x64x256xf32, #tpu.memory_space<vmem>> -> memref<1x64x256xf32, #tpu.memory_space<vmem>>
    %dma_wait3A_810 = tpu.memref_squeeze %dma_wait3A_809 : memref<1x64x256xf32, #tpu.memory_space<vmem>> -> memref<64x256xf32, #tpu.memory_space<vmem>>
    tpu.wait_dma2 semaphore(%arg15 : memref<!tpu.dma_semaphore, #tpu.memory_space<semaphore_mem>>) src(%dma_wait3A_810 : memref<64x256xf32, #tpu.memory_space<vmem>>) dst(%dma_wait3A_806 : memref<64x256xf32, #tpu.memory_space<hbm>>)
    %dma_wait3A_811 = arith.constant 3 : i32
    %dma_wait3A_812 = arith.constant 0 : i32
    %dma_wait3A_813 = arith.constant 0 : i32
    %dma_wait3A_814 = tpu.memref_slice %arg8[%dma_wait3A_811, %dma_wait3A_812, %dma_wait3A_813] : memref<4x64x256xf32, #tpu.memory_space<vmem>> -> memref<1x64x256xf32, #tpu.memory_space<vmem>>
    %dma_wait3A_815 = tpu.memref_squeeze %dma_wait3A_814 : memref<1x64x256xf32, #tpu.memory_space<vmem>> -> memref<64x256xf32, #tpu.memory_space<vmem>>
    %dma_wait3A_816 = arith.constant 0 : i32
    %dma_wait3A_817 = tpu.memref_slice %arg4[%add3A_758, %dma_wait3A_816] : memref<32768x256xf32, #tpu.memory_space<hbm>> -> memref<64x256xf32, #tpu.memory_space<hbm>>
    %dma_wait3A_818 = arith.constant 0 : i32
    %dma_wait3A_819 = tpu.memref_slice %arg4[%add3A_758, %dma_wait3A_818] : memref<32768x256xf32, #tpu.memory_space<hbm>> -> memref<64x256xf32, #tpu.memory_space<hbm>>
    %dma_wait3A_820 = arith.constant 0 : i32
    %dma_wait3A_821 = arith.constant 0 : i32
    %dma_wait3A_822 = tpu.memref_slice %arg8[%dma_wait3A_811, %dma_wait3A_820, %dma_wait3A_821] : memref<4x64x256xf32, #tpu.memory_space<vmem>> -> memref<1x64x256xf32, #tpu.memory_space<vmem>>
    %dma_wait3A_823 = tpu.memref_squeeze %dma_wait3A_822 : memref<1x64x256xf32, #tpu.memory_space<vmem>> -> memref<64x256xf32, #tpu.memory_space<vmem>>
    tpu.wait_dma2 semaphore(%arg16 : memref<!tpu.dma_semaphore, #tpu.memory_space<semaphore_mem>>) src(%dma_wait3A_823 : memref<64x256xf32, #tpu.memory_space<vmem>>) dst(%dma_wait3A_819 : memref<64x256xf32, #tpu.memory_space<hbm>>)
    return
  }
}

module attributes {stable_mosaic.version = 14 : i64} {
  func.func @_ctx_body(%arg0: i32, %arg1: i32, %arg2: memref<16x256xf32, #tpu.memory_space<vmem>>, %arg3: memref<2048x256xf32, #tpu.memory_space<vmem>>) attributes {dimension_semantics = [#tpu.dimension_semantics<arbitrary>, #tpu.dimension_semantics<arbitrary>], iteration_bounds = array<i64: 16, 1>, scalar_prefetch = 0 : i64, scratch_operands = 0 : i64, tpu.core_type = #tpu.core_type<tc>, window_params = [{pipeline_mode = #tpu.pipeline_mode<synchronous>, transform_indices = @transform_0, window_bounds = array<i64: 16, 256>}, {transform_indices = @transform_1, window_bounds = array<i64: 2048, 256>}]} {
    %get3A = arith.index_cast %arg0 : i32 to index
    %get3A_0 = arith.constant 0 : index
    %get3A_1 = vector.load %arg2[%get3A, %get3A_0] : memref<16x256xf32, #tpu.memory_space<vmem>>, vector<1x256xf32>
    %broadcast_in_dim3A = vector.shape_cast %get3A_1 : vector<1x256xf32> to vector<1x256xf32>
    %broadcast_in_dim3A_2 = vector.broadcast %broadcast_in_dim3A : vector<1x256xf32> to vector<2048x256xf32>
    %swap3A = arith.constant 0 : index
    %swap3A_3 = arith.constant 0 : index
    %swap3A_4 = vector.load %arg3[%swap3A, %swap3A_3] : memref<2048x256xf32, #tpu.memory_space<vmem>>, vector<2048x256xf32>
    tpu.vector_store %arg3[%swap3A, %swap3A_3], %broadcast_in_dim3A_2 {strides = array<i32>} : memref<2048x256xf32, #tpu.memory_space<vmem>>, vector<2048x256xf32>,
    return
  }
  func.func @transform_0(%arg0: i32, %arg1: i32) -> (i32, i32) {
    %c0_i32 = arith.constant 0 : i32
    %c0_i32_0 = arith.constant 0 : i32
    %c0_i32_1 = arith.constant 0 : i32
    return %c0_i32, %c0_i32_0 : i32, i32
  }
  func.func @transform_1(%arg0: i32, %arg1: i32) -> (i32, i32) {
    %mul3A = arith.constant 1 : i32
    %mul3A_0 = arith.muli %arg0, %mul3A : i32
    %add3A = arith.addi %mul3A_0, %arg1 : i32
    %c0_i32 = arith.constant 0 : i32
    %c0_i32_1 = arith.constant 0 : i32
    return %add3A, %c0_i32 : i32, i32
  }
}

</mosaic_0001>

<sc_bundles>
// kernel: kernel.4.cloned.1.call-start
scs
__scs_entry_jumppad:
0x0: {  	(pc) =	sbr.rel $0x88, $3  }
0x1: {  	(tag) =	ssettag $0x0;
	lr =	simm.s32 $0x1  }
0x2: {  	[smem:$0x3F9E] =	sst lr;
	_ =	strace $0xD0000000  }
0x3: {  	_ = 	snop  }
0x4: {  	_ = 	snop  }
0x5: {  	_ = 	snop  }
0x6: {  	_ = 	snop  }
0x7: {  	_ = 	snop  }
__scs_overlays_trampoline_lowered:
0x8: {  	[smem:$0x3FAD] =	sst s0  }
0x9: {  	[smem:$0x3FAE] =	sst s1  }
0xa: {  	[smem:$0x3FAF] =	sst s2  }
0xb: {  	[smem:$0x3FB0] =	sst s3  }
0xc: {  	[smem:$0x3FB1] =	sst s4  }
0xd: {  	[smem:$0x3FB2] =	sst s5  }
0xe: {  	[smem:$0x3FB3] =	sst s6  }
0xf: {  	[smem:$0x3FB4] =	sst s7  }
0x10: {  	[smem:$0x3FB5] =	sst s8  }
0x11: {  	[smem:$0x3FB6] =	sst s9;
	s0 =	simm.s32 @!p0 $0x0  }
0x12: {  	s1 =	sld [smem:$0x3F9C];
	s0 =	simm.s32 @p0 $0x1  }
0x13: {  	[smem:$0x3FB7] =	sst s0;
	s0 =	simm.s32 @!p1 $0x0  }
0x14: {  	s2 =	sld [smem:$0x3F9B];
	s0 =	simm.s32 @p1 $0x1  }
0x15: {  	[smem:$0x3FB8] =	sst s0;
	s0 =	simm.s32 @!p2 $0x0  }
0x16: {  	s3 =	sld [smem:$0x3FDB];
	s0 =	simm.s32 @p2 $0x1  }
0x17: {  	s4 =	simm.s32 $0x1BF5;
	[smem:$0x3FBA] =	sst s0  }
0x18: {  	s0 =	sld [smem:$0x3F9D];
	_ =	swait.ge [sflag:s4], $0x0  }
0x19: {  	s7 =	sld [smem:$0x3F9E]  }
0x1a: {  	s8 =	sadd.s32 $0xFFFFE003, lr  }
0x1b: {  	s9 =	sadd.s32 $0xFFFFFEF7, lr;
	s5 =	simm.s32 $0xFFFFFFFF;
	p2 =	slt.u32 s8, $0xFFFFF086  }
0x1c: {  	p1 =	slt.u32 s9, $0xF7A;
	s5 =	simm.s32 @!p2 $0x0  }
0x1d: {  	s5 =	simm.s32 @p1 $0x1;
	p0 =	seq.s32 s7, s2  }
0x1e: {  	s7 =	smul.u32 @!p0 $0xF7A, s2;
	p2 =	seq.s32 @!p0 s5, $0x0  }
0x1f: {  	s9 =	smul.u32 $0xF7A, s1;
	s8 =	simm.s32 @!p0 $0x1BF5;
	p2 =	por !p2, p0  }
0x20: {  	[sflag:s8] =	ssyncset.s32 @!p0 $0xFFFFF086;
	s6 =	sadd.s32 @!p0 s3, s7;
	s7 =	simm.s32 @!p0 $0x108  }
0x21: {  	s3 =	sadd.s32 s3, s9;
	s6 =	sadd.s32 @!p0 $0x88, s6;
	s7 =	simm.s32 @p2 $0x1082  }
0x22: {  	[simem:s7], [sflag:s8] =	dma.local @!p0 [hbm:s6], $0xF7A  }
0x23: {  	s9 =	sor.u32 $0xD0000000, s2;
	s6 =	simm.s32 $0x108;
	_ =	swait.ge @!p0 [sflag:s8], $0x0  }
0x24: {  	s3 =	sadd.s32 $0x88, s3;
	s6 =	simm.s32 @!p1 $0x1082;
	[sflag:s4] =	ssyncset.s32 $0xFFFFF086  }
0x25: {  	[simem:s6], [sflag:s4] =	dma.local [hbm:s3], $0xF7A  }
0x26: {  	[smem:$0x3F9E] =	sst s1;
	(tag) =	ssettag s2;
	_ =	strace s9  }
0x27: {  	s1 =	sld [smem:$0x3FAE]  }
0x28: {  	s2 =	sld [smem:$0x3FAF]  }
0x29: {  	s4 =	sld [smem:$0x3FB1]  }
0x2a: {  	p0 =	seq.s32 s5, $0x0;
	s5 =	sld [smem:$0x3FB2]  }
0x2b: {  	s6 =	sld [smem:$0x3FB3]  }
0x2c: {  	s7 =	sld [smem:$0x3FB4]  }
0x2d: {  	s3 =	simm.s32 $0x108;
	s8 =	sld [smem:$0x3FB5]  }
0x2e: {  	s3 =	simm.s32 @!p0 $0x1082;
	s9 =	sld [smem:$0x3FB6]  }
0x2f: {  	lr =	sadd.s32 s0, s3;
	s0 =	sld [smem:$0x3FAD]  }
0x30: {  	s3 =	sld [smem:$0x3FB0]  }
0x31: {  	[smem:$0x3FB9] =	sst s10  }
0x32: {  	s10 =	sld [smem:$0x3FB7];
	_ =	sdelay $0x3  }
0x33: {  	p0 =	seq.s32 s10, $0x1;
	s10 =	sld [smem:$0x3FB9];
	_ =	sdelay $0x3  }
0x34: {  	[smem:$0x3FB9] =	sst s10  }
0x35: {  	s10 =	sld [smem:$0x3FB8];
	_ =	sdelay $0x3  }
0x36: {  	p1 =	seq.s32 s10, $0x1;
	s10 =	sld [smem:$0x3FB9];
	_ =	sdelay $0x3  }
0x37: {  	[smem:$0x3FB9] =	sst s10  }
0x38: {  	s10 =	sld [smem:$0x3FBA]  }
0x39: {  	_ = 	snop;
	(pc) =	sbr.ind lr, $3  }
0x3a: {  	_ = 	snop  }
0x3b: {  	_ = 	snop  }
0x3c: {  	p2 =	seq.s32 s10, $0x1;
	s10 =	sld [smem:$0x3FB9]  }
0x3d: {  	_ =	shalt  }
0x3e: {  	_ =	shalt  }
0x3f: {  	_ =	shalt  }
0x40: {  	_ =	shalt  }
0x41: {  	_ =	shalt  }
0x42: {  	_ =	shalt  }
0x43: {  	_ =	shalt  }
0x44: {  	_ =	shalt  }
0x45: {  	_ =	shalt  }
0x46: {  	_ =	shalt  }
0x47: {  	_ =	shalt  }
0x48: {  	_ =	shalt  }
0x49: {  	_ =	shalt  }
0x4a: {  	_ =	shalt  }
0x4b: {  	_ =	shalt  }
0x4c: {  	_ =	shalt  }
0x4d: {  	_ =	shalt  }
0x4e: {  	_ =	shalt  }
0x4f: {  	_ =	shalt  }
0x50: {  	_ =	shalt  }
0x51: {  	_ =	shalt  }
0x52: {  	_ =	shalt  }
0x53: {  	_ =	shalt  }
0x54: {  	_ =	shalt  }
0x55: {  	_ =	shalt  }
0x56: {  	_ =	shalt  }
0x57: {  	_ =	shalt  }
0x58: {  	_ =	shalt  }
0x59: {  	_ =	shalt  }
0x5a: {  	_ =	shalt  }
0x5b: {  	_ =	shalt  }
0x5c: {  	_ =	shalt  }
0x5d: {  	_ =	shalt  }
0x5e: {  	_ =	shalt  }
0x5f: {  	_ =	shalt  }
0x60: {  	_ =	shalt  }
0x61: {  	_ =	shalt  }
0x62: {  	_ =	shalt  }
0x63: {  	_ =	shalt  }
0x64: {  	_ =	shalt  }
0x65: {  	_ =	shalt  }
0x66: {  	_ =	shalt  }
0x67: {  	_ =	shalt  }
0x68: {  	_ =	shalt  }
0x69: {  	_ =	shalt  }
0x6a: {  	_ =	shalt  }
0x6b: {  	_ =	shalt  }
0x6c: {  	_ =	shalt  }
0x6d: {  	_ =	shalt  }
0x6e: {  	_ =	shalt  }
0x6f: {  	_ =	shalt  }
0x70: {  	_ =	shalt  }
0x71: {  	_ =	shalt  }
0x72: {  	_ =	shalt  }
0x73: {  	_ =	shalt  }
0x74: {  	_ =	shalt  }
0x75: {  	_ =	shalt  }
0x76: {  	_ =	shalt  }
0x77: {  	_ =	shalt  }
0x78: {  	_ =	shalt  }
0x79: {  	_ =	shalt  }
0x7a: {  	_ =	shalt  }
0x7b: {  	_ =	shalt  }
0x7c: {  	_ =	shalt  }
0x7d: {  	_ =	shalt  }
0x7e: {  	_ =	shalt  }
0x7f: {  	_ =	shalt  }
0x80: {  	_ =	shalt  }
0x81: {  	_ =	shalt  }
0x82: {  	_ =	shalt  }
0x83: {  	_ =	shalt  }
0x84: {  	_ =	shalt  }
0x85: {  	_ =	shalt  }
0x86: {  	_ =	shalt  }
0x87: {  	_ =	shalt  }
.Lfunc_end0:
.L_simem_size_0:
called_computation_lowered:
.L_overlay_start_0:
0x88: {  	s2 =	sld [smem:$0x3FD9]  }
0x89: {  	s3 =	sld [smem:$0x3FFE];
	_ =	sdelay $0x1  }
0x8a: {  	s1 =	srdreg.scid  }
0x8b: {  	s0 =	sand.u32 $0x1, s1  }
0x8c: {  	s14 =	sshll.u32 s0, $0xA;
	s2 =	sadd.s32 s3, s2  }
0x8d: {  	s2 =	sadd.s32 s2, s14  }
0x8e: {  	[smem:$0x3FC5] =	sst s2  }
0x8f: {  	_ = 	snop  }
0x90: {  	s2 =	sld [smem:$0x3FD0];
	_ =	sdelay $0x2  }
0x91: {  	s4 =	simm.s32 $0xA;
	s5 =	simm.s32 $0x10;
	s15 =	sld [smem:$0x3FC8]  }
0x92: {  	[smem:s5], [sflag:s4] =	dma.local [hbm:s2], $0x1  }
0x93: {  	_ =	swait.eq [sflag:s4], $0x1  }
0x94: {  	[sflag:s4] =	ssyncset.done $0x0  }
0x95: {  	[sflag:s4] =	ssyncadd.s32 $0xFFFFFFFF  }
0x96: {  	s16 =	sld [smem:$0x11];
	(tm) =	ssettm $0x1  }
0x97: {  	s17 =	sld [smem:$0x3FFB];
	_ =	sdelay $0x3  }
0x98: {  	_ =	strace s17  }
0x99: {  	s4 =	sld [smem:$0x3FFC];
	_ =	sdelay $0x3  }
0x9a: {  	_ =	strace s4  }
0x9b: {  	s4 =	sld [smem:$0x3FFD];
	_ =	sdelay $0x3  }
0x9c: {  	_ =	strace s4  }
0x9d: {  	_ =	strace $0x8FFFFFFF  }
0x9e: {  	s18 =	sld [smem:$0x3FDB];
	_ =	sdelay $0x1  }
0x9f: {  	s19 =	simm.s32 $_scs_section_size  }
0xa0: {  	s6 =	simm.s32 $_size__tile_overlayer_lowered;
	s7 =	simm.s32 $_tile_overlayer_lowered  }
0xa1: {  	s22 =	simm.s32 $0x1BFF;
	s21 =	sshll.u32 s7, $0x1;
	s4 =	sadd.s32 s19, s18  }
0xa2: {  	s8 =	simm.s32 $0x0;
	s20 =	sshll.u32 s6, $0x1;
	s6 =	sadd.s32 s21, s4  }
0xa3: {  	[timem:s8], [sflag:s22] =	dma.local [hbm:s6], s20  }
0xa4: {  	_ =	swait.ge [sflag:s22], s20  }
0xa5: {  	s5 =	ssub.s32 $0x0, s20;
	[sflag:s22] =	ssyncset.done $0x0  }
0xa6: {  	[sflag:s22] =	ssyncadd.s32 s5;
	_ =	sdelay $0x1  }
0xa7: {  	s23 =	simm.s32 $0x1B8B  }
0xa8: {  	_ =	swait.ge [sflag:s23], $0x1  }
0xa9: {  	[sflag:s23] =	ssyncset.done $0x0  }
0xaa: {  	s25 =	simm.s32 $0x1B8E;
	s24 =	sld [smem:$0x3FFE];
	[sflag:s23] =	ssyncadd.s32 $0xFFFFFFFF  }
0xab: {  	s26 =	simm.s32 $execute0_lowered;
	[smem:$0x3FD2] =	sst s25  }
0xac: {  	s6 =	sshll.u32 s26, $0x1;
	_ =	strace $0x80000046;
	[dreg:$0x1] =	wrdreg $0xFFFFFFFF  }
0xad: {  	s28 =	simm.s32 $_size_execute0_lowered;
	s4 =	sadd.s32 s4, s6;
	[dreg:$0x0] =	wrdreg $0x0  }
0xae: {  	s6 =	sshll.u32 s28, $0x1;
	[dreg:$0x2] =	wrdreg s4  }
0xaf: {  	[dreg:$0x3] =	wrdreg s6  }
0xb0: {  	[dreg:$0x4] =	wrdreg $0xC0  }
0xb1: {  	_ =	task [dreg:s8], $0x5FFFF  }
0xb2: {  	[dreg:$0x1] =	wrdreg $0xFFFFFFFF  }
0xb3: {  	[dreg:$0x0] =	wrdreg $0x60  }
0xb4: {  	[dreg:$0x2] =	wrdreg s24  }
0xb5: {  	[dreg:$0x3] =	wrdreg s15  }
0xb6: {  	[dreg:$0x4] =	wrdreg s16  }
0xb7: {  	[dreg:$0x5] =	wrdreg $0x9  }
0xb8: {  	_ =	task.clear_ibuf [dreg:s8], $0x6FFFF;
	_ =	strace $0x90000046  }
0xb9: {  	s29 =	simm.s32 $0x9;
	_ =	strace $0x80000048  }
0xba: {  	_ =	swait.ge [sflag:s29], $0x1  }
0xbb: {  	[sflag:s29] =	ssyncadd.s32 $0xFFFFFFFF  }
0xbc: {  	_ =	strace $0x90000048  }
0xbd: {  	_ =	sfence  }
0xbe: {  	s30 =	sld [smem:$0x0];
	_ =	sdelay $0x2  }
0xbf: {  	s31 =	sshll.u32 s1, $0xD;
	s1 =	sshrl.u32 s1, $0x2  }
0xc0: {  	s3 =	sand.u32 $0x4000, s31;
	s1 =	sadd.s32 s1, s30  }
0xc1: {  	s0 =	sor.u32 s3, s0;
	s1 =	sshll.u32 s1, $0x11  }
0xc2: {  	s0 =	sor.u32 s1, s0  }
0xc3: {  	s0 =	sadd.s32 $0x8F2B, s0  }
0xc4: {  	[sflag:s0] =	ssyncadd.remote.s32 $0x1  }
0xc5: {  	_ =	sfence.sel $0xFFFF  }
0xc6: {  	[dreg:$0x0] =	wrdreg $0xFFFFFFFF;
	(pc) =	sbr.abs _section_cstart, $3  }
0xc7: {  	[dreg:$0x1] =	wrdreg $0xFFFFFFFF  }
0xc8: {  	_ =	task.clear_ibuf [dreg:s8], $0x2FFFF;
	_ =	strace $0x9FFFFFFF  }
0xc9: {  	(tm) =	ssettm $0x7FFFFFFF  }
tec
execute0_lowered:
.L_overlay_start_1:
0x0: {  	(tag) =	ssettag $0x1  }
0x1: {  	s0 =	srdreg.scid  }
0x2: {  	s4 =	stileid.u32;
	s0 =	sand.u32 $0x1, s0  }
0x3: {  	s12 =	rddreg [dreg:$0x0];
	s1 =	sor.u32 s0, s4  }
0x4: {  	s2 =	simm.s32 $0x1;
	p1 =	seq.s32 s0, $0x1;
	p0 =	seq.s32 s1, $0x0  }
0x5: {  	s3 =	rddreg [dreg:$0x2];
	s7 =	simm.s32 $0x0;
	p0 =	por !p0, !p1  }
0x6: {  	[smem:$0x7FF] =	sst s7;
	s8 =	sshll.u32 s0, $0xA;
	p0 =	por !p0, !p0  }
0x7: {  	_ =	strace $0x80000047;
	s0 =	ssub.s32 $0x2, s0;
	s2 =	simm.s32 @!p0 $0x0  }
0x8: {  	s14 =	sshrl.u32 s0, $0x1;
	[dreg:$0x1c] =	wrdreg s8;
	s2 =	ssub.s32 s4, s2  }
0x9: {  	s31 =	sor.u32 $0x100, s8;
	s0 =	ssub.s32 s0, s14;
	s2 =	sshll.u32 s2, $0xB  }
0xa: {  	[smem:$0x7FD] =	sst s31;
	s13 =	sor.u32 s8, s2;
	s5 =	sshrl.u32 s2, $0x3  }
0xb: {  	s0 =	smax.u32 s0, $0x1;
	s4 =	sshll.u32 s13, $0x5;
	s1 =	sadd.s32 s5, s12  }
0xc: {  	[smem:$0x7FC] =	sst s0;
	s6 =	sand.u32 $0x1FFF8000, s4;
	s1 =	sadd.s32 $0x600, s1  }
0xd: {  	[dreg:$0x1d] =	wrdreg s1;
	s15 =	sadd.s32 s6, s3;
	s3 =	sadd.s32 s3, s4  }
0xe: {  	[dreg:$0x1e] =	wrdreg s3;
	s16 =	sadd.s32 $0x800, s15  }
0xf: {  	s17 =	sadd.s32 $0x1000, s15;
	[dreg:$0x1f] =	wrdreg s16  }
0x10: {  	s18 =	sadd.s32 $0x1800, s15;
	[smem:$0x7EE] =	sst s17  }
0x11: {  	s19 =	sadd.s32 $0x2000, s15;
	[smem:$0x7EF] =	sst s18  }
0x12: {  	s20 =	sadd.s32 $0x2800, s15;
	[smem:$0x7F0] =	sst s19  }
0x13: {  	s21 =	sadd.s32 $0x3000, s15;
	[smem:$0x7F1] =	sst s20  }
0x14: {  	s22 =	sadd.s32 $0x3800, s15;
	[smem:$0x7F2] =	sst s21  }
0x15: {  	s23 =	sadd.s32 $0x4000, s15;
	[smem:$0x7F3] =	sst s22  }
0x16: {  	s24 =	sadd.s32 $0x4800, s15;
	[smem:$0x7F4] =	sst s23  }
0x17: {  	v1 =	vlaneseq.u32;
	vm3 =	vcmask $0x704;
	vm4 =	vcmask $0xB08;
	s25 =	sadd.s32 $0x5000, s15;
	[smem:$0x7F5] =	sst s24  }
0x18: {  	vm2 =	vcmask $0xF0C;
	vm6 =	vcmask $0x1310;
	vm5 =	vcmask $0x1714;
	s26 =	sadd.s32 $0x5800, s15;
	[smem:$0x7F6] =	sst s25  }
0x19: {  	vm13 =	vcmask $0x1B18;
	vm7 =	vcmask $0x1F1C;
	vm10 =	vcmask $0x2320;
	s28 =	sadd.s32 $0x6000, s15;
	[smem:$0x7F7] =	sst s26  }
0x1a: {  	vm11 =	vcmask $0x2724;
	vm1 =	vmmov $0xffff;
	v5 =	vimm.s32 $0x0;
	s29 =	sadd.s32 $0x6800, s15;
	[smem:$0x7F8] =	sst s28  }
0x1b: {  	vm8 =	vcmask $0x2F2C;
	vm14 =	vcmask $0x3330;
	vm15 =	vcmask $0x3734;
	s30 =	sadd.s32 $0x7000, s15;
	[smem:$0x7F9] =	sst s29  }
0x1c: {  	v2 =	vand.u32 $0x7, v1;
	v3 =	vshrl.u32 v1, $0x3;
	v5 =	vsel vm1, $0xFFFFFFFF, v5;
	s1 =	sadd.s32 $0x7800, s15;
	[smem:$0x7FA] =	sst s30  }
0x1d: {  	v4 =	vor.u32 $0x8, v1;
	v3 =	vmul.u32 $0x8, v3;
	[tilespmem:$0x1FFF0] =	vst v5;
	v0 =	vmov s2;
	[smem:$0x7FB] =	sst s1;
	s1 =	simm.s32 $0x0  }
.LBB2_1:
0x1e: {  	[smem:$0x7ED] =	sst s1  }
0x1f: {  	s0 =	rddreg [dreg:$0x1d];
	s30 =	simm.s32 $0x9  }
0x20: {  	[tilespmem:s7], [sflag:$0x9] =	stream.linear.gather [hbm4b:s0+s7], $0x800, $0x38;
	[tilespmem:$0x11400] =	vst v63  }
0x21: {  	_ =	swait.ge [sflag:s30], $0x800  }
0x22: {  	[sflag:s30] =	ssyncset.done $0x0  }
0x23: {  	[sflag:s30] =	ssyncadd.s32 $0xFFFFF800  }
0x24: {  	v5 =	vld [tilespmem:s7+$0x0];
	_ =	sdelay $0x4  }
0x25: {  	(xrf0) =	vadd.scan.msk.s32 $0xffff, v5;
	_ =	sdelay $0x4  }
0x26: {  	v6 =	vmov s7  }
0x27: {  	v6 =	vadd.s32 $0xFFFFFFFF, v6;
	vm0 =	vne.s32 v5, $0x0;
	v5, _, _ =	vpop (xrf0)  }
0x28: {  	v6 =	vbroadcast v6, $0x0;
	(v2sf) =	vpush v5, $0xF;
	_ =	sdelay $0x1  }
0x29: {  	v6 =	vadd.s32 v5, v6;
	_ =	sdelay $0x3  }
0x2a: {  	v7 =	vor.u32 s7, v1;
	s31 =	simm.s32 $0x800  }
0x2b: {  	s17 =	simm.s32 $0x10;
	[tilespmem:v6+s31+$0x0] =	vst.idx.msk vm0, v7  }
0x2c: {  	vm9 =	vmmov vm7;
	vm7 =	vmmov vm5;
	vm5 =	vmmov vm2;
	s1 =	simm.s32 $0x20;
	s2 =	simm.s32 $0x10;
	s0 =	simm.s32 $0x0;
	v6 =	vld [tilespmem:s17+$0x0]  }
.LBB2_2:
0x2d: {  	p0 =	sne.s32 s1, $0x7F0;
	_ =	sdelay $0x3  }
0x2e: {  	vm0 =	vne.s32 v6, $0x0;
	(xrf0) =	vadd.scan.msk.s32 $0xffff, v6;
	_ =	sdelay $0x1  }
0x2f: {  	s3 =	spop (v2sf)  }
0x30: {  	s0 =	sadd.s32 s0, s3  }
0x31: {  	v5 =	vmov s0  }
0x32: {  	v5 =	vadd.s32 $0xFFFFFFFF, v5  }
0x33: {  	v5 =	vbroadcast v5, $0x0;
	v6, _, _ =	vpop (xrf0)  }
0x34: {  	(v2sf) =	vpush v6, $0xF  }
0x35: {  	v5 =	vadd.s32 v6, v5;
	_ =	sdelay $0x2  }
.Ltmp0:
0x36: {  	(pc) =	sbr.rel @p0 .LBB2_2-.Ltmp0, $4  }
0x37: {  	s3 =	simm.s32 $0x800;
	v6 =	vor.u32 s17, v1;
	s17 =	smov.u32 s1  }
0x38: {  	[tilespmem:v5+s3+$0x0] =	vst.idx.msk vm0, v6  }
0x39: {  	s2 =	sadd.s32 $0x10, s2  }
0x3a: {  	s1 =	sadd.s32 $0x10, s1;
	v6 =	vld [tilespmem:s2+$0x0]  }
0x3b: {  	_ =	sdelay $0x3  }
0x3c: {  	(xrf0) =	vadd.scan.msk.s32 $0xffff, v6;
	_ =	sdelay $0x5  }
0x3d: {  	v7, _, _ =	vpop (xrf0)  }
0x3e: {  	(v2sf) =	vpush v7, $0xF;
	_ =	sdelay $0xd  }
0x3f: {  	s1 =	spop (v2sf)  }
0x40: {  	s4 =	sadd.s32 s0, s1;
	s23 =	spop (v2sf)  }
0x41: {  	s0 =	sadd.s32 s4, s23  }
0x42: {  	s24 =	smax.u32 s0, $0x1  }
0x43: {  	v5 =	vmov s24  }
0x44: {  	(v2sf) =	vpush v5, $0x7  }
0x45: {  	(v2sf) =	vpush v5, $0xE  }
0x46: {  	(v2sf) =	vpush v5, $0xC  }
0x47: {  	(v2sf) =	vpush v5, $0xB  }
0x48: {  	(v2sf) =	vpush v5, $0x0  }
0x49: {  	(v2sf) =	vpush v5, $0x1  }
0x4a: {  	(v2sf) =	vpush v5, $0xA  }
0x4b: {  	s25 =	rddreg [dreg:$0x1c];
	(v2sf) =	vpush v5, $0x8  }
0x4c: {  	v8 =	vor.u32 s25, v1;
	(v2sf) =	vpush v5, $0xF  }
0x4d: {  	(v2sf) =	vpush v8, $0x4  }
0x4e: {  	(v2sf) =	vpush v8, $0x3  }
0x4f: {  	(v2sf) =	vpush v5, $0x2  }
0x50: {  	(v2sf) =	vpush v5, $0x3  }
0x51: {  	(v2sf) =	vpush v5, $0x4  }
0x52: {  	(v2sf) =	vpush v5, $0x5  }
0x53: {  	(v2sf) =	vpush v5, $0x6;
	s3 =	spop (v2sf)  }
0x54: {  	(v2sf) =	vpush v8, $0x6;
	s10 =	spop (v2sf)  }
0x55: {  	(v2sf) =	vpush v8, $0x1;
	s5 =	spop (v2sf)  }
0x56: {  	(v2sf) =	vpush v8, $0x2;
	s11 =	spop (v2sf)  }
0x57: {  	s13 =	spop (v2sf);
	(v2sf) =	vpush v8, $0x5  }
0x58: {  	(v2sf) =	vpush v8, $0x0;
	s0 =	spop (v2sf)  }
0x59: {  	s12 =	spop (v2sf);
	(v2sf) =	vpush v8, $0xF  }
0x5a: {  	s2 =	spop (v2sf)  }
0x5b: {  	s18 =	spop (v2sf)  }
0x5c: {  	(v2sf) =	vpush v8, $0x7;
	s20 =	spop (v2sf)  }
0x5d: {  	s19 =	spop (v2sf)  }
0x5e: {  	s6 =	spop (v2sf)  }
0x5f: {  	s21 =	spop (v2sf)  }
0x60: {  	s22 =	spop (v2sf)  }
0x61: {  	p0 =	slt.s32 s24, $0x0;
	s8 =	sshra.s32 s3, $0x1F;
	s23 =	spop (v2sf)  }
0x62: {  	s3 =	sxor.u32 s8, s3;
	s24 =	sshra.s32 s10, $0x1F;
	s7 =	spop (v2sf)  }
0x63: {  	s14 =	ssub.s32 s3, s8;
	s26 =	sshra.s32 s5, $0x1F;
	s30 =	spop (v2sf)  }
0x64: {  	s1 =	sxor.u32 s24, s10;
	s15 =	sshra.s32 s11, $0x1F;
	s8 =	spop (v2sf)  }
0x65: {  	s5 =	sxor.u32 s26, s5;
	s3 =	ssub.s32 s1, s24;
	s9 =	spop (v2sf)  }
0x66: {  	s11 =	sxor.u32 s15, s11;
	s5 =	ssub.s32 s5, s26;
	(v2sf) =	vpush v8, $0x8;
	s25 =	spop (v2sf)  }
0x67: {  	[dreg:$0x9] =	wrdreg s3;
	s24 =	sshra.s32 s13, $0x1F;
	(v2sf) =	vpush v8, $0x9;
	s16 =	spop (v2sf)  }
0x68: {  	s15 =	ssub.s32 s11, s15;
	s1 =	sshra.s32 s18, $0x1F;
	(v2sf) =	vpush v8, $0xA;
	s10 =	spop (v2sf)  }
0x69: {  	s13 =	sxor.u32 s24, s13;
	s18 =	sxor.u32 s1, s18;
	s11 =	sshra.s32 s10, $0x1F  }
0x6a: {  	s3 =	ssub.s32 s13, s24;
	s24 =	ssub.s32 s18, s1;
	s26 =	sxor.u32 s11, s10  }
0x6b: {  	s28 =	spop (v2sf);
	s13 =	ssub.s32 s26, s11;
	s26 =	sshra.s32 s21, $0x1F  }
0x6c: {  	(drf) =	srem.u32 s13, s24;
	s13 =	sshra.s32 s19, $0x1F;
	s24 =	sshra.s32 s12, $0x1F  }
0x6d: {  	s1 =	sxor.u32 s26, s21;
	s21 =	sshra.s32 s23, $0x1F;
	s19 =	sxor.u32 s13, s19  }
0x6e: {  	(v2sf) =	vpush v8, $0xB;
	s10 =	ssub.s32 s1, s26;
	s26 =	sxor.u32 s21, s23;
	s1 =	sshra.s32 s22, $0x1F  }
0x6f: {  	s23 =	sshra.s32 s25, $0x1F;
	s12 =	sxor.u32 s24, s12;
	s19 =	ssub.s32 s19, s13  }
0x70: {  	s18 =	ssub.s32 s26, s21;
	s26 =	sxor.u32 s23, s25;
	s22 =	sxor.u32 s1, s22  }
0x71: {  	[dreg:$0xe] =	wrdreg s23;
	(drf) =	srem.u32 s19, s10;
	s10 =	sshra.s32 s20, $0x1F  }
0x72: {  	(v2sf) =	vpush v5, $0x9;
	s25 =	sshra.s32 s2, $0x1F;
	s21 =	ssub.s32 s22, s1;
	s20 =	sxor.u32 s10, s20  }
0x73: {  	s19 =	ssub.s32 s26, s23;
	s2 =	sxor.u32 s25, s2;
	s20 =	ssub.s32 s20, s10  }
0x74: {  	s2 =	ssub.s32 s2, s25;
	s25 =	sshra.s32 s28, $0x1F;
	(drf) =	srem.u32 s20, s21  }
0x75: {  	s23 =	spop (v2sf);
	s21 =	ssub.s32 s12, s24;
	s24 =	sshra.s32 s0, $0x1F  }
0x76: {  	(drf) =	srem.u32 s19, s18;
	s29 =	sshra.s32 s23, $0x1F;
	s20 =	spop (v2sf)  }
0x77: {  	(v2sf) =	vpush v5, $0xD;
	s0 =	sxor.u32 s24, s0;
	s26 =	sxor.u32 s29, s23;
	s1 =	spop (v2sf)  }
0x78: {  	s31 =	sshra.s32 s20, $0x1F;
	s18 =	ssub.s32 s26, s29;
	s22 =	sshra.s32 s1, $0x1F  }
0x79: {  	(v2sf) =	vpush v8, $0xE;
	s26 =	sxor.u32 s25, s28;
	s28 =	sshra.s32 s8, $0x1F;
	(drf) =	srem.u32 s18, s2  }
0x7a: {  	s23 =	sxor.u32 s22, s1;
	s2 =	sshra.s32 s6, $0x1F;
	s1 =	ssub.s32 s26, s25  }
0x7b: {  	(v2sf) =	vpush v8, $0xC;
	s26 =	ssub.s32 s0, s24;
	s8 =	sxor.u32 s28, s8;
	s12 =	ssub.s32 s23, s22  }
0x7c: {  	s19 =	sxor.u32 s2, s6;
	s23 =	sshra.s32 s9, $0x1F;
	s8 =	ssub.s32 s8, s28  }
0x7d: {  	(v2sf) =	vpush v8, $0xD;
	(drf) =	srem.u32 s12, s21;
	s21 =	spop (v2sf);
	s9 =	sxor.u32 s23, s9  }
0x7e: {  	[dreg:$0xa] =	wrdreg s23;
	s2 =	ssub.s32 s19, s2;
	s6 =	sshra.s32 s21, $0x1F  }
0x7f: {  	(drf) =	srem.u32 s1, s14;
	s1 =	sshra.s32 s16, $0x1F;
	s0 =	sxor.u32 s6, s21  }
0x80: {  	s9 =	ssub.s32 s9, s23;
	s23 =	sshra.s32 s7, $0x1F;
	s14 =	ssub.s32 s0, s6  }
0x81: {  	s16 =	sxor.u32 s1, s16;
	(drf) =	srem.u32 s14, s15;
	s15 =	spop (v2sf)  }
0x82: {  	s21 =	sxor.u32 s31, s20;
	s16 =	ssub.s32 s16, s1;
	s18 =	sshra.s32 s15, $0x1F  }
0x83: {  	s7 =	sxor.u32 s23, s7;
	(drf) =	srem.u32 s16, s3;
	s14 =	sxor.u32 s18, s15  }
0x84: {  	s15 =	ssub.s32 s21, s31;
	s3 =	ssub.s32 s14, s18;
	s14 =	spop (drf)  }
0x85: {  	s16 =	sshra.s32 s30, $0x1F;
	(drf) =	srem.u32 s15, s3;
	s24 =	spop (drf)  }
0x86: {  	s3 =	ssub.s32 s7, s23;
	s23 =	sxor.u32 s11, s14;
	s18 =	spop (v2sf)  }
0x87: {  	(drf) =	srem.u32 s9, s2;
	s20 =	spop (drf);
	s9 =	sxor.u32 s16, s30  }
0x88: {  	s12 =	ssub.s32 s23, s11;
	s24 =	sxor.u32 s13, s24;
	s7 =	spop (v2sf)  }
0x89: {  	(drf) =	srem.u32 s8, s26;
	s26 =	spop (drf);
	s19 =	ssub.s32 s9, s16  }
0x8a: {  	s0 =	sxor.u32 s10, s20;
	s9 =	smov.u32 s22;
	s21 =	spop (v2sf)  }
0x8b: {  	s30 =	sshra.s32 s7, $0x1F;
	(drf) =	srem.u32 s19, s3;
	s15 =	spop (drf)  }
0x8c: {  	v63 =	vmov s4;
	s8 =	sshra.s32 s21, $0x1F;
	s19 =	spop (v2sf);
	s7 =	sxor.u32 s30, s7  }
0x8d: {  	v8 =	vadd.s32 $0xFFFFFFFF, v63;
	s11 =	sxor.u32 s29, s15;
	s20 =	spop (drf);
	s15 =	sshra.s32 s18, $0x1F  }
0x8e: {  	v8 =	vbroadcast v8, $0x0;
	s2 =	sxor.u32 s8, s21;
	s4 =	sshra.s32 s19, $0x1F;
	s21 =	ssub.s32 s24, s13  }
0x8f: {  	vm2 =	vne.s32 v6, $0x0;
	s13 =	sxor.u32 s22, s20;
	s14 =	ssub.s32 s7, s30;
	s23 =	spop (drf)  }
0x90: {  	v6 =	vadd.s32 v7, v8;
	s18 =	sxor.u32 s15, s18;
	s22 =	simm.s32 $0x0;
	s2 =	ssub.s32 s2, s8  }
0x91: {  	s20 =	simm.s32 $0x800;
	s24 =	spop (drf);
	(drf) =	srem.u32 s2, s5  }
0x92: {  	s5 =	ssub.s32 s0, s10;
	s10 =	sxor.u32 s25, s23;
	s7 =	sxor.u32 s6, s24  }
0x93: {  	s24 =	spop (drf);
	s0 =	sxor.u32 s4, s19;
	s23 =	rddreg [dreg:$0x1c]  }
0x94: {  	vm12 =	vmxor vm12, vm12;
	v7 =	vor.u32 s17, v1;
	s3 =	ssub.s32 s0, s4;
	s23 =	sadd.s32 $0x10, s23;
	s19 =	spop (drf)  }
0x95: {  	vm0 =	vcmask $0x3B38;
	vm12 =	vmneg @p0 vm12;
	[tilespmem:v6+s20+$0x0] =	vst.idx.msk vm2, v7;
	vm2 =	vcmask $0x300;
	s2 =	sxor.u32 s31, s19;
	s19 =	simm.s32 $0x40;
	s17 =	spop (drf)  }
.LBB2_4:
0x96: {  	(v2sf) =	vpush v5, $0x7;
	_ =	sdelay $0x1  }
0x97: {  	s24 =	sxor.u32 s1, s24;
	s20 =	rddreg [dreg:$0xa];
	(v2sf) =	vpush v5, $0xE  }
0x98: {  	s0 =	ssub.s32 s24, s1;
	s24 =	rddreg [dreg:$0x9];
	(v2sf) =	vpush v5, $0xC  }
0x99: {  	s15 =	ssub.s32 s18, s15;
	(v2sf) =	vpush v5, $0xB;
	s18 =	spop (drf);
	(drf) =	srem.u32 s14, s24  }
0x9a: {  	s17 =	sxor.u32 s20, s17;
	(drf) =	srem.u32 s3, s15  }
0x9b: {  	v6 =	vmov s12;
	s14 =	ssub.s32 s17, s20;
	(v2sf) =	vpush v5, $0x0;
	s17 =	sxor.u32 s28, s18  }
0x9c: {  	[dreg:$0x6] =	wrdreg s23;
	s13 =	ssub.s32 s13, s9;
	v6 =	vsel vm2, s0, v6;
	(v2sf) =	vpush v5, $0x1;
	s18 =	ssub.s32 s17, s28  }
0x9d: {  	s2 =	ssub.s32 s2, s31;
	s6 =	ssub.s32 s7, s6;
	s25 =	ssub.s32 s10, s25;
	v6 =	vsel vm3, s18, v6  }
0x9e: {  	s9 =	rddreg [dreg:$0xe];
	p0 =	sne.s32 s19, $0x3C0;
	s0 =	smov.u32 s22;
	(v2sf) =	vpush v5, $0xA;
	v6 =	vsel vm4, s14, v6  }
0x9f: {  	s3 =	ssub.s32 s11, s29;
	s20 =	spop (drf);
	s11 =	sxor.u32 s9, s26;
	(v2sf) =	vpush v5, $0x8;
	v7 =	vsel vm5, s21, v6  }
0xa0: {  	s0 =	sshra.s32 s0, $0x2;
	s24 =	sxor.u32 s16, s20;
	s9 =	ssub.s32 s11, s9;
	(v2sf) =	vpush v5, $0xF;
	v7 =	vsel vm6, s5, v7  }
0xa1: {  	s15 =	smov.u32 s19;
	s1 =	spop (drf);
	s12 =	ssub.s32 s24, s16;
	v7 =	vsel vm7, s9, v7  }
0xa2: {  	[dreg:$0xb] =	wrdreg s15;
	s16 =	sadd.s32 $0x40, s19;
	v6 =	vor.u32 s23, v1;
	v7 =	vsel vm13, s12, v7;
	s17 =	spop (drf)  }
0xa3: {  	s14 =	sxor.u32 s8, s1;
	[dreg:$0x5] =	wrdreg s16;
	(v2sf) =	vpush v6, $0x4;
	v7 =	vsel vm9, s25, v7;
	s18 =	spop (drf)  }
0xa4: {  	s8 =	ssub.s32 s14, s8;
	(v2sf) =	vpush v6, $0x3;
	s5 =	sxor.u32 s30, s17;
	v7 =	vsel vm10, s3, v7;
	s22 =	spop (v2sf)  }
0xa5: {  	vm1 =	vcmask $0x2B28;
	(v2sf) =	vpush v5, $0x2;
	s19 =	sxor.u32 s4, s18;
	s20 =	ssub.s32 s5, s30;
	v7 =	vsel vm11, s2, v7;
	s23 =	sshra.s32 s22, $0x1F  }
0xa6: {  	(v2sf) =	vpush v5, $0x3;
	s21 =	ssub.s32 s19, s4;
	v7 =	vsel vm1, s13, v7;
	s24 =	spop (v2sf);
	s3 =	sxor.u32 s23, s22  }
0xa7: {  	(v2sf) =	vpush v5, $0x4;
	v7 =	vsel vm8, s6, v7;
	s25 =	sshra.s32 s24, $0x1F;
	s26 =	spop (v2sf);
	s4 =	ssub.s32 s3, s23  }
0xa8: {  	(v2sf) =	vpush v5, $0x5;
	v7 =	vsel vm14, s8, v7;
	s8 =	sshra.s32 s26, $0x1F;
	s9 =	spop (v2sf);
	s14 =	sxor.u32 s25, s24  }
0xa9: {  	(v2sf) =	vpush v5, $0x6;
	[dreg:$0x12] =	wrdreg s4;
	s10 =	sshra.s32 s9, $0x1F;
	s11 =	sxor.u32 s8, s26  }
0xaa: {  	(v2sf) =	vpush v6, $0x6;
	s12 =	spop (v2sf);
	s16 =	ssub.s32 s14, s25;
	s3 =	sxor.u32 s10, s9  }
0xab: {  	(v2sf) =	vpush v6, $0x1;
	s2 =	ssub.s32 s11, s8;
	s13 =	spop (v2sf);
	[dreg:$0x9] =	wrdreg s16  }
0xac: {  	v7 =	vsel vm15, s21, v7;
	(v2sf) =	vpush v6, $0x2;
	s21 =	sshra.s32 s12, $0x1F;
	[dreg:$0x10] =	wrdreg s2;
	s1 =	ssub.s32 s3, s10  }
0xad: {  	(v2sf) =	vpush v6, $0x5;
	s15 =	spop (v2sf);
	s2 =	sshra.s32 s13, $0x1F;
	s22 =	sxor.u32 s21, s12  }
0xae: {  	v7 =	vsel vm0, s20, v7;
	[dreg:$0x14] =	wrdreg s1;
	s7 =	sshra.s32 s15, $0x1F;
	s17 =	spop (v2sf)  }
0xaf: {  	vm1 =	vne.s32 v7, $0x0;
	(v2sf) =	vpush v6, $0x0;
	s3 =	ssub.s32 s22, s21;
	s19 =	sshra.s32 s17, $0x1F;
	s20 =	spop (v2sf)  }
0xb0: {  	vm1 =	vmand vm12, vm1;
	s16 =	sxor.u32 s7, s15;
	[dreg:$0x16] =	wrdreg s3;
	s15 =	simm.s32 $0x800  }
0xb1: {  	(v2sf) =	vpush v6, $0xF;
	v8 =	vnsel vm1, $0x0, v5;
	s28 =	sshra.s32 s20, $0x1F;
	s6 =	sxor.u32 s19, s17;
	s7 =	ssub.s32 s16, s7  }
0xb2: {  	v7 =	vadd.s32 v7, v8;
	s18 =	spop (v2sf);
	s19 =	ssub.s32 s6, s19;
	s6 =	sxor.u32 s28, s20  }
0xb3: {  	(v2sf) =	vpush v6, $0x7;
	s23 =	spop (v2sf);
	s5 =	sshra.s32 s18, $0x1F;
	[dreg:$0x19] =	wrdreg s19  }
0xb4: {  	s6 =	ssub.s32 s6, s28;
	s4 =	spop (v2sf);
	s11 =	sshra.s32 s23, $0x1F  }
0xb5: {  	(v2sf) =	vpush v6, $0x8;
	s9 =	sshra.s32 s4, $0x1F;
	s8 =	spop (v2sf);
	s31 =	sxor.u32 s11, s23  }
0xb6: {  	(v2sf) =	vpush v6, $0x9;
	s22 =	spop (v2sf);
	s20 =	sshra.s32 s8, $0x1F;
	s12 =	sxor.u32 s9, s4  }
0xb7: {  	v7 =	vld.idx.msk [tilespmem:v7+s15+$0x0], $0xffff;
	(v2sf) =	vpush v6, $0xA;
	s17 =	ssub.s32 s31, s11;
	s24 =	spop (v2sf);
	s30 =	sshra.s32 s22, $0x1F  }
0xb8: {  	s26 =	sxor.u32 s20, s8;
	s9 =	ssub.s32 s12, s9;
	s15 =	spop (v2sf)  }
0xb9: {  	s25 =	sshra.s32 s24, $0x1F;
	s20 =	ssub.s32 s26, s20;
	s10 =	spop (v2sf)  }
0xba: {  	s22 =	sxor.u32 s30, s22;
	s3 =	sxor.u32 s25, s24;
	s21 =	spop (v2sf)  }
0xbb: {  	s14 =	ssub.s32 s3, s25;
	s3 =	sxor.u32 s5, s18;
	s4 =	spop (v2sf)  }
0xbc: {  	v7 =	vadd.s32 v0, v7;
	s28 =	sshra.s32 s21, $0x1F;
	s1 =	sshra.s32 s4, $0x1F;
	s31 =	spop (v2sf)  }
0xbd: {  	(v2sf) =	vpush v6, $0xB;
	[tilespmem:s0+$0x1000] =	vst v7;
	s0 =	sxor.u32 s2, s13;
	s21 =	sxor.u32 s28, s21;
	s8 =	sshra.s32 s31, $0x1F  }
0xbe: {  	s18 =	spop (v2sf);
	s26 =	sxor.u32 s1, s4;
	[dreg:$0xa] =	wrdreg s1  }
0xbf: {  	(v2sf) =	vpush v5, $0x9;
	s13 =	ssub.s32 s0, s2;
	s4 =	ssub.s32 s22, s30;
	[dreg:$0xe] =	wrdreg s8  }
0xc0: {  	s25 =	sxor.u32 s8, s31;
	s31 =	spop (v2sf);
	s26 =	ssub.s32 s26, s1  }
0xc1: {  	(v2sf) =	vpush v5, $0xD;
	s1 =	sshra.s32 s18, $0x1F;
	s8 =	ssub.s32 s25, s8;
	s2 =	sshra.s32 s31, $0x1F  }
0xc2: {  	s19 =	spop (v2sf);
	(v2sf) =	vpush v6, $0xE;
	s18 =	sxor.u32 s1, s18;
	s30 =	sxor.u32 s2, s31  }
0xc3: {  	s25 =	sshra.s32 s19, $0x1F;
	s18 =	ssub.s32 s18, s1;
	s29 =	ssub.s32 s30, s2  }
0xc4: {  	s24 =	spop (v2sf);
	s23 =	sxor.u32 s25, s19;
	(drf) =	srem.u32 s29, s6  }
0xc5: {  	(v2sf) =	vpush v6, $0xC;
	s0 =	sshra.s32 s24, $0x1F;
	s23 =	ssub.s32 s23, s25;
	s19 =	spop (v2sf)  }
0xc6: {  	(v2sf) =	vpush v6, $0xD;
	s22 =	sxor.u32 s0, s24;
	(drf) =	srem.u32 s17, s20;
	s30 =	spop (v2sf)  }
0xc7: {  	s22 =	ssub.s32 s22, s0;
	s31 =	sshra.s32 s19, $0x1F;
	s24 =	sshra.s32 s30, $0x1F  }
0xc8: {  	s16 =	sxor.u32 s31, s19;
	s19 =	sxor.u32 s24, s30;
	s30 =	ssub.s32 s3, s5  }
0xc9: {  	s16 =	ssub.s32 s16, s31;
	s3 =	sshra.s32 s15, $0x1F;
	(drf) =	srem.u32 s30, s4  }
0xca: {  	s15 =	sxor.u32 s3, s15;
	(drf) =	srem.u32 s8, s14;
	s8 =	rddreg [dreg:$0x19]  }
0xcb: {  	s19 =	ssub.s32 s19, s24;
	s15 =	ssub.s32 s15, s3;
	(drf) =	srem.u32 s22, s8  }
0xcc: {  	s17 =	spop (v2sf);
	(drf) =	srem.u32 s19, s7;
	s7 =	ssub.s32 s21, s28  }
0xcd: {  	s12 =	spop (drf);
	s21 =	rddreg [dreg:$0x12];
	s6 =	sshra.s32 s17, $0x1F  }
0xce: {  	s20 =	spop (v2sf);
	(drf) =	srem.u32 s23, s21;
	s12 =	sxor.u32 s2, s12  }
0xcf: {  	s23 =	spop (drf);
	s21 =	rddreg [dreg:$0x14];
	s29 =	sshra.s32 s20, $0x1F  }
0xd0: {  	s17 =	sxor.u32 s6, s17;
	s3 =	spop (v2sf);
	s12 =	ssub.s32 s12, s2  }
0xd1: {  	s20 =	sxor.u32 s29, s20;
	s17 =	ssub.s32 s17, s6;
	s14 =	spop (v2sf)  }
0xd2: {  	s20 =	ssub.s32 s20, s29;
	s29 =	smov.u32 s0;
	s30 =	sshra.s32 s14, $0x1F  }
0xd3: {  	(drf) =	srem.u32 s17, s21;
	s17 =	rddreg [dreg:$0x16];
	s21 =	sxor.u32 s11, s23  }
0xd4: {  	s0 =	spop (v2sf);
	s2 =	sxor.u32 s30, s14;
	(drf) =	srem.u32 s18, s17  }
0xd5: {  	s21 =	ssub.s32 s21, s11;
	s8 =	sshra.s32 s0, $0x1F;
	s19 =	spop (v2sf)  }
0xd6: {  	(drf) =	srem.u32 s16, s20;
	s17 =	spop (drf);
	s16 =	sshra.s32 s10, $0x1F  }
0xd7: {  	s14 =	ssub.s32 s2, s30;
	s22 =	sxor.u32 s8, s0;
	s4 =	sshra.s32 s19, $0x1F  }
0xd8: {  	s0 =	rddreg [dreg:$0x6];
	(drf) =	srem.u32 s26, s9;
	s17 =	sxor.u32 s5, s17  }
0xd9: {  	s26 =	spop (drf);
	s10 =	sxor.u32 s16, s10;
	s9 =	smov.u32 s24  }
0xda: {  	s23 =	sadd.s32 $0x10, s0;
	(drf) =	srem.u32 s7, s13;
	s18 =	spop (drf)  }
0xdb: {  	s10 =	ssub.s32 s10, s16;
	s0 =	ssub.s32 s22, s8;
	s22 =	rddreg [dreg:$0xb]  }
0xdc: {  	s5 =	ssub.s32 s17, s5;
	s11 =	sxor.u32 s29, s18;
	s20 =	spop (drf)  }
0xdd: {  	(drf) =	srem.u32 s10, s15;
	s15 =	sshra.s32 s3, $0x1F;
	s18 =	spop (drf)  }
.Ltmp1:
0xde: {  	s13 =	sxor.u32 s24, s20;
	s24 =	rddreg [dreg:$0x10];
	(pc) =	sbr.rel @p0 .LBB2_4-.Ltmp1, $4  }
0xdf: {  	s10 =	sxor.u32 s25, s18;
	s18 =	sxor.u32 s15, s3;
	s20 =	spop (drf)  }
0xe0: {  	(drf) =	srem.u32 s0, s24;
	s0 =	sxor.u32 s4, s19;
	s24 =	spop (drf)  }
0xe1: {  	s19 =	rddreg [dreg:$0x5];
	s7 =	sxor.u32 s6, s20;
	s20 =	spop (drf)  }
0xe2: {  	vm2 =	vcmask $0x300;
	s3 =	ssub.s32 s0, s4;
	s2 =	sxor.u32 s31, s20;
	s17 =	spop (drf)  }
0xe3: {  	s0 =	rddreg [dreg:$0x9]  }
0xe4: {  	s19 =	sxor.u32 s1, s24;
	s20 =	spop (drf);
	s23 =	rddreg [dreg:$0xa]  }
0xe5: {  	v6 =	vmov s12;
	(drf) =	srem.u32 s14, s0;
	s14 =	ssub.s32 s19, s1;
	s19 =	sxor.u32 s28, s20  }
0xe6: {  	s20 =	ssub.s32 s18, s15;
	s24 =	sxor.u32 s23, s17;
	v6 =	vsel vm2, s14, v6;
	s12 =	ssub.s32 s19, s28  }
0xe7: {  	s17 =	ssub.s32 s24, s23;
	(drf) =	srem.u32 s3, s20;
	v6 =	vsel vm3, s12, v6  }
0xe8: {  	s19 =	rddreg [dreg:$0xe];
	v6 =	vsel vm4, s17, v6  }
0xe9: {  	s18 =	spop (drf);
	s20 =	sxor.u32 s19, s26;
	v6 =	vsel vm5, s21, v6  }
0xea: {  	s0 =	sxor.u32 s16, s18;
	s3 =	ssub.s32 s20, s19;
	v6 =	vsel vm6, s5, v6  }
0xeb: {  	s0 =	ssub.s32 s0, s16;
	v6 =	vsel vm7, s3, v6  }
0xec: {  	s23 =	ssub.s32 s10, s25;
	v6 =	vsel vm13, s0, v6  }
0xed: {  	s24 =	ssub.s32 s11, s29;
	v6 =	vsel vm9, s23, v6  }
0xee: {  	s2 =	ssub.s32 s2, s31;
	s25 =	spop (drf);
	v6 =	vsel vm10, s24, v6  }
0xef: {  	vm1 =	vcmask $0x2B28;
	s26 =	ssub.s32 s13, s9;
	s1 =	spop (drf);
	v6 =	vsel vm11, s2, v6  }
0xf0: {  	s9 =	ssub.s32 s7, s6;
	s3 =	sxor.u32 s8, s25;
	s10 =	spop (drf);
	v6 =	vsel vm1, s26, v6  }
0xf1: {  	s11 =	ssub.s32 s3, s8;
	s12 =	sxor.u32 s4, s10;
	v6 =	vsel vm8, s9, v6  }
0xf2: {  	s13 =	sxor.u32 s30, s1;
	s3 =	ssub.s32 s12, s4;
	v6 =	vsel vm14, s11, v6  }
0xf3: {  	s14 =	ssub.s32 s13, s30;
	v6 =	vsel vm15, s3, v6  }
0xf4: {  	v6 =	vsel vm0, s14, v6  }
0xf5: {  	vm1 =	vne.s32 v6, $0x0  }
0xf6: {  	vm1 =	vmand vm12, vm1  }
0xf7: {  	v7 =	vnsel vm1, $0x0, v5  }
0xf8: {  	v6 =	vadd.s32 v6, v7;
	_ =	sdelay $0x3  }
0xf9: {  	s15 =	simm.s32 $0x800  }
0xfa: {  	v6 =	vld.idx.msk [tilespmem:v6+s15+$0x0], $0xffff;
	_ =	sdelay $0x4  }
0xfb: {  	s16 =	sshra.s32 s22, $0x2;
	v6 =	vadd.s32 v0, v6  }
0xfc: {  	[tilespmem:s16+$0x1000] =	vst v6  }
0xfd: {  	v6 =	vld [tilespmem:$0x1000];
	_ =	sdelay $0x4  }
0xfe: {  	v7 =	vshll.u32 v6, $0x1  }
0xff: {  	v6 =	vand.u32 $0x7, v6;
	v7 =	vand.u32 $0xFFFFFFF0, v7  }
0x100: {  	v6 =	vor.u32 v6, v7  }
0x101: {  	v7 =	vperm.xlane v6, v2  }
0x102: {  	v8 =	vld [tilespmem:$0x1FFF0]  }
0x103: {  	v6 =	vperm.xlane v6, v4;
	v7 =	vadd.s32 v3, v7;
	_ =	sdelay $0x1  }
0x104: {  	v6 =	vadd.s32 v3, v6;
	_ =	sdelay $0x1  }
0x105: {  	s17 =	simm.s32 $0x1400;
	s0 =	rddreg [dreg:$0x1];
	s1 =	simm.s32 $0x0;
	vm1 =	vnez.u8 v8  }
0x106: {  	[tilespmem:s17], [sflag:$0x1] =	stream.indirect_vreg.gather [hbm4b:s0+s1], $0x80, v7, vm1, $0xb8;
	[tilespmem:$0x11400] =	vst v63  }
0x107: {  	s18 =	simm.s32 $0x1C00  }
0x108: {  	[tilespmem:s18], [sflag:$0x1] =	stream.indirect_vreg.gather [hbm4b:s0+s1], $0x80, v6, vm1, $0xb8;
	[tilespmem:$0x11400] =	vst v63  }
0x109: {  	v6 =	vld [tilespmem:$0x1010];
	_ =	sdelay $0x4  }
0x10a: {  	v7 =	vshll.u32 v6, $0x1  }
0x10b: {  	v6 =	vand.u32 $0x7, v6;
	v7 =	vand.u32 $0xFFFFFFF0, v7  }
0x10c: {  	v6 =	vor.u32 v6, v7  }
0x10d: {  	v7 =	vperm.xlane v6, v2;
	_ =	sdelay $0x1  }
0x10e: {  	v6 =	vperm.xlane v6, v4;
	v7 =	vadd.s32 v3, v7;
	_ =	sdelay $0x1  }
0x10f: {  	v6 =	vadd.s32 v3, v6;
	_ =	sdelay $0x1  }
0x110: {  	s19 =	simm.s32 $0x2400  }
0x111: {  	[tilespmem:s19], [sflag:$0x1] =	stream.indirect_vreg.gather [hbm4b:s0+s1], $0x80, v7, vm1, $0xb8;
	[tilespmem:$0x11400] =	vst v63  }
0x112: {  	s20 =	simm.s32 $0x2C00  }
0x113: {  	[tilespmem:s20], [sflag:$0x1] =	stream.indirect_vreg.gather [hbm4b:s0+s1], $0x80, v6, vm1, $0xb8;
	[tilespmem:$0x11400] =	vst v63  }
0x114: {  	v6 =	vld [tilespmem:$0x1020];
	_ =	sdelay $0x4  }
0x115: {  	v7 =	vshll.u32 v6, $0x1  }
0x116: {  	v6 =	vand.u32 $0x7, v6;
	v7 =	vand.u32 $0xFFFFFFF0, v7  }
0x117: {  	v6 =	vor.u32 v6, v7  }
0x118: {  	v7 =	vperm.xlane v6, v2;
	_ =	sdelay $0x1  }
0x119: {  	v6 =	vperm.xlane v6, v4;
	v7 =	vadd.s32 v3, v7;
	_ =	sdelay $0x1  }
0x11a: {  	v6 =	vadd.s32 v3, v6;
	_ =	sdelay $0x1  }
0x11b: {  	s21 =	simm.s32 $0x3400  }
0x11c: {  	[tilespmem:s21], [sflag:$0x1] =	stream.indirect_vreg.gather [hbm4b:s0+s1], $0x80, v7, vm1, $0xb8;
	[tilespmem:$0x11400] =	vst v63  }
0x11d: {  	s22 =	simm.s32 $0x3C00  }
0x11e: {  	[tilespmem:s22], [sflag:$0x1] =	stream.indirect_vreg.gather [hbm4b:s0+s1], $0x80, v6, vm1, $0xb8;
	[tilespmem:$0x11400] =	vst v63  }
0x11f: {  	v6 =	vld [tilespmem:$0x1030];
	_ =	sdelay $0x4  }
0x120: {  	v7 =	vshll.u32 v6, $0x1  }
0x121: {  	v6 =	vand.u32 $0x7, v6;
	v7 =	vand.u32 $0xFFFFFFF0, v7  }
0x122: {  	v6 =	vor.u32 v6, v7  }
0x123: {  	v7 =	vperm.xlane v6, v2;
	_ =	sdelay $0x1  }
0x124: {  	v6 =	vperm.xlane v6, v4;
	v7 =	vadd.s32 v3, v7;
	_ =	sdelay $0x1  }
0x125: {  	v6 =	vadd.s32 v3, v6;
	_ =	sdelay $0x1  }
0x126: {  	s23 =	simm.s32 $0x4400  }
0x127: {  	[tilespmem:s23], [sflag:$0x1] =	stream.indirect_vreg.gather [hbm4b:s0+s1], $0x80, v7, vm1, $0xb8;
	[tilespmem:$0x11400] =	vst v63  }
0x128: {  	s24 =	simm.s32 $0x4C00  }
0x129: {  	[tilespmem:s24], [sflag:$0x1] =	stream.indirect_vreg.gather [hbm4b:s0+s1], $0x80, v6, vm1, $0xb8;
	[tilespmem:$0x11400] =	vst v63  }
0x12a: {  	v6 =	vld [tilespmem:$0x1040];
	_ =	sdelay $0x4  }
0x12b: {  	v7 =	vshll.u32 v6, $0x1  }
0x12c: {  	v6 =	vand.u32 $0x7, v6;
	v7 =	vand.u32 $0xFFFFFFF0, v7  }
0x12d: {  	v6 =	vor.u32 v6, v7  }
0x12e: {  	v7 =	vperm.xlane v6, v2;
	_ =	sdelay $0x1  }
0x12f: {  	v6 =	vperm.xlane v6, v4;
	v7 =	vadd.s32 v3, v7;
	_ =	sdelay $0x1  }
0x130: {  	v6 =	vadd.s32 v3, v6;
	_ =	sdelay $0x1  }
0x131: {  	s25 =	simm.s32 $0x5400  }
0x132: {  	[tilespmem:s25], [sflag:$0x2] =	stream.indirect_vreg.gather [hbm4b:s0+s1], $0x80, v7, vm1, $0xb8;
	[tilespmem:$0x11400] =	vst v63  }
0x133: {  	s26 =	simm.s32 $0x5C00  }
0x134: {  	[tilespmem:s26], [sflag:$0x2] =	stream.indirect_vreg.gather [hbm4b:s0+s1], $0x80, v6, vm1, $0xb8;
	[tilespmem:$0x11400] =	vst v63  }
0x135: {  	v6 =	vld [tilespmem:$0x1050];
	_ =	sdelay $0x4  }
0x136: {  	v7 =	vshll.u32 v6, $0x1  }
0x137: {  	v6 =	vand.u32 $0x7, v6;
	v7 =	vand.u32 $0xFFFFFFF0, v7  }
0x138: {  	v6 =	vor.u32 v6, v7  }
0x139: {  	v7 =	vperm.xlane v6, v2;
	_ =	sdelay $0x1  }
0x13a: {  	v6 =	vperm.xlane v6, v4;
	v7 =	vadd.s32 v3, v7;
	_ =	sdelay $0x1  }
0x13b: {  	v6 =	vadd.s32 v3, v6;
	_ =	sdelay $0x1  }
0x13c: {  	s3 =	simm.s32 $0x6400  }
0x13d: {  	[tilespmem:s3], [sflag:$0x2] =	stream.indirect_vreg.gather [hbm4b:s0+s1], $0x80, v7, vm1, $0xb8;
	[tilespmem:$0x11400] =	vst v63  }
0x13e: {  	s4 =	simm.s32 $0x6C00  }
0x13f: {  	[tilespmem:s4], [sflag:$0x2] =	stream.indirect_vreg.gather [hbm4b:s0+s1], $0x80, v6, vm1, $0xb8;
	[tilespmem:$0x11400] =	vst v63  }
0x140: {  	v6 =	vld [tilespmem:$0x1060];
	_ =	sdelay $0x4  }
0x141: {  	v7 =	vshll.u32 v6, $0x1  }
0x142: {  	v6 =	vand.u32 $0x7, v6;
	v7 =	vand.u32 $0xFFFFFFF0, v7  }
0x143: {  	v6 =	vor.u32 v6, v7  }
0x144: {  	v7 =	vperm.xlane v6, v2;
	_ =	sdelay $0x1  }
0x145: {  	v6 =	vperm.xlane v6, v4;
	v7 =	vadd.s32 v3, v7;
	_ =	sdelay $0x1  }
0x146: {  	v6 =	vadd.s32 v3, v6;
	_ =	sdelay $0x1  }
0x147: {  	s5 =	simm.s32 $0x7400  }
0x148: {  	[tilespmem:s5], [sflag:$0x2] =	stream.indirect_vreg.gather [hbm4b:s0+s1], $0x80, v7, vm1, $0xb8;
	[tilespmem:$0x11400] =	vst v63  }
0x149: {  	s6 =	simm.s32 $0x7C00  }
0x14a: {  	[tilespmem:s6], [sflag:$0x2] =	stream.indirect_vreg.gather [hbm4b:s0+s1], $0x80, v6, vm1, $0xb8;
	[tilespmem:$0x11400] =	vst v63  }
0x14b: {  	v6 =	vld [tilespmem:$0x1070];
	_ =	sdelay $0x4  }
0x14c: {  	v7 =	vshll.u32 v6, $0x1  }
0x14d: {  	v6 =	vand.u32 $0x7, v6;
	v7 =	vand.u32 $0xFFFFFFF0, v7  }
0x14e: {  	v6 =	vor.u32 v6, v7  }
0x14f: {  	v7 =	vperm.xlane v6, v2;
	_ =	sdelay $0x1  }
0x150: {  	v6 =	vperm.xlane v6, v4;
	v7 =	vadd.s32 v3, v7;
	_ =	sdelay $0x1  }
0x151: {  	v6 =	vadd.s32 v3, v6;
	_ =	sdelay $0x1  }
0x152: {  	s7 =	simm.s32 $0x8400  }
0x153: {  	[tilespmem:s7], [sflag:$0x2] =	stream.indirect_vreg.gather [hbm4b:s0+s1], $0x80, v7, vm1, $0xb8;
	[tilespmem:$0x11400] =	vst v63  }
0x154: {  	s8 =	simm.s32 $0x8C00  }
0x155: {  	[tilespmem:s8], [sflag:$0x2] =	stream.indirect_vreg.gather [hbm4b:s0+s1], $0x80, v6, vm1, $0xb8;
	[tilespmem:$0x11400] =	vst v63  }
0x156: {  	v6 =	vld [tilespmem:$0x1080];
	_ =	sdelay $0x4  }
0x157: {  	v7 =	vshll.u32 v6, $0x1  }
0x158: {  	v6 =	vand.u32 $0x7, v6;
	v7 =	vand.u32 $0xFFFFFFF0, v7  }
0x159: {  	v6 =	vor.u32 v6, v7  }
0x15a: {  	v7 =	vperm.xlane v6, v2;
	_ =	sdelay $0x1  }
0x15b: {  	v6 =	vperm.xlane v6, v4;
	v7 =	vadd.s32 v3, v7;
	_ =	sdelay $0x1  }
0x15c: {  	v6 =	vadd.s32 v3, v6;
	_ =	sdelay $0x1  }
0x15d: {  	s9 =	simm.s32 $0x9400  }
0x15e: {  	[tilespmem:s9], [sflag:$0x3] =	stream.indirect_vreg.gather [hbm4b:s0+s1], $0x80, v7, vm1, $0xb8;
	[tilespmem:$0x11400] =	vst v63  }
0x15f: {  	s10 =	simm.s32 $0x9C00  }
0x160: {  	[tilespmem:s10], [sflag:$0x3] =	stream.indirect_vreg.gather [hbm4b:s0+s1], $0x80, v6, vm1, $0xb8;
	[tilespmem:$0x11400] =	vst v63  }
0x161: {  	v6 =	vld [tilespmem:$0x1090];
	_ =	sdelay $0x4  }
0x162: {  	v7 =	vshll.u32 v6, $0x1  }
0x163: {  	v6 =	vand.u32 $0x7, v6;
	v7 =	vand.u32 $0xFFFFFFF0, v7  }
0x164: {  	v6 =	vor.u32 v6, v7  }
0x165: {  	v7 =	vperm.xlane v6, v2;
	_ =	sdelay $0x1  }
0x166: {  	v6 =	vperm.xlane v6, v4;
	v7 =	vadd.s32 v3, v7;
	_ =	sdelay $0x1  }
0x167: {  	v6 =	vadd.s32 v3, v6;
	_ =	sdelay $0x1  }
0x168: {  	s11 =	simm.s32 $0xA400  }
0x169: {  	[tilespmem:s11], [sflag:$0x3] =	stream.indirect_vreg.gather [hbm4b:s0+s1], $0x80, v7, vm1, $0xb8;
	[tilespmem:$0x11400] =	vst v63  }
0x16a: {  	s12 =	simm.s32 $0xAC00  }
0x16b: {  	[tilespmem:s12], [sflag:$0x3] =	stream.indirect_vreg.gather [hbm4b:s0+s1], $0x80, v6, vm1, $0xb8;
	[tilespmem:$0x11400] =	vst v63  }
0x16c: {  	v6 =	vld [tilespmem:$0x10A0];
	_ =	sdelay $0x4  }
0x16d: {  	v7 =	vshll.u32 v6, $0x1  }
0x16e: {  	v6 =	vand.u32 $0x7, v6;
	v7 =	vand.u32 $0xFFFFFFF0, v7  }
0x16f: {  	v6 =	vor.u32 v6, v7  }
0x170: {  	v7 =	vperm.xlane v6, v2;
	_ =	sdelay $0x1  }
0x171: {  	v6 =	vperm.xlane v6, v4;
	v7 =	vadd.s32 v3, v7;
	_ =	sdelay $0x1  }
0x172: {  	v6 =	vadd.s32 v3, v6;
	_ =	sdelay $0x1  }
0x173: {  	s13 =	simm.s32 $0xB400  }
0x174: {  	[tilespmem:s13], [sflag:$0x3] =	stream.indirect_vreg.gather [hbm4b:s0+s1], $0x80, v7, vm1, $0xb8;
	[tilespmem:$0x11400] =	vst v63  }
0x175: {  	s14 =	simm.s32 $0xBC00  }
0x176: {  	[tilespmem:s14], [sflag:$0x3] =	stream.indirect_vreg.gather [hbm4b:s0+s1], $0x80, v6, vm1, $0xb8;
	[tilespmem:$0x11400] =	vst v63  }
0x177: {  	v6 =	vld [tilespmem:$0x10B0];
	_ =	sdelay $0x4  }
0x178: {  	v7 =	vshll.u32 v6, $0x1  }
0x179: {  	v6 =	vand.u32 $0x7, v6;
	v7 =	vand.u32 $0xFFFFFFF0, v7  }
0x17a: {  	v6 =	vor.u32 v6, v7  }
0x17b: {  	v7 =	vperm.xlane v6, v2;
	_ =	sdelay $0x1  }
0x17c: {  	v6 =	vperm.xlane v6, v4;
	v7 =	vadd.s32 v3, v7;
	_ =	sdelay $0x1  }
0x17d: {  	v6 =	vadd.s32 v3, v6;
	_ =	sdelay $0x1  }
0x17e: {  	s15 =	simm.s32 $0xC400  }
0x17f: {  	[tilespmem:s15], [sflag:$0x3] =	stream.indirect_vreg.gather [hbm4b:s0+s1], $0x80, v7, vm1, $0xb8;
	[tilespmem:$0x11400] =	vst v63  }
0x180: {  	s16 =	simm.s32 $0xCC00  }
0x181: {  	[tilespmem:s16], [sflag:$0x3] =	stream.indirect_vreg.gather [hbm4b:s0+s1], $0x80, v6, vm1, $0xb8;
	[tilespmem:$0x11400] =	vst v63  }
0x182: {  	v6 =	vld [tilespmem:$0x10C0];
	_ =	sdelay $0x4  }
0x183: {  	v7 =	vshll.u32 v6, $0x1  }
0x184: {  	v6 =	vand.u32 $0x7, v6;
	v7 =	vand.u32 $0xFFFFFFF0, v7  }
0x185: {  	v6 =	vor.u32 v6, v7  }
0x186: {  	v7 =	vperm.xlane v6, v2;
	_ =	sdelay $0x1  }
0x187: {  	v6 =	vperm.xlane v6, v4;
	v7 =	vadd.s32 v3, v7;
	_ =	sdelay $0x1  }
0x188: {  	v6 =	vadd.s32 v3, v6;
	_ =	sdelay $0x1  }
0x189: {  	s17 =	simm.s32 $0xD400  }
0x18a: {  	[tilespmem:s17], [sflag:$0x4] =	stream.indirect_vreg.gather [hbm4b:s0+s1], $0x80, v7, vm1, $0xb8;
	[tilespmem:$0x11400] =	vst v63  }
0x18b: {  	s18 =	simm.s32 $0xDC00  }
0x18c: {  	[tilespmem:s18], [sflag:$0x4] =	stream.indirect_vreg.gather [hbm4b:s0+s1], $0x80, v6, vm1, $0xb8;
	[tilespmem:$0x11400] =	vst v63  }
0x18d: {  	v6 =	vld [tilespmem:$0x10D0];
	_ =	sdelay $0x4  }
0x18e: {  	v7 =	vshll.u32 v6, $0x1  }
0x18f: {  	v6 =	vand.u32 $0x7, v6;
	v7 =	vand.u32 $0xFFFFFFF0, v7  }
0x190: {  	v6 =	vor.u32 v6, v7  }
0x191: {  	v7 =	vperm.xlane v6, v2;
	_ =	sdelay $0x1  }
0x192: {  	v6 =	vperm.xlane v6, v4;
	v7 =	vadd.s32 v3, v7;
	_ =	sdelay $0x1  }
0x193: {  	v6 =	vadd.s32 v3, v6;
	_ =	sdelay $0x1  }
0x194: {  	s19 =	simm.s32 $0xE400  }
0x195: {  	[tilespmem:s19], [sflag:$0x4] =	stream.indirect_vreg.gather [hbm4b:s0+s1], $0x80, v7, vm1, $0xb8;
	[tilespmem:$0x11400] =	vst v63  }
0x196: {  	s20 =	simm.s32 $0xEC00  }
0x197: {  	[tilespmem:s20], [sflag:$0x4] =	stream.indirect_vreg.gather [hbm4b:s0+s1], $0x80, v6, vm1, $0xb8;
	[tilespmem:$0x11400] =	vst v63  }
0x198: {  	v6 =	vld [tilespmem:$0x10E0];
	_ =	sdelay $0x4  }
0x199: {  	v7 =	vshll.u32 v6, $0x1  }
0x19a: {  	v6 =	vand.u32 $0x7, v6;
	v7 =	vand.u32 $0xFFFFFFF0, v7  }
0x19b: {  	v6 =	vor.u32 v6, v7  }
0x19c: {  	v7 =	vperm.xlane v6, v2;
	_ =	sdelay $0x1  }
0x19d: {  	v6 =	vperm.xlane v6, v4;
	v7 =	vadd.s32 v3, v7;
	_ =	sdelay $0x1  }
0x19e: {  	v6 =	vadd.s32 v3, v6;
	_ =	sdelay $0x1  }
0x19f: {  	(v2sf) =	vpush v5, $0x7;
	s21 =	simm.s32 $0xF400  }
0x1a0: {  	(v2sf) =	vpush v5, $0xE;
	[tilespmem:s21], [sflag:$0x4] =	stream.indirect_vreg.gather [hbm4b:s0+s1], $0x80, v7, vm1, $0xb8;
	[tilespmem:$0x11400] =	vst v63  }
0x1a1: {  	(v2sf) =	vpush v5, $0xC;
	s22 =	simm.s32 $0xFC00  }
0x1a2: {  	(v2sf) =	vpush v5, $0xB;
	[tilespmem:s22], [sflag:$0x4] =	stream.indirect_vreg.gather [hbm4b:s0+s1], $0x80, v6, vm1, $0xb8;
	[tilespmem:$0x11400] =	vst v63  }
0x1a3: {  	v6 =	vld [tilespmem:$0x10F0]  }
0x1a4: {  	(v2sf) =	vpush v5, $0x0  }
0x1a5: {  	s29 =	sld [smem:$0x7FD]  }
0x1a6: {  	(v2sf) =	vpush v5, $0x1  }
0x1a7: {  	(v2sf) =	vpush v5, $0xA  }
0x1a8: {  	v63 =	vor.u32 s29, v1;
	(v2sf) =	vpush v5, $0x8;
	v7 =	vshll.u32 v6, $0x1  }
0x1a9: {  	(v2sf) =	vpush v5, $0xF;
	v6 =	vand.u32 $0x7, v6;
	v7 =	vand.u32 $0xFFFFFFF0, v7  }
0x1aa: {  	(v2sf) =	vpush v63, $0x4;
	v6 =	vor.u32 v6, v7  }
0x1ab: {  	(v2sf) =	vpush v63, $0x3;
	v7 =	vperm.xlane v6, v2  }
0x1ac: {  	(v2sf) =	vpush v5, $0x2  }
0x1ad: {  	(v2sf) =	vpush v5, $0x3;
	v6 =	vperm.xlane v6, v4;
	v7 =	vadd.s32 v3, v7  }
0x1ae: {  	(v2sf) =	vpush v5, $0x4;
	s25 =	spop (v2sf)  }
0x1af: {  	(v2sf) =	vpush v5, $0x5;
	s26 =	spop (v2sf);
	v6 =	vadd.s32 v3, v6  }
0x1b0: {  	(v2sf) =	vpush v5, $0x6;
	s9 =	spop (v2sf)  }
0x1b1: {  	s23 =	simm.s32 $0x10400;
	(v2sf) =	vpush v63, $0x6;
	s12 =	spop (v2sf)  }
0x1b2: {  	(v2sf) =	vpush v63, $0x1;
	[tilespmem:s23], [sflag:$0x4] =	stream.indirect_vreg.gather [hbm4b:s0+s1], $0x80, v7, vm1, $0xb8;
	[tilespmem:$0x11400] =	vst v63  }
0x1b3: {  	s24 =	simm.s32 $0x10C00;
	(v2sf) =	vpush v63, $0x2;
	s10 =	spop (v2sf)  }
0x1b4: {  	(v2sf) =	vpush v63, $0x5;
	[tilespmem:s24], [sflag:$0x4] =	stream.indirect_vreg.gather [hbm4b:s0+s1], $0x80, v6, vm1, $0xb8;
	[tilespmem:$0x11400] =	vst v63  }
0x1b5: {  	(v2sf) =	vpush v63, $0x0;
	s1 =	spop (v2sf)  }
0x1b6: {  	s13 =	spop (v2sf);
	(v2sf) =	vpush v63, $0xF  }
0x1b7: {  	s14 =	spop (v2sf)  }
0x1b8: {  	s18 =	sshra.s32 s25, $0x1F;
	s11 =	spop (v2sf)  }
0x1b9: {  	s22 =	sshra.s32 s26, $0x1F;
	s23 =	sshra.s32 s9, $0x1F;
	s15 =	spop (v2sf)  }
0x1ba: {  	s3 =	sxor.u32 s23, s9;
	s0 =	sxor.u32 s18, s25;
	s16 =	spop (v2sf)  }
0x1bb: {  	s24 =	sshra.s32 s12, $0x1F;
	s5 =	ssub.s32 s3, s23;
	s19 =	spop (v2sf)  }
0x1bc: {  	s25 =	sxor.u32 s22, s26;
	s26 =	sshra.s32 s10, $0x1F;
	s17 =	spop (v2sf)  }
0x1bd: {  	s0 =	ssub.s32 s0, s18;
	s4 =	sxor.u32 s24, s12;
	s20 =	spop (v2sf)  }
0x1be: {  	s12 =	sxor.u32 s26, s10;
	s9 =	ssub.s32 s4, s24;
	s21 =	spop (v2sf)  }
0x1bf: {  	s3 =	sshra.s32 s13, $0x1F;
	s4 =	ssub.s32 s25, s22;
	s8 =	spop (v2sf)  }
0x1c0: {  	s12 =	ssub.s32 s12, s26;
	s26 =	sshra.s32 s1, $0x1F;
	s6 =	spop (v2sf)  }
0x1c1: {  	[dreg:$0x4] =	wrdreg s4;
	s25 =	sshra.s32 s14, $0x1F;
	(v2sf) =	vpush v63, $0x7;
	s7 =	spop (v2sf)  }
0x1c2: {  	s28 =	sxor.u32 s3, s13;
	s1 =	sxor.u32 s26, s1;
	s23 =	spop (v2sf)  }
0x1c3: {  	s22 =	sshra.s32 s11, $0x1F;
	s14 =	sxor.u32 s25, s14;
	(v2sf) =	vpush v63, $0x8;
	s24 =	spop (v2sf)  }
0x1c4: {  	s3 =	ssub.s32 s28, s3;
	s11 =	sxor.u32 s22, s11;
	s2 =	spop (v2sf)  }
0x1c5: {  	s4 =	ssub.s32 s11, s22;
	s11 =	sshra.s32 s16, $0x1F;
	(v2sf) =	vpush v63, $0x9;
	s18 =	spop (v2sf)  }
0x1c6: {  	s16 =	sxor.u32 s11, s16;
	s13 =	sshra.s32 s19, $0x1F;
	(v2sf) =	vpush v63, $0xA;
	s10 =	sshra.s32 s18, $0x1F  }
0x1c7: {  	s22 =	sshra.s32 s17, $0x1F;
	s28 =	sshra.s32 s7, $0x1F;
	(v2sf) =	vpush v63, $0xB;
	s18 =	sxor.u32 s10, s18  }
0x1c8: {  	s16 =	ssub.s32 s16, s11;
	s7 =	sxor.u32 s28, s7;
	s18 =	ssub.s32 s18, s10  }
0x1c9: {  	s7 =	ssub.s32 s7, s28;
	(v2sf) =	vpush v5, $0x9;
	(drf) =	srem.u32 s18, s4;
	s18 =	sxor.u32 s22, s17  }
0x1ca: {  	s17 =	sshra.s32 s15, $0x1F;
	s4 =	ssub.s32 s18, s22;
	s22 =	sshra.s32 s21, $0x1F  }
0x1cb: {  	s18 =	sshra.s32 s20, $0x1F;
	s15 =	sxor.u32 s17, s15;
	(drf) =	srem.u32 s16, s4  }
0x1cc: {  	s16 =	ssub.s32 s14, s25;
	s21 =	sxor.u32 s22, s21;
	s14 =	sxor.u32 s13, s19  }
0x1cd: {  	(v2sf) =	vpush v5, $0xD;
	s15 =	ssub.s32 s15, s17;
	s4 =	ssub.s32 s21, s22;
	s22 =	sxor.u32 s18, s20  }
0x1ce: {  	s21 =	sshra.s32 s23, $0x1F;
	s19 =	ssub.s32 s22, s18;
	s18 =	sshra.s32 s24, $0x1F  }
0x1cf: {  	s20 =	sxor.u32 s21, s23;
	[dreg:$0x8] =	wrdreg s21;
	(drf) =	srem.u32 s15, s19  }
0x1d0: {  	s25 =	sxor.u32 s18, s24;
	[dreg:$0xd] =	wrdreg s18;
	s15 =	spop (v2sf)  }
0x1d1: {  	s19 =	ssub.s32 s25, s18;
	s25 =	ssub.s32 s1, s26;
	s18 =	ssub.s32 s20, s21  }
0x1d2: {  	s20 =	sshra.s32 s2, $0x1F;
	s22 =	spop (v2sf);
	(drf) =	srem.u32 s19, s4  }
0x1d3: {  	s2 =	sxor.u32 s20, s2;
	[dreg:$0xf] =	wrdreg s20;
	s26 =	sshra.s32 s22, $0x1F  }
0x1d4: {  	(v2sf) =	vpush v63, $0xE;
	s19 =	spop (v2sf);
	s2 =	ssub.s32 s2, s20;
	s23 =	sxor.u32 s26, s22  }
0x1d5: {  	(v2sf) =	vpush v63, $0xC;
	s24 =	spop (v2sf);
	s22 =	sshra.s32 s8, $0x1F;
	s1 =	ssub.s32 s23, s26  }
0x1d6: {  	s31 =	sshra.s32 s24, $0x1F;
	s21 =	spop (v2sf);
	s8 =	sxor.u32 s22, s8  }
0x1d7: {  	(v2sf) =	vpush v63, $0xD;
	(drf) =	srem.u32 s1, s16;
	s1 =	sshra.s32 s15, $0x1F;
	s4 =	sxor.u32 s31, s24  }
0x1d8: {  	s23 =	spop (v2sf);
	s15 =	sxor.u32 s1, s15;
	s4 =	ssub.s32 s4, s31  }
0x1d9: {  	s16 =	ssub.s32 s14, s13;
	s15 =	ssub.s32 s15, s1;
	(drf) =	srem.u32 s4, s3  }
0x1da: {  	s4 =	sshra.s32 s21, $0x1F;
	(drf) =	srem.u32 s15, s0;
	s0 =	sshra.s32 s19, $0x1F  }
0x1db: {  	s3 =	sxor.u32 s4, s21;
	s15 =	ssub.s32 s8, s22;
	s21 =	sshra.s32 s23, $0x1F  }
0x1dc: {  	s3 =	ssub.s32 s3, s4;
	s24 =	sxor.u32 s0, s19;
	s19 =	spop (v2sf)  }
0x1dd: {  	s8 =	sxor.u32 s21, s23;
	s23 =	spop (drf);
	(drf) =	srem.u32 s3, s9  }
0x1de: {  	s3 =	ssub.s32 s8, s21;
	s22 =	ssub.s32 s24, s0;
	s9 =	sshra.s32 s6, $0x1F  }
0x1df: {  	s20 =	spop (drf);
	(drf) =	srem.u32 s2, s12;
	s6 =	sxor.u32 s9, s6  }
0x1e0: {  	s21 =	spop (drf);
	(drf) =	srem.u32 s22, s3;
	s6 =	ssub.s32 s6, s9  }
0x1e1: {  	s14 =	sxor.u32 s17, s21;
	(drf) =	srem.u32 s18, s16;
	s16 =	spop (drf)  }
0x1e2: {  	(drf) =	srem.u32 s7, s25;
	s25 =	sxor.u32 s10, s23;
	s13 =	spop (drf)  }
0x1e3: {  	s23 =	smov.u32 s1;
	s2 =	spop (v2sf);
	(drf) =	srem.u32 s6, s15  }
0x1e4: {  	s12 =	ssub.s32 s25, s10;
	s10 =	sxor.u32 s11, s20;
	s24 =	spop (v2sf)  }
0x1e5: {  	s13 =	sxor.u32 s26, s13;
	s30 =	sshra.s32 s2, $0x1F;
	s15 =	spop (drf)  }
0x1e6: {  	s11 =	ssub.s32 s10, s11;
	s10 =	ssub.s32 s14, s17;
	s22 =	spop (v2sf)  }
0x1e7: {  	s8 =	sshra.s32 s24, $0x1F;
	s2 =	sxor.u32 s30, s2;
	s17 =	spop (drf)  }
0x1e8: {  	s3 =	sxor.u32 s8, s24;
	s7 =	sshra.s32 s22, $0x1F;
	s24 =	sxor.u32 s31, s15  }
0x1e9: {  	s6 =	ssub.s32 s2, s30;
	s14 =	sxor.u32 s1, s17;
	s15 =	sshra.s32 s19, $0x1F  }
0x1ea: {  	s3 =	ssub.s32 s3, s8;
	s20 =	spop (drf);
	s21 =	sxor.u32 s7, s22  }
0x1eb: {  	s17 =	sxor.u32 s15, s19;
	(drf) =	srem.u32 s3, s5;
	s25 =	spop (drf)  }
0x1ec: {  	s5 =	sxor.u32 s4, s20;
	s3 =	ssub.s32 s21, s7;
	s22 =	spop (drf)  }
0x1ed: {  	s20 =	simm.s32 $0x400;
	s21 =	simm.s32 $0x440;
	s2 =	sxor.u32 s0, s22  }
0x1ee: {  	s22 =	sadd.s32 $0x10, s29;
	s29 =	smov.u32 s26;
	s26 =	spop (drf)  }
.LBB2_6:
0x1ef: {  	(v2sf) =	vpush v5, $0x7  }
0x1f0: {  	s1 =	rddreg [dreg:$0xf];
	(v2sf) =	vpush v5, $0xE  }
0x1f1: {  	s19 =	rddreg [dreg:$0x8];
	(v2sf) =	vpush v5, $0xC  }
0x1f2: {  	s18 =	rddreg [dreg:$0x4]  }
0x1f3: {  	s15 =	ssub.s32 s17, s15;
	(v2sf) =	vpush v5, $0xB;
	s17 =	spop (drf);
	(drf) =	srem.u32 s6, s18  }
0x1f4: {  	s25 =	sxor.u32 s1, s25;
	s26 =	sxor.u32 s19, s26;
	(v2sf) =	vpush v5, $0x0;
	(drf) =	srem.u32 s3, s15  }
0x1f5: {  	v6 =	vmov s12;
	s1 =	ssub.s32 s25, s1;
	s25 =	ssub.s32 s26, s19;
	s26 =	sxor.u32 s28, s17  }
0x1f6: {  	s2 =	ssub.s32 s2, s0;
	s4 =	ssub.s32 s5, s4;
	v6 =	vsel vm2, s1, v6;
	s5 =	ssub.s32 s26, s28  }
0x1f7: {  	s14 =	ssub.s32 s14, s23;
	p0 =	sne.s32 s21, $0xFC0;
	s0 =	smov.u32 s20;
	(v2sf) =	vpush v5, $0x1;
	v6 =	vsel vm3, s5, v6  }
0x1f8: {  	s0 =	sshra.s32 s0, $0x2;
	s19 =	ssub.s32 s24, s31;
	s17 =	rddreg [dreg:$0xd];
	(v2sf) =	vpush v5, $0xA;
	v6 =	vsel vm4, s25, v6  }
0x1f9: {  	s1 =	ssub.s32 s13, s29;
	s12 =	spop (drf);
	s18 =	sxor.u32 s17, s16;
	(v2sf) =	vpush v5, $0x8;
	v7 =	vsel vm5, s11, v6  }
0x1fa: {  	s13 =	sxor.u32 s9, s12;
	s26 =	smov.u32 s21;
	s24 =	ssub.s32 s18, s17;
	v7 =	vsel vm6, s10, v7  }
0x1fb: {  	s9 =	ssub.s32 s13, s9;
	[dreg:$0xc] =	wrdreg s26;
	s15 =	spop (drf);
	(v2sf) =	vpush v5, $0xF;
	v6 =	vor.u32 s22, v1;
	v7 =	vsel vm7, s24, v7  }
0x1fc: {  	s23 =	sxor.u32 s8, s15;
	s10 =	sadd.s32 $0x40, s21;
	(v2sf) =	vpush v6, $0x4;
	v7 =	vsel vm13, s9, v7;
	s11 =	spop (drf)  }
0x1fd: {  	s25 =	ssub.s32 s23, s8;
	[dreg:$0x7] =	wrdreg s10;
	(v2sf) =	vpush v6, $0x3;
	v7 =	vsel vm9, s14, v7;
	s13 =	spop (drf)  }
0x1fe: {  	s12 =	sxor.u32 s30, s11;
	v7 =	vsel vm10, s1, v7;
	s14 =	sxor.u32 s7, s13;
	s15 =	spop (v2sf)  }
0x1ff: {  	vm1 =	vcmask $0x2B28;
	(v2sf) =	vpush v5, $0x2;
	s3 =	ssub.s32 s12, s30;
	v7 =	vsel vm11, s2, v7;
	s16 =	sshra.s32 s15, $0x1F;
	s17 =	spop (v2sf)  }
0x200: {  	s1 =	ssub.s32 s14, s7;
	v7 =	vsel vm1, s19, v7;
	s2 =	sxor.u32 s16, s15;
	s19 =	spop (v2sf)  }
0x201: {  	(v2sf) =	vpush v5, $0x3;
	s18 =	sshra.s32 s17, $0x1F;
	s20 =	ssub.s32 s2, s16;
	s21 =	sshra.s32 s19, $0x1F  }
0x202: {  	(v2sf) =	vpush v5, $0x4;
	v7 =	vsel vm8, s4, v7;
	s23 =	spop (v2sf);
	s8 =	sxor.u32 s18, s17;
	[dreg:$0x13] =	wrdreg s20  }
0x203: {  	(v2sf) =	vpush v5, $0x5;
	v7 =	vsel vm14, s25, v7;
	s24 =	sshra.s32 s23, $0x1F;
	s25 =	sxor.u32 s21, s19;
	s26 =	spop (v2sf)  }
0x204: {  	(v2sf) =	vpush v5, $0x6;
	v7 =	vsel vm15, s1, v7;
	s2 =	sxor.u32 s24, s23;
	s1 =	ssub.s32 s25, s21;
	s15 =	sshra.s32 s26, $0x1F  }
0x205: {  	(v2sf) =	vpush v6, $0x6;
	s23 =	simm.s32 $0x800;
	[dreg:$0x11] =	wrdreg s1;
	s2 =	ssub.s32 s2, s24  }
0x206: {  	(v2sf) =	vpush v6, $0x1;
	s1 =	spop (v2sf);
	s16 =	sxor.u32 s15, s26;
	[dreg:$0x15] =	wrdreg s2  }
0x207: {  	(v2sf) =	vpush v6, $0x2;
	v7 =	vsel vm0, s3, v7;
	s9 =	spop (v2sf);
	s2 =	ssub.s32 s8, s18;
	s3 =	ssub.s32 s16, s15  }
0x208: {  	(v2sf) =	vpush v6, $0x5;
	s4 =	sshra.s32 s9, $0x1F;
	[dreg:$0x4] =	wrdreg s2;
	s10 =	spop (v2sf)  }
0x209: {  	vm1 =	vne.s32 v7, $0x0;
	s2 =	sshra.s32 s1, $0x1F;
	[dreg:$0x17] =	wrdreg s3;
	s11 =	sshra.s32 s10, $0x1F  }
0x20a: {  	(v2sf) =	vpush v6, $0x0;
	vm1 =	vmand vm12, vm1;
	s12 =	spop (v2sf);
	s20 =	sxor.u32 s4, s9;
	s1 =	sxor.u32 s2, s1  }
0x20b: {  	(v2sf) =	vpush v6, $0xF;
	v8 =	vnsel vm1, $0x0, v5;
	s13 =	spop (v2sf);
	s28 =	sshra.s32 s12, $0x1F;
	s19 =	sxor.u32 s11, s10  }
0x20c: {  	v7 =	vadd.s32 v7, v8;
	s1 =	ssub.s32 s1, s2;
	s20 =	ssub.s32 s20, s4;
	s14 =	spop (v2sf)  }
0x20d: {  	(v2sf) =	vpush v6, $0x7;
	s25 =	sshra.s32 s13, $0x1F;
	s3 =	ssub.s32 s19, s11;
	[dreg:$0x1b] =	wrdreg s1  }
0x20e: {  	(v2sf) =	vpush v6, $0x8;
	s8 =	sxor.u32 s28, s12;
	s17 =	spop (v2sf);
	[dreg:$0x1a] =	wrdreg s3  }
0x20f: {  	s11 =	sshra.s32 s14, $0x1F;
	s13 =	sxor.u32 s25, s13;
	s4 =	ssub.s32 s8, s28  }
0x210: {  	s16 =	sshra.s32 s17, $0x1F;
	s21 =	spop (v2sf);
	(v2sf) =	vpush v6, $0x9;
	s30 =	sxor.u32 s11, s14  }
0x211: {  	v7 =	vld.idx.msk [tilespmem:v7+s23+$0x0], $0xffff;
	s23 =	spop (v2sf);
	(v2sf) =	vpush v6, $0xA;
	s24 =	sshra.s32 s21, $0x1F;
	s12 =	sxor.u32 s16, s17  }
0x212: {  	s17 =	ssub.s32 s30, s11;
	s7 =	spop (v2sf);
	s29 =	sshra.s32 s23, $0x1F  }
0x213: {  	s18 =	sxor.u32 s24, s21;
	s9 =	sshra.s32 s7, $0x1F;
	s15 =	spop (v2sf)  }
0x214: {  	s3 =	ssub.s32 s18, s24;
	s5 =	sxor.u32 s9, s7;
	s7 =	spop (v2sf)  }
0x215: {  	s18 =	sxor.u32 s29, s23;
	[dreg:$0x18] =	wrdreg s7;
	s26 =	spop (v2sf)  }
0x216: {  	s14 =	ssub.s32 s5, s9;
	s7 =	ssub.s32 s18, s29;
	s9 =	spop (v2sf)  }
0x217: {  	s28 =	sshra.s32 s26, $0x1F;
	s21 =	sshra.s32 s9, $0x1F;
	s30 =	spop (v2sf)  }
0x218: {  	(v2sf) =	vpush v6, $0xB;
	s26 =	sxor.u32 s28, s26;
	s10 =	sshra.s32 s30, $0x1F;
	[dreg:$0x8] =	wrdreg s21  }
0x219: {  	s19 =	spop (v2sf);
	s9 =	sxor.u32 s21, s9;
	[dreg:$0xd] =	wrdreg s10  }
0x21a: {  	(v2sf) =	vpush v5, $0x9;
	s24 =	sxor.u32 s10, s30;
	s30 =	spop (v2sf);
	s1 =	sshra.s32 s19, $0x1F  }
0x21b: {  	s10 =	ssub.s32 s24, s10;
	s24 =	ssub.s32 s9, s21;
	s9 =	smov.u32 s22  }
0x21c: {  	s19 =	sxor.u32 s1, s19;
	s2 =	sshra.s32 s30, $0x1F;
	s21 =	spop (v2sf)  }
0x21d: {  	(v2sf) =	vpush v5, $0xD;
	[dreg:$0xf] =	wrdreg s1;
	s5 =	sxor.u32 s2, s30;
	s23 =	spop (v2sf)  }
0x21e: {  	s31 =	sshra.s32 s21, $0x1F;
	s18 =	ssub.s32 s5, s2;
	s6 =	sshra.s32 s23, $0x1F  }
0x21f: {  	(v2sf) =	vpush v6, $0xE;
	(drf) =	srem.u32 s18, s4;
	s22 =	sxor.u32 s6, s23;
	s23 =	spop (v2sf)  }
0x220: {  	v7 =	vadd.s32 v0, v7;
	s19 =	ssub.s32 s19, s1;
	(v2sf) =	vpush v6, $0xC;
	s21 =	sxor.u32 s31, s21;
	s29 =	spop (v2sf)  }
0x221: {  	[tilespmem:s0+$0x1000] =	vst v7;
	s21 =	ssub.s32 s21, s31;
	s0 =	sshra.s32 s23, $0x1F;
	s5 =	sshra.s32 s29, $0x1F  }
0x222: {  	(v2sf) =	vpush v6, $0xD;
	(drf) =	srem.u32 s17, s3;
	s8 =	sxor.u32 s0, s23;
	s23 =	sxor.u32 s5, s29  }
0x223: {  	s29 =	ssub.s32 s8, s0;
	s8 =	ssub.s32 s13, s25;
	s13 =	sshra.s32 s15, $0x1F  }
0x224: {  	s22 =	ssub.s32 s22, s6;
	s23 =	ssub.s32 s23, s5;
	s18 =	sxor.u32 s13, s15  }
0x225: {  	(drf) =	srem.u32 s8, s7;
	s8 =	rddreg [dreg:$0x1a];
	s15 =	ssub.s32 s18, s13  }
0x226: {  	(drf) =	srem.u32 s10, s14;
	s14 =	ssub.s32 s26, s28;
	s26 =	rddreg [dreg:$0x15]  }
0x227: {  	(drf) =	srem.u32 s22, s8;
	s22 =	smov.u32 s9;
	s1 =	spop (v2sf)  }
0x228: {  	s9 =	ssub.s32 s12, s16;
	(drf) =	srem.u32 s23, s20;
	s16 =	spop (drf)  }
0x229: {  	s23 =	rddreg [dreg:$0x13];
	s22 =	sadd.s32 $0x10, s22;
	s18 =	spop (v2sf)  }
0x22a: {  	s4 =	sshra.s32 s1, $0x1F;
	(drf) =	srem.u32 s21, s23;
	s21 =	rddreg [dreg:$0x7]  }
0x22b: {  	s12 =	sxor.u32 s2, s16;
	s16 =	spop (drf);
	s23 =	rddreg [dreg:$0x17]  }
0x22c: {  	s17 =	sshra.s32 s18, $0x1F;
	s1 =	sxor.u32 s4, s1;
	s3 =	spop (v2sf)  }
0x22d: {  	s12 =	ssub.s32 s12, s2;
	s13 =	sxor.u32 s17, s18;
	s18 =	ssub.s32 s1, s4  }
0x22e: {  	s1 =	ssub.s32 s13, s17;
	s13 =	spop (v2sf);
	(drf) =	srem.u32 s18, s26  }
0x22f: {  	s26 =	sxor.u32 s11, s16;
	s30 =	sshra.s32 s13, $0x1F;
	s10 =	spop (v2sf)  }
0x230: {  	(drf) =	srem.u32 s19, s23;
	s11 =	ssub.s32 s26, s11;
	s8 =	sshra.s32 s10, $0x1F  }
0x231: {  	s17 =	spop (v2sf);
	s2 =	sxor.u32 s30, s13;
	(drf) =	srem.u32 s29, s1  }
0x232: {  	s29 =	smov.u32 s6;
	s1 =	spop (drf);
	s6 =	rddreg [dreg:$0x18]  }
0x233: {  	s13 =	rddreg [dreg:$0x1b];
	s20 =	sxor.u32 s8, s10;
	s7 =	sshra.s32 s17, $0x1F  }
0x234: {  	(drf) =	srem.u32 s24, s9;
	s18 =	sxor.u32 s25, s1;
	s9 =	sshra.s32 s6, $0x1F  }
0x235: {  	s16 =	spop (drf);
	s10 =	sxor.u32 s9, s6;
	(drf) =	srem.u32 s14, s13  }
0x236: {  	s19 =	spop (drf);
	s1 =	ssub.s32 s20, s8;
	s20 =	rddreg [dreg:$0xc]  }
0x237: {  	s6 =	ssub.s32 s2, s30;
	s23 =	ssub.s32 s10, s9;
	s13 =	sxor.u32 s29, s19  }
0x238: {  	s26 =	spop (drf);
	s10 =	ssub.s32 s18, s25;
	s18 =	rddreg [dreg:$0x11]  }
0x239: {  	s19 =	sxor.u32 s7, s17;
	s24 =	sxor.u32 s5, s26;
	(drf) =	srem.u32 s23, s15  }
.Ltmp2:
0x23a: {  	s14 =	spop (drf);
	s23 =	smov.u32 s31;
	(pc) =	sbr.rel @p0 .LBB2_6-.Ltmp2, $4  }
0x23b: {  	s14 =	sxor.u32 s31, s14;
	s31 =	smov.u32 s5;
	s15 =	spop (drf)  }
0x23c: {  	s5 =	sxor.u32 s4, s15;
	s15 =	sshra.s32 s3, $0x1F;
	s25 =	spop (drf)  }
0x23d: {  	(drf) =	srem.u32 s1, s18;
	s17 =	sxor.u32 s15, s3;
	s26 =	spop (drf)  }
0x23e: {  	s3 =	ssub.s32 s19, s7;
	s2 =	sxor.u32 s0, s26;
	s26 =	spop (drf)  }
0x23f: {  	s1 =	rddreg [dreg:$0xf]  }
0x240: {  	s21 =	rddreg [dreg:$0x4]  }
0x241: {  	s19 =	spop (drf);
	s22 =	rddreg [dreg:$0x8];
	s18 =	sxor.u32 s1, s25  }
0x242: {  	v6 =	vmov s12;
	(drf) =	srem.u32 s6, s21;
	s1 =	ssub.s32 s18, s1;
	s18 =	sxor.u32 s28, s19  }
0x243: {  	s25 =	sxor.u32 s22, s26;
	s19 =	ssub.s32 s17, s15;
	v6 =	vsel vm2, s1, v6;
	s21 =	ssub.s32 s18, s28  }
0x244: {  	s26 =	ssub.s32 s25, s22;
	(drf) =	srem.u32 s3, s19;
	v6 =	vsel vm3, s21, v6  }
0x245: {  	s3 =	rddreg [dreg:$0xd];
	v6 =	vsel vm4, s26, v6  }
0x246: {  	s28 =	spop (drf);
	v6 =	vsel vm5, s11, v6;
	s11 =	sxor.u32 s3, s16  }
0x247: {  	s1 =	sxor.u32 s9, s28;
	s3 =	ssub.s32 s11, s3;
	v6 =	vsel vm6, s10, v6  }
0x248: {  	s1 =	ssub.s32 s1, s9;
	v6 =	vsel vm7, s3, v6  }
0x249: {  	s12 =	ssub.s32 s14, s23;
	v6 =	vsel vm13, s1, v6  }
0x24a: {  	s13 =	ssub.s32 s13, s29;
	v6 =	vsel vm9, s12, v6  }
0x24b: {  	s0 =	ssub.s32 s2, s0;
	s14 =	spop (drf);
	v6 =	vsel vm10, s13, v6  }
0x24c: {  	vm1 =	vcmask $0x2B28;
	s15 =	ssub.s32 s24, s31;
	s16 =	spop (drf);
	v6 =	vsel vm11, s0, v6  }
0x24d: {  	s17 =	ssub.s32 s5, s4;
	s1 =	sxor.u32 s8, s14;
	s18 =	spop (drf);
	v6 =	vsel vm1, s15, v6  }
0x24e: {  	s1 =	ssub.s32 s1, s8;
	s2 =	sxor.u32 s7, s18;
	v6 =	vsel vm8, s17, v6  }
0x24f: {  	s0 =	sxor.u32 s30, s16;
	s2 =	ssub.s32 s2, s7;
	v6 =	vsel vm14, s1, v6  }
0x250: {  	s0 =	ssub.s32 s0, s30;
	v6 =	vsel vm15, s2, v6  }
0x251: {  	v6 =	vsel vm0, s0, v6  }
0x252: {  	vm1 =	vne.s32 v6, $0x0  }
0x253: {  	vm0 =	vmand vm12, vm1  }
0x254: {  	v5 =	vnsel vm0, $0x0, v5  }
0x255: {  	v5 =	vadd.s32 v6, v5;
	_ =	sdelay $0x3  }
0x256: {  	s19 =	simm.s32 $0x800  }
0x257: {  	v5 =	vld.idx.msk [tilespmem:v5+s19+$0x0], $0xffff;
	_ =	sdelay $0x4  }
0x258: {  	s21 =	sshra.s32 s20, $0x2;
	v5 =	vadd.s32 v0, v5  }
0x259: {  	s9 =	simm.s32 $0x1;
	[tilespmem:s21+$0x1000] =	vst v5  }
0x25a: {  	_ =	swait.ge [sflag:s9], $0x4000  }
0x25b: {  	s11 =	simm.s32 $0x1400;
	s10 =	simm.s32 $0x5;
	[sflag:s9] =	ssyncset.done $0x0  }
0x25c: {  	s7 =	simm.s32 $0x0;
	s22 =	rddreg [dreg:$0x1e];
	[sflag:s9] =	ssyncadd.s32 $0xFFFFC000  }
0x25d: {  	[hbm4b:s22+s7] =	stream.linear.scatter [tilespmem:s11], [sflag:$0x5], $0x4000, $0x38;
	[tilespmem:$0x11400] =	vst v63  }
0x25e: {  	_ =	swait.ge [sflag:s10], $0x4000  }
0x25f: {  	[sflag:s10] =	ssyncset.done $0x0  }
0x260: {  	[sflag:s10] =	ssyncadd.s32 $0xFFFFC000  }
0x261: {  	v5 =	vld [tilespmem:$0x1100];
	_ =	sdelay $0x4  }
0x262: {  	v6 =	vshll.u32 v5, $0x1  }
0x263: {  	v5 =	vand.u32 $0x7, v5;
	v6 =	vand.u32 $0xFFFFFFF0, v6  }
0x264: {  	v5 =	vor.u32 v5, v6  }
0x265: {  	v6 =	vperm.xlane v5, v2  }
0x266: {  	v7 =	vld [tilespmem:$0x1FFF0]  }
0x267: {  	v5 =	vperm.xlane v5, v4;
	v6 =	vadd.s32 v3, v6;
	_ =	sdelay $0x1  }
0x268: {  	v5 =	vadd.s32 v3, v5;
	_ =	sdelay $0x1  }
0x269: {  	s0 =	rddreg [dreg:$0x1];
	vm0 =	vnez.u8 v7  }
0x26a: {  	[tilespmem:s11], [sflag:$0x1] =	stream.indirect_vreg.gather [hbm4b:s0+s7], $0x80, v6, vm0, $0xb8;
	[tilespmem:$0x11400] =	vst v63  }
0x26b: {  	s23 =	simm.s32 $0x1C00  }
0x26c: {  	[tilespmem:s23], [sflag:$0x1] =	stream.indirect_vreg.gather [hbm4b:s0+s7], $0x80, v5, vm0, $0xb8;
	[tilespmem:$0x11400] =	vst v63  }
0x26d: {  	v5 =	vld [tilespmem:$0x1110];
	_ =	sdelay $0x4  }
0x26e: {  	v6 =	vshll.u32 v5, $0x1  }
0x26f: {  	v5 =	vand.u32 $0x7, v5;
	v6 =	vand.u32 $0xFFFFFFF0, v6  }
0x270: {  	v5 =	vor.u32 v5, v6  }
0x271: {  	v6 =	vperm.xlane v5, v2;
	_ =	sdelay $0x1  }
0x272: {  	v5 =	vperm.xlane v5, v4;
	v6 =	vadd.s32 v3, v6;
	_ =	sdelay $0x1  }
0x273: {  	v5 =	vadd.s32 v3, v5;
	_ =	sdelay $0x1  }
0x274: {  	s24 =	simm.s32 $0x2400  }
0x275: {  	[tilespmem:s24], [sflag:$0x1] =	stream.indirect_vreg.gather [hbm4b:s0+s7], $0x80, v6, vm0, $0xb8;
	[tilespmem:$0x11400] =	vst v63  }
0x276: {  	s25 =	simm.s32 $0x2C00  }
0x277: {  	[tilespmem:s25], [sflag:$0x1] =	stream.indirect_vreg.gather [hbm4b:s0+s7], $0x80, v5, vm0, $0xb8;
	[tilespmem:$0x11400] =	vst v63  }
0x278: {  	v5 =	vld [tilespmem:$0x1120];
	_ =	sdelay $0x4  }
0x279: {  	v6 =	vshll.u32 v5, $0x1  }
0x27a: {  	v5 =	vand.u32 $0x7, v5;
	v6 =	vand.u32 $0xFFFFFFF0, v6  }
0x27b: {  	v5 =	vor.u32 v5, v6  }
0x27c: {  	v6 =	vperm.xlane v5, v2;
	_ =	sdelay $0x1  }
0x27d: {  	v5 =	vperm.xlane v5, v4;
	v6 =	vadd.s32 v3, v6;
	_ =	sdelay $0x1  }
0x27e: {  	v5 =	vadd.s32 v3, v5;
	_ =	sdelay $0x1  }
0x27f: {  	s26 =	simm.s32 $0x3400  }
0x280: {  	[tilespmem:s26], [sflag:$0x1] =	stream.indirect_vreg.gather [hbm4b:s0+s7], $0x80, v6, vm0, $0xb8;
	[tilespmem:$0x11400] =	vst v63  }
0x281: {  	s28 =	simm.s32 $0x3C00  }
0x282: {  	[tilespmem:s28], [sflag:$0x1] =	stream.indirect_vreg.gather [hbm4b:s0+s7], $0x80, v5, vm0, $0xb8;
	[tilespmem:$0x11400] =	vst v63  }
0x283: {  	v5 =	vld [tilespmem:$0x1130];
	_ =	sdelay $0x4  }
0x284: {  	v6 =	vshll.u32 v5, $0x1  }
0x285: {  	v5 =	vand.u32 $0x7, v5;
	v6 =	vand.u32 $0xFFFFFFF0, v6  }
0x286: {  	v5 =	vor.u32 v5, v6  }
0x287: {  	v6 =	vperm.xlane v5, v2;
	_ =	sdelay $0x1  }
0x288: {  	v5 =	vperm.xlane v5, v4;
	v6 =	vadd.s32 v3, v6;
	_ =	sdelay $0x1  }
0x289: {  	v5 =	vadd.s32 v3, v5;
	_ =	sdelay $0x1  }
0x28a: {  	s29 =	simm.s32 $0x4400  }
0x28b: {  	[tilespmem:s29], [sflag:$0x1] =	stream.indirect_vreg.gather [hbm4b:s0+s7], $0x80, v6, vm0, $0xb8;
	[tilespmem:$0x11400] =	vst v63  }
0x28c: {  	s6 =	simm.s32 $0x2;
	s30 =	simm.s32 $0x4C00  }
0x28d: {  	[tilespmem:s30], [sflag:$0x1] =	stream.indirect_vreg.gather [hbm4b:s0+s7], $0x80, v5, vm0, $0xb8;
	[tilespmem:$0x11400] =	vst v63  }
0x28e: {  	_ =	swait.ge [sflag:s6], $0x4000  }
0x28f: {  	s12 =	simm.s32 $0x5400;
	[sflag:s6] =	ssyncset.done $0x0  }
0x290: {  	s8 =	simm.s32 $0x6;
	s31 =	rddreg [dreg:$0x1f];
	[sflag:s6] =	ssyncadd.s32 $0xFFFFC000  }
0x291: {  	[hbm4b:s31+s7] =	stream.linear.scatter [tilespmem:s12], [sflag:$0x6], $0x4000, $0x38;
	[tilespmem:$0x11400] =	vst v63  }
0x292: {  	_ =	swait.ge [sflag:s8], $0x4000  }
0x293: {  	[sflag:s8] =	ssyncset.done $0x0  }
0x294: {  	[sflag:s8] =	ssyncadd.s32 $0xFFFFC000  }
0x295: {  	v5 =	vld [tilespmem:$0x1140];
	_ =	sdelay $0x4  }
0x296: {  	v6 =	vshll.u32 v5, $0x1  }
0x297: {  	v5 =	vand.u32 $0x7, v5;
	v6 =	vand.u32 $0xFFFFFFF0, v6  }
0x298: {  	v5 =	vor.u32 v5, v6  }
0x299: {  	v6 =	vperm.xlane v5, v2;
	_ =	sdelay $0x1  }
0x29a: {  	v5 =	vperm.xlane v5, v4;
	v6 =	vadd.s32 v3, v6;
	_ =	sdelay $0x1  }
0x29b: {  	v5 =	vadd.s32 v3, v5;
	_ =	sdelay $0x2  }
0x29c: {  	[tilespmem:s12], [sflag:$0x2] =	stream.indirect_vreg.gather [hbm4b:s0+s7], $0x80, v6, vm0, $0xb8;
	[tilespmem:$0x11400] =	vst v63  }
0x29d: {  	s13 =	simm.s32 $0x5C00  }
0x29e: {  	[tilespmem:s13], [sflag:$0x2] =	stream.indirect_vreg.gather [hbm4b:s0+s7], $0x80, v5, vm0, $0xb8;
	[tilespmem:$0x11400] =	vst v63  }
0x29f: {  	v5 =	vld [tilespmem:$0x1150];
	_ =	sdelay $0x4  }
0x2a0: {  	v6 =	vshll.u32 v5, $0x1  }
0x2a1: {  	v5 =	vand.u32 $0x7, v5;
	v6 =	vand.u32 $0xFFFFFFF0, v6  }
0x2a2: {  	v5 =	vor.u32 v5, v6  }
0x2a3: {  	v6 =	vperm.xlane v5, v2;
	_ =	sdelay $0x1  }
0x2a4: {  	v5 =	vperm.xlane v5, v4;
	v6 =	vadd.s32 v3, v6;
	_ =	sdelay $0x1  }
0x2a5: {  	v5 =	vadd.s32 v3, v5;
	_ =	sdelay $0x1  }
0x2a6: {  	s14 =	simm.s32 $0x6400  }
0x2a7: {  	[tilespmem:s14], [sflag:$0x2] =	stream.indirect_vreg.gather [hbm4b:s0+s7], $0x80, v6, vm0, $0xb8;
	[tilespmem:$0x11400] =	vst v63  }
0x2a8: {  	s15 =	simm.s32 $0x6C00  }
0x2a9: {  	[tilespmem:s15], [sflag:$0x2] =	stream.indirect_vreg.gather [hbm4b:s0+s7], $0x80, v5, vm0, $0xb8;
	[tilespmem:$0x11400] =	vst v63  }
0x2aa: {  	v5 =	vld [tilespmem:$0x1160];
	_ =	sdelay $0x4  }
0x2ab: {  	v6 =	vshll.u32 v5, $0x1  }
0x2ac: {  	v5 =	vand.u32 $0x7, v5;
	v6 =	vand.u32 $0xFFFFFFF0, v6  }
0x2ad: {  	v5 =	vor.u32 v5, v6  }
0x2ae: {  	v6 =	vperm.xlane v5, v2;
	_ =	sdelay $0x1  }
0x2af: {  	v5 =	vperm.xlane v5, v4;
	v6 =	vadd.s32 v3, v6;
	_ =	sdelay $0x1  }
0x2b0: {  	v5 =	vadd.s32 v3, v5;
	_ =	sdelay $0x1  }
0x2b1: {  	s16 =	simm.s32 $0x7400  }
0x2b2: {  	[tilespmem:s16], [sflag:$0x2] =	stream.indirect_vreg.gather [hbm4b:s0+s7], $0x80, v6, vm0, $0xb8;
	[tilespmem:$0x11400] =	vst v63  }
0x2b3: {  	s17 =	simm.s32 $0x7C00  }
0x2b4: {  	[tilespmem:s17], [sflag:$0x2] =	stream.indirect_vreg.gather [hbm4b:s0+s7], $0x80, v5, vm0, $0xb8;
	[tilespmem:$0x11400] =	vst v63  }
0x2b5: {  	v5 =	vld [tilespmem:$0x1170];
	_ =	sdelay $0x4  }
0x2b6: {  	v6 =	vshll.u32 v5, $0x1  }
0x2b7: {  	v5 =	vand.u32 $0x7, v5;
	v6 =	vand.u32 $0xFFFFFFF0, v6  }
0x2b8: {  	v5 =	vor.u32 v5, v6  }
0x2b9: {  	v6 =	vperm.xlane v5, v2;
	_ =	sdelay $0x1  }
0x2ba: {  	v5 =	vperm.xlane v5, v4;
	v6 =	vadd.s32 v3, v6;
	_ =	sdelay $0x1  }
0x2bb: {  	v5 =	vadd.s32 v3, v5;
	_ =	sdelay $0x1  }
0x2bc: {  	s18 =	simm.s32 $0x8400  }
0x2bd: {  	[tilespmem:s18], [sflag:$0x2] =	stream.indirect_vreg.gather [hbm4b:s0+s7], $0x80, v6, vm0, $0xb8;
	[tilespmem:$0x11400] =	vst v63  }
0x2be: {  	s4 =	simm.s32 $0x3;
	s19 =	simm.s32 $0x8C00  }
0x2bf: {  	[tilespmem:s19], [sflag:$0x2] =	stream.indirect_vreg.gather [hbm4b:s0+s7], $0x80, v5, vm0, $0xb8;
	[tilespmem:$0x11400] =	vst v63  }
0x2c0: {  	_ =	swait.ge [sflag:s4], $0x4000  }
0x2c1: {  	s1 =	sld [smem:$0x7EE]  }
0x2c2: {  	[sflag:s4] =	ssyncset.done $0x0  }
0x2c3: {  	s5 =	simm.s32 $0x7;
	s20 =	simm.s32 $0x9400;
	[sflag:s4] =	ssyncadd.s32 $0xFFFFC000  }
0x2c4: {  	[hbm4b:s1+s7] =	stream.linear.scatter [tilespmem:s20], [sflag:$0x7], $0x4000, $0x38;
	[tilespmem:$0x11400] =	vst v63  }
0x2c5: {  	_ =	swait.ge [sflag:s5], $0x4000  }
0x2c6: {  	[sflag:s5] =	ssyncset.done $0x0  }
0x2c7: {  	[sflag:s5] =	ssyncadd.s32 $0xFFFFC000  }
0x2c8: {  	v5 =	vld [tilespmem:$0x1180];
	_ =	sdelay $0x4  }
0x2c9: {  	v6 =	vshll.u32 v5, $0x1  }
0x2ca: {  	v5 =	vand.u32 $0x7, v5;
	v6 =	vand.u32 $0xFFFFFFF0, v6  }
0x2cb: {  	v5 =	vor.u32 v5, v6  }
0x2cc: {  	v6 =	vperm.xlane v5, v2;
	_ =	sdelay $0x1  }
0x2cd: {  	v5 =	vperm.xlane v5, v4;
	v6 =	vadd.s32 v3, v6;
	_ =	sdelay $0x1  }
0x2ce: {  	v5 =	vadd.s32 v3, v5;
	_ =	sdelay $0x2  }
0x2cf: {  	[tilespmem:s20], [sflag:$0x3] =	stream.indirect_vreg.gather [hbm4b:s0+s7], $0x80, v6, vm0, $0xb8;
	[tilespmem:$0x11400] =	vst v63  }
0x2d0: {  	s21 =	simm.s32 $0x9C00  }
0x2d1: {  	[tilespmem:s21], [sflag:$0x3] =	stream.indirect_vreg.gather [hbm4b:s0+s7], $0x80, v5, vm0, $0xb8;
	[tilespmem:$0x11400] =	vst v63  }
0x2d2: {  	v5 =	vld [tilespmem:$0x1190];
	_ =	sdelay $0x4  }
0x2d3: {  	v6 =	vshll.u32 v5, $0x1  }
0x2d4: {  	v5 =	vand.u32 $0x7, v5;
	v6 =	vand.u32 $0xFFFFFFF0, v6  }
0x2d5: {  	v5 =	vor.u32 v5, v6  }
0x2d6: {  	v6 =	vperm.xlane v5, v2;
	_ =	sdelay $0x1  }
0x2d7: {  	v5 =	vperm.xlane v5, v4;
	v6 =	vadd.s32 v3, v6;
	_ =	sdelay $0x1  }
0x2d8: {  	v5 =	vadd.s32 v3, v5;
	_ =	sdelay $0x1  }
0x2d9: {  	s22 =	simm.s32 $0xA400  }
0x2da: {  	[tilespmem:s22], [sflag:$0x3] =	stream.indirect_vreg.gather [hbm4b:s0+s7], $0x80, v6, vm0, $0xb8;
	[tilespmem:$0x11400] =	vst v63  }
0x2db: {  	s23 =	simm.s32 $0xAC00  }
0x2dc: {  	[tilespmem:s23], [sflag:$0x3] =	stream.indirect_vreg.gather [hbm4b:s0+s7], $0x80, v5, vm0, $0xb8;
	[tilespmem:$0x11400] =	vst v63  }
0x2dd: {  	v5 =	vld [tilespmem:$0x11A0];
	_ =	sdelay $0x4  }
0x2de: {  	v6 =	vshll.u32 v5, $0x1  }
0x2df: {  	v5 =	vand.u32 $0x7, v5;
	v6 =	vand.u32 $0xFFFFFFF0, v6  }
0x2e0: {  	v5 =	vor.u32 v5, v6  }
0x2e1: {  	v6 =	vperm.xlane v5, v2;
	_ =	sdelay $0x1  }
0x2e2: {  	v5 =	vperm.xlane v5, v4;
	v6 =	vadd.s32 v3, v6;
	_ =	sdelay $0x1  }
0x2e3: {  	v5 =	vadd.s32 v3, v5;
	_ =	sdelay $0x1  }
0x2e4: {  	s24 =	simm.s32 $0xB400  }
0x2e5: {  	[tilespmem:s24], [sflag:$0x3] =	stream.indirect_vreg.gather [hbm4b:s0+s7], $0x80, v6, vm0, $0xb8;
	[tilespmem:$0x11400] =	vst v63  }
0x2e6: {  	s25 =	simm.s32 $0xBC00  }
0x2e7: {  	[tilespmem:s25], [sflag:$0x3] =	stream.indirect_vreg.gather [hbm4b:s0+s7], $0x80, v5, vm0, $0xb8;
	[tilespmem:$0x11400] =	vst v63  }
0x2e8: {  	v5 =	vld [tilespmem:$0x11B0];
	_ =	sdelay $0x4  }
0x2e9: {  	v6 =	vshll.u32 v5, $0x1  }
0x2ea: {  	v5 =	vand.u32 $0x7, v5;
	v6 =	vand.u32 $0xFFFFFFF0, v6  }
0x2eb: {  	v5 =	vor.u32 v5, v6  }
0x2ec: {  	v6 =	vperm.xlane v5, v2;
	_ =	sdelay $0x1  }
0x2ed: {  	v5 =	vperm.xlane v5, v4;
	v6 =	vadd.s32 v3, v6;
	_ =	sdelay $0x1  }
0x2ee: {  	v5 =	vadd.s32 v3, v5;
	_ =	sdelay $0x1  }
0x2ef: {  	s26 =	simm.s32 $0xC400  }
0x2f0: {  	[tilespmem:s26], [sflag:$0x3] =	stream.indirect_vreg.gather [hbm4b:s0+s7], $0x80, v6, vm0, $0xb8;
	[tilespmem:$0x11400] =	vst v63  }
0x2f1: {  	s28 =	simm.s32 $0xCC00;
	s1 =	simm.s32 $0x4  }
0x2f2: {  	[tilespmem:s28], [sflag:$0x3] =	stream.indirect_vreg.gather [hbm4b:s0+s7], $0x80, v5, vm0, $0xb8;
	[tilespmem:$0x11400] =	vst v63  }
0x2f3: {  	_ =	swait.ge [sflag:s1], $0x4000  }
0x2f4: {  	s3 =	sld [smem:$0x7EF]  }
0x2f5: {  	[sflag:s1] =	ssyncset.done $0x0  }
0x2f6: {  	s29 =	simm.s32 $0xD400;
	[sflag:s1] =	ssyncadd.s32 $0xFFFFC000  }
0x2f7: {  	[hbm4b:s3+s7] =	stream.linear.scatter [tilespmem:s29], [sflag:$0x8], $0x4000, $0x38;
	[tilespmem:$0x11400] =	vst v63  }
0x2f8: {  	s3 =	simm.s32 $0x8  }
0x2f9: {  	_ =	swait.ge [sflag:s3], $0x4000  }
0x2fa: {  	[sflag:s3] =	ssyncset.done $0x0  }
0x2fb: {  	[sflag:s3] =	ssyncadd.s32 $0xFFFFC000  }
0x2fc: {  	v5 =	vld [tilespmem:$0x11C0];
	_ =	sdelay $0x4  }
0x2fd: {  	v6 =	vshll.u32 v5, $0x1  }
0x2fe: {  	v5 =	vand.u32 $0x7, v5;
	v6 =	vand.u32 $0xFFFFFFF0, v6  }
0x2ff: {  	v5 =	vor.u32 v5, v6  }
0x300: {  	v6 =	vperm.xlane v5, v2;
	_ =	sdelay $0x1  }
0x301: {  	v5 =	vperm.xlane v5, v4;
	v6 =	vadd.s32 v3, v6;
	_ =	sdelay $0x1  }
0x302: {  	v5 =	vadd.s32 v3, v5;
	_ =	sdelay $0x2  }
0x303: {  	[tilespmem:s29], [sflag:$0x4] =	stream.indirect_vreg.gather [hbm4b:s0+s7], $0x80, v6, vm0, $0xb8;
	[tilespmem:$0x11400] =	vst v63  }
0x304: {  	s30 =	simm.s32 $0xDC00  }
0x305: {  	[tilespmem:s30], [sflag:$0x4] =	stream.indirect_vreg.gather [hbm4b:s0+s7], $0x80, v5, vm0, $0xb8;
	[tilespmem:$0x11400] =	vst v63  }
0x306: {  	v5 =	vld [tilespmem:$0x11D0];
	_ =	sdelay $0x4  }
0x307: {  	v6 =	vshll.u32 v5, $0x1  }
0x308: {  	v5 =	vand.u32 $0x7, v5;
	v6 =	vand.u32 $0xFFFFFFF0, v6  }
0x309: {  	v5 =	vor.u32 v5, v6  }
0x30a: {  	v6 =	vperm.xlane v5, v2;
	_ =	sdelay $0x1  }
0x30b: {  	v5 =	vperm.xlane v5, v4;
	v6 =	vadd.s32 v3, v6;
	_ =	sdelay $0x1  }
0x30c: {  	v5 =	vadd.s32 v3, v5;
	_ =	sdelay $0x1  }
0x30d: {  	s31 =	simm.s32 $0xE400  }
0x30e: {  	[tilespmem:s31], [sflag:$0x4] =	stream.indirect_vreg.gather [hbm4b:s0+s7], $0x80, v6, vm0, $0xb8;
	[tilespmem:$0x11400] =	vst v63  }
0x30f: {  	s2 =	simm.s32 $0xEC00  }
0x310: {  	[tilespmem:s2], [sflag:$0x4] =	stream.indirect_vreg.gather [hbm4b:s0+s7], $0x80, v5, vm0, $0xb8;
	[tilespmem:$0x11400] =	vst v63  }
0x311: {  	v5 =	vld [tilespmem:$0x11E0];
	_ =	sdelay $0x4  }
0x312: {  	v6 =	vshll.u32 v5, $0x1  }
0x313: {  	v5 =	vand.u32 $0x7, v5;
	v6 =	vand.u32 $0xFFFFFFF0, v6  }
0x314: {  	v5 =	vor.u32 v5, v6  }
0x315: {  	v6 =	vperm.xlane v5, v2;
	_ =	sdelay $0x1  }
0x316: {  	v5 =	vperm.xlane v5, v4;
	v6 =	vadd.s32 v3, v6;
	_ =	sdelay $0x1  }
0x317: {  	v5 =	vadd.s32 v3, v5;
	_ =	sdelay $0x1  }
0x318: {  	s2 =	simm.s32 $0xF400  }
0x319: {  	[tilespmem:s2], [sflag:$0x4] =	stream.indirect_vreg.gather [hbm4b:s0+s7], $0x80, v6, vm0, $0xb8;
	[tilespmem:$0x11400] =	vst v63  }
0x31a: {  	s2 =	simm.s32 $0xFC00  }
0x31b: {  	[tilespmem:s2], [sflag:$0x4] =	stream.indirect_vreg.gather [hbm4b:s0+s7], $0x80, v5, vm0, $0xb8;
	[tilespmem:$0x11400] =	vst v63  }
0x31c: {  	v5 =	vld [tilespmem:$0x11F0];
	_ =	sdelay $0x4  }
0x31d: {  	v6 =	vshll.u32 v5, $0x1  }
0x31e: {  	v5 =	vand.u32 $0x7, v5;
	v6 =	vand.u32 $0xFFFFFFF0, v6  }
0x31f: {  	v5 =	vor.u32 v5, v6  }
0x320: {  	v6 =	vperm.xlane v5, v2;
	_ =	sdelay $0x1  }
0x321: {  	v5 =	vperm.xlane v5, v4;
	v6 =	vadd.s32 v3, v6;
	_ =	sdelay $0x1  }
0x322: {  	v5 =	vadd.s32 v3, v5;
	_ =	sdelay $0x1  }
0x323: {  	s2 =	simm.s32 $0x10400  }
0x324: {  	[tilespmem:s2], [sflag:$0x4] =	stream.indirect_vreg.gather [hbm4b:s0+s7], $0x80, v6, vm0, $0xb8;
	[tilespmem:$0x11400] =	vst v63  }
0x325: {  	s2 =	simm.s32 $0x10C00  }
0x326: {  	[tilespmem:s2], [sflag:$0x4] =	stream.indirect_vreg.gather [hbm4b:s0+s7], $0x80, v5, vm0, $0xb8;
	[tilespmem:$0x11400] =	vst v63  }
0x327: {  	_ =	swait.ge [sflag:s9], $0x4000  }
0x328: {  	s2 =	sld [smem:$0x7F0]  }
0x329: {  	[sflag:s9] =	ssyncset.done $0x0  }
0x32a: {  	[sflag:s9] =	ssyncadd.s32 $0xFFFFC000  }
0x32b: {  	[hbm4b:s2+s7] =	stream.linear.scatter [tilespmem:s11], [sflag:$0x5], $0x4000, $0x38;
	[tilespmem:$0x11400] =	vst v63  }
0x32c: {  	_ =	swait.ge [sflag:s10], $0x4000  }
0x32d: {  	[sflag:s10] =	ssyncset.done $0x0  }
0x32e: {  	[sflag:s10] =	ssyncadd.s32 $0xFFFFC000  }
0x32f: {  	v5 =	vld [tilespmem:$0x1200];
	_ =	sdelay $0x4  }
0x330: {  	v6 =	vshll.u32 v5, $0x1  }
0x331: {  	v5 =	vand.u32 $0x7, v5;
	v6 =	vand.u32 $0xFFFFFFF0, v6  }
0x332: {  	v5 =	vor.u32 v5, v6  }
0x333: {  	v6 =	vperm.xlane v5, v2;
	_ =	sdelay $0x1  }
0x334: {  	v5 =	vperm.xlane v5, v4;
	v6 =	vadd.s32 v3, v6;
	_ =	sdelay $0x1  }
0x335: {  	v5 =	vadd.s32 v3, v5;
	_ =	sdelay $0x2  }
0x336: {  	[tilespmem:s11], [sflag:$0x1] =	stream.indirect_vreg.gather [hbm4b:s0+s7], $0x80, v6, vm0, $0xb8;
	[tilespmem:$0x11400] =	vst v63  }
0x337: {  	s2 =	simm.s32 $0x1C00  }
0x338: {  	[tilespmem:s2], [sflag:$0x1] =	stream.indirect_vreg.gather [hbm4b:s0+s7], $0x80, v5, vm0, $0xb8;
	[tilespmem:$0x11400] =	vst v63  }
0x339: {  	v5 =	vld [tilespmem:$0x1210];
	_ =	sdelay $0x4  }
0x33a: {  	v6 =	vshll.u32 v5, $0x1  }
0x33b: {  	v5 =	vand.u32 $0x7, v5;
	v6 =	vand.u32 $0xFFFFFFF0, v6  }
0x33c: {  	v5 =	vor.u32 v5, v6  }
0x33d: {  	v6 =	vperm.xlane v5, v2;
	_ =	sdelay $0x1  }
0x33e: {  	v5 =	vperm.xlane v5, v4;
	v6 =	vadd.s32 v3, v6;
	_ =	sdelay $0x1  }
0x33f: {  	v5 =	vadd.s32 v3, v5;
	_ =	sdelay $0x1  }
0x340: {  	s2 =	simm.s32 $0x2400  }
0x341: {  	[tilespmem:s2], [sflag:$0x1] =	stream.indirect_vreg.gather [hbm4b:s0+s7], $0x80, v6, vm0, $0xb8;
	[tilespmem:$0x11400] =	vst v63  }
0x342: {  	s2 =	simm.s32 $0x2C00  }
0x343: {  	[tilespmem:s2], [sflag:$0x1] =	stream.indirect_vreg.gather [hbm4b:s0+s7], $0x80, v5, vm0, $0xb8;
	[tilespmem:$0x11400] =	vst v63  }
0x344: {  	v5 =	vld [tilespmem:$0x1220];
	_ =	sdelay $0x4  }
0x345: {  	v6 =	vshll.u32 v5, $0x1  }
0x346: {  	v5 =	vand.u32 $0x7, v5;
	v6 =	vand.u32 $0xFFFFFFF0, v6  }
0x347: {  	v5 =	vor.u32 v5, v6  }
0x348: {  	v6 =	vperm.xlane v5, v2;
	_ =	sdelay $0x1  }
0x349: {  	v5 =	vperm.xlane v5, v4;
	v6 =	vadd.s32 v3, v6;
	_ =	sdelay $0x1  }
0x34a: {  	v5 =	vadd.s32 v3, v5;
	_ =	sdelay $0x1  }
0x34b: {  	s2 =	simm.s32 $0x3400  }
0x34c: {  	[tilespmem:s2], [sflag:$0x1] =	stream.indirect_vreg.gather [hbm4b:s0+s7], $0x80, v6, vm0, $0xb8;
	[tilespmem:$0x11400] =	vst v63  }
0x34d: {  	s2 =	simm.s32 $0x3C00  }
0x34e: {  	[tilespmem:s2], [sflag:$0x1] =	stream.indirect_vreg.gather [hbm4b:s0+s7], $0x80, v5, vm0, $0xb8;
	[tilespmem:$0x11400] =	vst v63  }
0x34f: {  	v5 =	vld [tilespmem:$0x1230];
	_ =	sdelay $0x4  }
0x350: {  	v6 =	vshll.u32 v5, $0x1  }
0x351: {  	v5 =	vand.u32 $0x7, v5;
	v6 =	vand.u32 $0xFFFFFFF0, v6  }
0x352: {  	v5 =	vor.u32 v5, v6  }
0x353: {  	v6 =	vperm.xlane v5, v2;
	_ =	sdelay $0x1  }
0x354: {  	v5 =	vperm.xlane v5, v4;
	v6 =	vadd.s32 v3, v6;
	_ =	sdelay $0x1  }
0x355: {  	v5 =	vadd.s32 v3, v5;
	_ =	sdelay $0x1  }
0x356: {  	s2 =	simm.s32 $0x4400  }
0x357: {  	[tilespmem:s2], [sflag:$0x1] =	stream.indirect_vreg.gather [hbm4b:s0+s7], $0x80, v6, vm0, $0xb8;
	[tilespmem:$0x11400] =	vst v63  }
0x358: {  	s2 =	simm.s32 $0x4C00  }
0x359: {  	[tilespmem:s2], [sflag:$0x1] =	stream.indirect_vreg.gather [hbm4b:s0+s7], $0x80, v5, vm0, $0xb8;
	[tilespmem:$0x11400] =	vst v63  }
0x35a: {  	_ =	swait.ge [sflag:s6], $0x4000  }
0x35b: {  	s2 =	sld [smem:$0x7F1]  }
0x35c: {  	[sflag:s6] =	ssyncset.done $0x0  }
0x35d: {  	[sflag:s6] =	ssyncadd.s32 $0xFFFFC000  }
0x35e: {  	[hbm4b:s2+s7] =	stream.linear.scatter [tilespmem:s12], [sflag:$0x6], $0x4000, $0x38;
	[tilespmem:$0x11400] =	vst v63  }
0x35f: {  	_ =	swait.ge [sflag:s8], $0x4000  }
0x360: {  	[sflag:s8] =	ssyncset.done $0x0  }
0x361: {  	[sflag:s8] =	ssyncadd.s32 $0xFFFFC000  }
0x362: {  	v5 =	vld [tilespmem:$0x1240];
	_ =	sdelay $0x4  }
0x363: {  	v6 =	vshll.u32 v5, $0x1  }
0x364: {  	v5 =	vand.u32 $0x7, v5;
	v6 =	vand.u32 $0xFFFFFFF0, v6  }
0x365: {  	v5 =	vor.u32 v5, v6  }
0x366: {  	v6 =	vperm.xlane v5, v2;
	_ =	sdelay $0x1  }
0x367: {  	v5 =	vperm.xlane v5, v4;
	v6 =	vadd.s32 v3, v6;
	_ =	sdelay $0x1  }
0x368: {  	v5 =	vadd.s32 v3, v5;
	_ =	sdelay $0x2  }
0x369: {  	[tilespmem:s12], [sflag:$0x2] =	stream.indirect_vreg.gather [hbm4b:s0+s7], $0x80, v6, vm0, $0xb8;
	[tilespmem:$0x11400] =	vst v63  }
0x36a: {  	_ = 	snop  }
0x36b: {  	[tilespmem:s13], [sflag:$0x2] =	stream.indirect_vreg.gather [hbm4b:s0+s7], $0x80, v5, vm0, $0xb8;
	[tilespmem:$0x11400] =	vst v63  }
0x36c: {  	v5 =	vld [tilespmem:$0x1250];
	_ =	sdelay $0x4  }
0x36d: {  	v6 =	vshll.u32 v5, $0x1  }
0x36e: {  	v5 =	vand.u32 $0x7, v5;
	v6 =	vand.u32 $0xFFFFFFF0, v6  }
0x36f: {  	v5 =	vor.u32 v5, v6  }
0x370: {  	v6 =	vperm.xlane v5, v2;
	_ =	sdelay $0x1  }
0x371: {  	v5 =	vperm.xlane v5, v4;
	v6 =	vadd.s32 v3, v6;
	_ =	sdelay $0x1  }
0x372: {  	v5 =	vadd.s32 v3, v5;
	_ =	sdelay $0x2  }
0x373: {  	[tilespmem:s14], [sflag:$0x2] =	stream.indirect_vreg.gather [hbm4b:s0+s7], $0x80, v6, vm0, $0xb8;
	[tilespmem:$0x11400] =	vst v63  }
0x374: {  	_ = 	snop  }
0x375: {  	[tilespmem:s15], [sflag:$0x2] =	stream.indirect_vreg.gather [hbm4b:s0+s7], $0x80, v5, vm0, $0xb8;
	[tilespmem:$0x11400] =	vst v63  }
0x376: {  	v5 =	vld [tilespmem:$0x1260];
	_ =	sdelay $0x4  }
0x377: {  	v6 =	vshll.u32 v5, $0x1  }
0x378: {  	v5 =	vand.u32 $0x7, v5;
	v6 =	vand.u32 $0xFFFFFFF0, v6  }
0x379: {  	v5 =	vor.u32 v5, v6  }
0x37a: {  	v6 =	vperm.xlane v5, v2;
	_ =	sdelay $0x1  }
0x37b: {  	v5 =	vperm.xlane v5, v4;
	v6 =	vadd.s32 v3, v6;
	_ =	sdelay $0x1  }
0x37c: {  	v5 =	vadd.s32 v3, v5;
	_ =	sdelay $0x2  }
0x37d: {  	[tilespmem:s16], [sflag:$0x2] =	stream.indirect_vreg.gather [hbm4b:s0+s7], $0x80, v6, vm0, $0xb8;
	[tilespmem:$0x11400] =	vst v63  }
0x37e: {  	_ = 	snop  }
0x37f: {  	[tilespmem:s17], [sflag:$0x2] =	stream.indirect_vreg.gather [hbm4b:s0+s7], $0x80, v5, vm0, $0xb8;
	[tilespmem:$0x11400] =	vst v63  }
0x380: {  	v5 =	vld [tilespmem:$0x1270];
	_ =	sdelay $0x4  }
0x381: {  	v6 =	vshll.u32 v5, $0x1  }
0x382: {  	v5 =	vand.u32 $0x7, v5;
	v6 =	vand.u32 $0xFFFFFFF0, v6  }
0x383: {  	v5 =	vor.u32 v5, v6  }
0x384: {  	v6 =	vperm.xlane v5, v2;
	_ =	sdelay $0x1  }
0x385: {  	v5 =	vperm.xlane v5, v4;
	v6 =	vadd.s32 v3, v6;
	_ =	sdelay $0x1  }
0x386: {  	v5 =	vadd.s32 v3, v5;
	_ =	sdelay $0x2  }
0x387: {  	[tilespmem:s18], [sflag:$0x2] =	stream.indirect_vreg.gather [hbm4b:s0+s7], $0x80, v6, vm0, $0xb8;
	[tilespmem:$0x11400] =	vst v63  }
0x388: {  	_ = 	snop  }
0x389: {  	[tilespmem:s19], [sflag:$0x2] =	stream.indirect_vreg.gather [hbm4b:s0+s7], $0x80, v5, vm0, $0xb8;
	[tilespmem:$0x11400] =	vst v63  }
0x38a: {  	_ =	swait.ge [sflag:s4], $0x4000  }
0x38b: {  	s2 =	sld [smem:$0x7F2]  }
0x38c: {  	[sflag:s4] =	ssyncset.done $0x0  }
0x38d: {  	[sflag:s4] =	ssyncadd.s32 $0xFFFFC000  }
0x38e: {  	[hbm4b:s2+s7] =	stream.linear.scatter [tilespmem:s20], [sflag:$0x7], $0x4000, $0x38;
	[tilespmem:$0x11400] =	vst v63  }
0x38f: {  	_ =	swait.ge [sflag:s5], $0x4000  }
0x390: {  	[sflag:s5] =	ssyncset.done $0x0  }
0x391: {  	[sflag:s5] =	ssyncadd.s32 $0xFFFFC000  }
0x392: {  	v5 =	vld [tilespmem:$0x1280];
	_ =	sdelay $0x4  }
0x393: {  	v6 =	vshll.u32 v5, $0x1  }
0x394: {  	v5 =	vand.u32 $0x7, v5;
	v6 =	vand.u32 $0xFFFFFFF0, v6  }
0x395: {  	v5 =	vor.u32 v5, v6  }
0x396: {  	v6 =	vperm.xlane v5, v2;
	_ =	sdelay $0x1  }
0x397: {  	v5 =	vperm.xlane v5, v4;
	v6 =	vadd.s32 v3, v6;
	_ =	sdelay $0x1  }
0x398: {  	v5 =	vadd.s32 v3, v5;
	_ =	sdelay $0x2  }
0x399: {  	[tilespmem:s20], [sflag:$0x3] =	stream.indirect_vreg.gather [hbm4b:s0+s7], $0x80, v6, vm0, $0xb8;
	[tilespmem:$0x11400] =	vst v63  }
0x39a: {  	_ = 	snop  }
0x39b: {  	[tilespmem:s21], [sflag:$0x3] =	stream.indirect_vreg.gather [hbm4b:s0+s7], $0x80, v5, vm0, $0xb8;
	[tilespmem:$0x11400] =	vst v63  }
0x39c: {  	v5 =	vld [tilespmem:$0x1290];
	_ =	sdelay $0x4  }
0x39d: {  	v6 =	vshll.u32 v5, $0x1  }
0x39e: {  	v5 =	vand.u32 $0x7, v5;
	v6 =	vand.u32 $0xFFFFFFF0, v6  }
0x39f: {  	v5 =	vor.u32 v5, v6  }
0x3a0: {  	v6 =	vperm.xlane v5, v2;
	_ =	sdelay $0x1  }
0x3a1: {  	v5 =	vperm.xlane v5, v4;
	v6 =	vadd.s32 v3, v6;
	_ =	sdelay $0x1  }
0x3a2: {  	v5 =	vadd.s32 v3, v5;
	_ =	sdelay $0x2  }
0x3a3: {  	[tilespmem:s22], [sflag:$0x3] =	stream.indirect_vreg.gather [hbm4b:s0+s7], $0x80, v6, vm0, $0xb8;
	[tilespmem:$0x11400] =	vst v63  }
0x3a4: {  	_ = 	snop  }
0x3a5: {  	[tilespmem:s23], [sflag:$0x3] =	stream.indirect_vreg.gather [hbm4b:s0+s7], $0x80, v5, vm0, $0xb8;
	[tilespmem:$0x11400] =	vst v63  }
0x3a6: {  	v5 =	vld [tilespmem:$0x12A0];
	_ =	sdelay $0x4  }
0x3a7: {  	v6 =	vshll.u32 v5, $0x1  }
0x3a8: {  	v5 =	vand.u32 $0x7, v5;
	v6 =	vand.u32 $0xFFFFFFF0, v6  }
0x3a9: {  	v5 =	vor.u32 v5, v6  }
0x3aa: {  	v6 =	vperm.xlane v5, v2;
	_ =	sdelay $0x1  }
0x3ab: {  	v5 =	vperm.xlane v5, v4;
	v6 =	vadd.s32 v3, v6;
	_ =	sdelay $0x1  }
0x3ac: {  	v5 =	vadd.s32 v3, v5;
	_ =	sdelay $0x2  }
0x3ad: {  	[tilespmem:s24], [sflag:$0x3] =	stream.indirect_vreg.gather [hbm4b:s0+s7], $0x80, v6, vm0, $0xb8;
	[tilespmem:$0x11400] =	vst v63  }
0x3ae: {  	_ = 	snop  }
0x3af: {  	[tilespmem:s25], [sflag:$0x3] =	stream.indirect_vreg.gather [hbm4b:s0+s7], $0x80, v5, vm0, $0xb8;
	[tilespmem:$0x11400] =	vst v63  }
0x3b0: {  	v5 =	vld [tilespmem:$0x12B0];
	_ =	sdelay $0x4  }
0x3b1: {  	v6 =	vshll.u32 v5, $0x1  }
0x3b2: {  	v5 =	vand.u32 $0x7, v5;
	v6 =	vand.u32 $0xFFFFFFF0, v6  }
0x3b3: {  	v5 =	vor.u32 v5, v6  }
0x3b4: {  	v6 =	vperm.xlane v5, v2;
	_ =	sdelay $0x1  }
0x3b5: {  	v5 =	vperm.xlane v5, v4;
	v6 =	vadd.s32 v3, v6;
	_ =	sdelay $0x1  }
0x3b6: {  	v5 =	vadd.s32 v3, v5;
	_ =	sdelay $0x2  }
0x3b7: {  	[tilespmem:s26], [sflag:$0x3] =	stream.indirect_vreg.gather [hbm4b:s0+s7], $0x80, v6, vm0, $0xb8;
	[tilespmem:$0x11400] =	vst v63  }
0x3b8: {  	_ = 	snop  }
0x3b9: {  	[tilespmem:s28], [sflag:$0x3] =	stream.indirect_vreg.gather [hbm4b:s0+s7], $0x80, v5, vm0, $0xb8;
	[tilespmem:$0x11400] =	vst v63  }
0x3ba: {  	_ =	swait.ge [sflag:s1], $0x4000  }
0x3bb: {  	s2 =	sld [smem:$0x7F3]  }
0x3bc: {  	[sflag:s1] =	ssyncset.done $0x0  }
0x3bd: {  	[sflag:s1] =	ssyncadd.s32 $0xFFFFC000  }
0x3be: {  	[hbm4b:s2+s7] =	stream.linear.scatter [tilespmem:s29], [sflag:$0x8], $0x4000, $0x38;
	[tilespmem:$0x11400] =	vst v63  }
0x3bf: {  	_ =	swait.ge [sflag:s3], $0x4000  }
0x3c0: {  	[sflag:s3] =	ssyncset.done $0x0  }
0x3c1: {  	[sflag:s3] =	ssyncadd.s32 $0xFFFFC000  }
0x3c2: {  	v5 =	vld [tilespmem:$0x12C0];
	_ =	sdelay $0x4  }
0x3c3: {  	v6 =	vshll.u32 v5, $0x1  }
0x3c4: {  	v5 =	vand.u32 $0x7, v5;
	v6 =	vand.u32 $0xFFFFFFF0, v6  }
0x3c5: {  	v5 =	vor.u32 v5, v6  }
0x3c6: {  	v6 =	vperm.xlane v5, v2;
	_ =	sdelay $0x1  }
0x3c7: {  	v5 =	vperm.xlane v5, v4;
	v6 =	vadd.s32 v3, v6;
	_ =	sdelay $0x1  }
0x3c8: {  	v5 =	vadd.s32 v3, v5;
	_ =	sdelay $0x2  }
0x3c9: {  	[tilespmem:s29], [sflag:$0x4] =	stream.indirect_vreg.gather [hbm4b:s0+s7], $0x80, v6, vm0, $0xb8;
	[tilespmem:$0x11400] =	vst v63  }
0x3ca: {  	_ = 	snop  }
0x3cb: {  	[tilespmem:s30], [sflag:$0x4] =	stream.indirect_vreg.gather [hbm4b:s0+s7], $0x80, v5, vm0, $0xb8;
	[tilespmem:$0x11400] =	vst v63  }
0x3cc: {  	v5 =	vld [tilespmem:$0x12D0];
	_ =	sdelay $0x4  }
0x3cd: {  	v6 =	vshll.u32 v5, $0x1  }
0x3ce: {  	v5 =	vand.u32 $0x7, v5;
	v6 =	vand.u32 $0xFFFFFFF0, v6  }
0x3cf: {  	v5 =	vor.u32 v5, v6  }
0x3d0: {  	v6 =	vperm.xlane v5, v2;
	_ =	sdelay $0x1  }
0x3d1: {  	v5 =	vperm.xlane v5, v4;
	v6 =	vadd.s32 v3, v6;
	_ =	sdelay $0x1  }
0x3d2: {  	v5 =	vadd.s32 v3, v5;
	_ =	sdelay $0x2  }
0x3d3: {  	[tilespmem:s31], [sflag:$0x4] =	stream.indirect_vreg.gather [hbm4b:s0+s7], $0x80, v6, vm0, $0xb8;
	[tilespmem:$0x11400] =	vst v63  }
0x3d4: {  	s2 =	simm.s32 $0xEC00  }
0x3d5: {  	[tilespmem:s2], [sflag:$0x4] =	stream.indirect_vreg.gather [hbm4b:s0+s7], $0x80, v5, vm0, $0xb8;
	[tilespmem:$0x11400] =	vst v63  }
0x3d6: {  	v5 =	vld [tilespmem:$0x12E0];
	_ =	sdelay $0x4  }
0x3d7: {  	v6 =	vshll.u32 v5, $0x1  }
0x3d8: {  	v5 =	vand.u32 $0x7, v5;
	v6 =	vand.u32 $0xFFFFFFF0, v6  }
0x3d9: {  	v5 =	vor.u32 v5, v6  }
0x3da: {  	v6 =	vperm.xlane v5, v2;
	_ =	sdelay $0x1  }
0x3db: {  	v5 =	vperm.xlane v5, v4;
	v6 =	vadd.s32 v3, v6;
	_ =	sdelay $0x1  }
0x3dc: {  	v5 =	vadd.s32 v3, v5;
	_ =	sdelay $0x1  }
0x3dd: {  	s2 =	simm.s32 $0xF400  }
0x3de: {  	[tilespmem:s2], [sflag:$0x4] =	stream.indirect_vreg.gather [hbm4b:s0+s7], $0x80, v6, vm0, $0xb8;
	[tilespmem:$0x11400] =	vst v63  }
0x3df: {  	s2 =	simm.s32 $0xFC00  }
0x3e0: {  	[tilespmem:s2], [sflag:$0x4] =	stream.indirect_vreg.gather [hbm4b:s0+s7], $0x80, v5, vm0, $0xb8;
	[tilespmem:$0x11400] =	vst v63  }
0x3e1: {  	v5 =	vld [tilespmem:$0x12F0];
	_ =	sdelay $0x4  }
0x3e2: {  	v6 =	vshll.u32 v5, $0x1  }
0x3e3: {  	v5 =	vand.u32 $0x7, v5;
	v6 =	vand.u32 $0xFFFFFFF0, v6  }
0x3e4: {  	v5 =	vor.u32 v5, v6  }
0x3e5: {  	v6 =	vperm.xlane v5, v2;
	_ =	sdelay $0x1  }
0x3e6: {  	v5 =	vperm.xlane v5, v4;
	v6 =	vadd.s32 v3, v6;
	_ =	sdelay $0x1  }
0x3e7: {  	v5 =	vadd.s32 v3, v5;
	_ =	sdelay $0x1  }
0x3e8: {  	s2 =	simm.s32 $0x10400  }
0x3e9: {  	[tilespmem:s2], [sflag:$0x4] =	stream.indirect_vreg.gather [hbm4b:s0+s7], $0x80, v6, vm0, $0xb8;
	[tilespmem:$0x11400] =	vst v63  }
0x3ea: {  	s2 =	simm.s32 $0x10C00  }
0x3eb: {  	[tilespmem:s2], [sflag:$0x4] =	stream.indirect_vreg.gather [hbm4b:s0+s7], $0x80, v5, vm0, $0xb8;
	[tilespmem:$0x11400] =	vst v63  }
0x3ec: {  	_ =	swait.ge [sflag:s9], $0x4000  }
0x3ed: {  	s2 =	sld [smem:$0x7F4]  }
0x3ee: {  	[sflag:s9] =	ssyncset.done $0x0  }
0x3ef: {  	[sflag:s9] =	ssyncadd.s32 $0xFFFFC000  }
0x3f0: {  	[hbm4b:s2+s7] =	stream.linear.scatter [tilespmem:s11], [sflag:$0x5], $0x4000, $0x38;
	[tilespmem:$0x11400] =	vst v63  }
0x3f1: {  	_ =	swait.ge [sflag:s10], $0x4000  }
0x3f2: {  	[sflag:s10] =	ssyncset.done $0x0  }
0x3f3: {  	[sflag:s10] =	ssyncadd.s32 $0xFFFFC000  }
0x3f4: {  	v5 =	vld [tilespmem:$0x1300];
	_ =	sdelay $0x4  }
0x3f5: {  	v6 =	vshll.u32 v5, $0x1  }
0x3f6: {  	v5 =	vand.u32 $0x7, v5;
	v6 =	vand.u32 $0xFFFFFFF0, v6  }
0x3f7: {  	v5 =	vor.u32 v5, v6  }
0x3f8: {  	v6 =	vperm.xlane v5, v2;
	_ =	sdelay $0x1  }
0x3f9: {  	v5 =	vperm.xlane v5, v4;
	v6 =	vadd.s32 v3, v6;
	_ =	sdelay $0x1  }
0x3fa: {  	v5 =	vadd.s32 v3, v5;
	_ =	sdelay $0x2  }
0x3fb: {  	[tilespmem:s11], [sflag:$0x1] =	stream.indirect_vreg.gather [hbm4b:s0+s7], $0x80, v6, vm0, $0xb8;
	[tilespmem:$0x11400] =	vst v63  }
0x3fc: {  	s2 =	simm.s32 $0x1C00  }
0x3fd: {  	[tilespmem:s2], [sflag:$0x1] =	stream.indirect_vreg.gather [hbm4b:s0+s7], $0x80, v5, vm0, $0xb8;
	[tilespmem:$0x11400] =	vst v63  }
0x3fe: {  	v5 =	vld [tilespmem:$0x1310];
	_ =	sdelay $0x4  }
0x3ff: {  	v6 =	vshll.u32 v5, $0x1  }
0x400: {  	v5 =	vand.u32 $0x7, v5;
	v6 =	vand.u32 $0xFFFFFFF0, v6  }
0x401: {  	v5 =	vor.u32 v5, v6  }
0x402: {  	v6 =	vperm.xlane v5, v2;
	_ =	sdelay $0x1  }
0x403: {  	v5 =	vperm.xlane v5, v4;
	v6 =	vadd.s32 v3, v6;
	_ =	sdelay $0x1  }
0x404: {  	v5 =	vadd.s32 v3, v5;
	_ =	sdelay $0x1  }
0x405: {  	s2 =	simm.s32 $0x2400  }
0x406: {  	[tilespmem:s2], [sflag:$0x1] =	stream.indirect_vreg.gather [hbm4b:s0+s7], $0x80, v6, vm0, $0xb8;
	[tilespmem:$0x11400] =	vst v63  }
0x407: {  	s2 =	simm.s32 $0x2C00  }
0x408: {  	[tilespmem:s2], [sflag:$0x1] =	stream.indirect_vreg.gather [hbm4b:s0+s7], $0x80, v5, vm0, $0xb8;
	[tilespmem:$0x11400] =	vst v63  }
0x409: {  	v5 =	vld [tilespmem:$0x1320];
	_ =	sdelay $0x4  }
0x40a: {  	v6 =	vshll.u32 v5, $0x1  }
0x40b: {  	v5 =	vand.u32 $0x7, v5;
	v6 =	vand.u32 $0xFFFFFFF0, v6  }
0x40c: {  	v5 =	vor.u32 v5, v6  }
0x40d: {  	v6 =	vperm.xlane v5, v2;
	_ =	sdelay $0x1  }
0x40e: {  	v5 =	vperm.xlane v5, v4;
	v6 =	vadd.s32 v3, v6;
	_ =	sdelay $0x1  }
0x40f: {  	v5 =	vadd.s32 v3, v5;
	_ =	sdelay $0x1  }
0x410: {  	s2 =	simm.s32 $0x3400  }
0x411: {  	[tilespmem:s2], [sflag:$0x1] =	stream.indirect_vreg.gather [hbm4b:s0+s7], $0x80, v6, vm0, $0xb8;
	[tilespmem:$0x11400] =	vst v63  }
0x412: {  	s2 =	simm.s32 $0x3C00  }
0x413: {  	[tilespmem:s2], [sflag:$0x1] =	stream.indirect_vreg.gather [hbm4b:s0+s7], $0x80, v5, vm0, $0xb8;
	[tilespmem:$0x11400] =	vst v63  }
0x414: {  	v5 =	vld [tilespmem:$0x1330];
	_ =	sdelay $0x4  }
0x415: {  	v6 =	vshll.u32 v5, $0x1  }
0x416: {  	v5 =	vand.u32 $0x7, v5;
	v6 =	vand.u32 $0xFFFFFFF0, v6  }
0x417: {  	v5 =	vor.u32 v5, v6  }
0x418: {  	v6 =	vperm.xlane v5, v2;
	_ =	sdelay $0x1  }
0x419: {  	v5 =	vperm.xlane v5, v4;
	v6 =	vadd.s32 v3, v6;
	_ =	sdelay $0x1  }
0x41a: {  	v5 =	vadd.s32 v3, v5;
	_ =	sdelay $0x1  }
0x41b: {  	s2 =	simm.s32 $0x4400  }
0x41c: {  	[tilespmem:s2], [sflag:$0x1] =	stream.indirect_vreg.gather [hbm4b:s0+s7], $0x80, v6, vm0, $0xb8;
	[tilespmem:$0x11400] =	vst v63  }
0x41d: {  	s2 =	simm.s32 $0x4C00  }
0x41e: {  	[tilespmem:s2], [sflag:$0x1] =	stream.indirect_vreg.gather [hbm4b:s0+s7], $0x80, v5, vm0, $0xb8;
	[tilespmem:$0x11400] =	vst v63  }
0x41f: {  	_ =	swait.ge [sflag:s6], $0x4000  }
0x420: {  	s2 =	sld [smem:$0x7F5]  }
0x421: {  	[sflag:s6] =	ssyncset.done $0x0  }
0x422: {  	[sflag:s6] =	ssyncadd.s32 $0xFFFFC000  }
0x423: {  	[hbm4b:s2+s7] =	stream.linear.scatter [tilespmem:s12], [sflag:$0x6], $0x4000, $0x38;
	[tilespmem:$0x11400] =	vst v63  }
0x424: {  	_ =	swait.ge [sflag:s8], $0x4000  }
0x425: {  	[sflag:s8] =	ssyncset.done $0x0  }
0x426: {  	[sflag:s8] =	ssyncadd.s32 $0xFFFFC000  }
0x427: {  	v5 =	vld [tilespmem:$0x1340];
	_ =	sdelay $0x4  }
0x428: {  	v6 =	vshll.u32 v5, $0x1  }
0x429: {  	v5 =	vand.u32 $0x7, v5;
	v6 =	vand.u32 $0xFFFFFFF0, v6  }
0x42a: {  	v5 =	vor.u32 v5, v6  }
0x42b: {  	v6 =	vperm.xlane v5, v2;
	_ =	sdelay $0x1  }
0x42c: {  	v5 =	vperm.xlane v5, v4;
	v6 =	vadd.s32 v3, v6;
	_ =	sdelay $0x1  }
0x42d: {  	v5 =	vadd.s32 v3, v5;
	_ =	sdelay $0x2  }
0x42e: {  	[tilespmem:s12], [sflag:$0x2] =	stream.indirect_vreg.gather [hbm4b:s0+s7], $0x80, v6, vm0, $0xb8;
	[tilespmem:$0x11400] =	vst v63  }
0x42f: {  	_ = 	snop  }
0x430: {  	[tilespmem:s13], [sflag:$0x2] =	stream.indirect_vreg.gather [hbm4b:s0+s7], $0x80, v5, vm0, $0xb8;
	[tilespmem:$0x11400] =	vst v63  }
0x431: {  	v5 =	vld [tilespmem:$0x1350];
	_ =	sdelay $0x4  }
0x432: {  	v6 =	vshll.u32 v5, $0x1  }
0x433: {  	v5 =	vand.u32 $0x7, v5;
	v6 =	vand.u32 $0xFFFFFFF0, v6  }
0x434: {  	v5 =	vor.u32 v5, v6  }
0x435: {  	v6 =	vperm.xlane v5, v2;
	_ =	sdelay $0x1  }
0x436: {  	v5 =	vperm.xlane v5, v4;
	v6 =	vadd.s32 v3, v6;
	_ =	sdelay $0x1  }
0x437: {  	v5 =	vadd.s32 v3, v5;
	_ =	sdelay $0x2  }
0x438: {  	[tilespmem:s14], [sflag:$0x2] =	stream.indirect_vreg.gather [hbm4b:s0+s7], $0x80, v6, vm0, $0xb8;
	[tilespmem:$0x11400] =	vst v63  }
0x439: {  	_ = 	snop  }
0x43a: {  	[tilespmem:s15], [sflag:$0x2] =	stream.indirect_vreg.gather [hbm4b:s0+s7], $0x80, v5, vm0, $0xb8;
	[tilespmem:$0x11400] =	vst v63  }
0x43b: {  	v5 =	vld [tilespmem:$0x1360];
	_ =	sdelay $0x4  }
0x43c: {  	v6 =	vshll.u32 v5, $0x1  }
0x43d: {  	v5 =	vand.u32 $0x7, v5;
	v6 =	vand.u32 $0xFFFFFFF0, v6  }
0x43e: {  	v5 =	vor.u32 v5, v6  }
0x43f: {  	v6 =	vperm.xlane v5, v2;
	_ =	sdelay $0x1  }
0x440: {  	v5 =	vperm.xlane v5, v4;
	v6 =	vadd.s32 v3, v6;
	_ =	sdelay $0x1  }
0x441: {  	v5 =	vadd.s32 v3, v5;
	_ =	sdelay $0x2  }
0x442: {  	[tilespmem:s16], [sflag:$0x2] =	stream.indirect_vreg.gather [hbm4b:s0+s7], $0x80, v6, vm0, $0xb8;
	[tilespmem:$0x11400] =	vst v63  }
0x443: {  	_ = 	snop  }
0x444: {  	[tilespmem:s17], [sflag:$0x2] =	stream.indirect_vreg.gather [hbm4b:s0+s7], $0x80, v5, vm0, $0xb8;
	[tilespmem:$0x11400] =	vst v63  }
0x445: {  	v5 =	vld [tilespmem:$0x1370];
	_ =	sdelay $0x4  }
0x446: {  	v6 =	vshll.u32 v5, $0x1  }
0x447: {  	v5 =	vand.u32 $0x7, v5;
	v6 =	vand.u32 $0xFFFFFFF0, v6  }
0x448: {  	v5 =	vor.u32 v5, v6  }
0x449: {  	v6 =	vperm.xlane v5, v2;
	_ =	sdelay $0x1  }
0x44a: {  	v5 =	vperm.xlane v5, v4;
	v6 =	vadd.s32 v3, v6;
	_ =	sdelay $0x1  }
0x44b: {  	v5 =	vadd.s32 v3, v5;
	_ =	sdelay $0x2  }
0x44c: {  	[tilespmem:s18], [sflag:$0x2] =	stream.indirect_vreg.gather [hbm4b:s0+s7], $0x80, v6, vm0, $0xb8;
	[tilespmem:$0x11400] =	vst v63  }
0x44d: {  	_ = 	snop  }
0x44e: {  	[tilespmem:s19], [sflag:$0x2] =	stream.indirect_vreg.gather [hbm4b:s0+s7], $0x80, v5, vm0, $0xb8;
	[tilespmem:$0x11400] =	vst v63  }
0x44f: {  	_ =	swait.ge [sflag:s4], $0x4000  }
0x450: {  	s16 =	sld [smem:$0x7F6]  }
0x451: {  	[sflag:s4] =	ssyncset.done $0x0  }
0x452: {  	[sflag:s4] =	ssyncadd.s32 $0xFFFFC000  }
0x453: {  	[hbm4b:s16+s7] =	stream.linear.scatter [tilespmem:s20], [sflag:$0x7], $0x4000, $0x38;
	[tilespmem:$0x11400] =	vst v63  }
0x454: {  	_ =	swait.ge [sflag:s5], $0x4000  }
0x455: {  	[sflag:s5] =	ssyncset.done $0x0  }
0x456: {  	[sflag:s5] =	ssyncadd.s32 $0xFFFFC000  }
0x457: {  	v5 =	vld [tilespmem:$0x1380];
	_ =	sdelay $0x4  }
0x458: {  	v6 =	vshll.u32 v5, $0x1  }
0x459: {  	v5 =	vand.u32 $0x7, v5;
	v6 =	vand.u32 $0xFFFFFFF0, v6  }
0x45a: {  	v5 =	vor.u32 v5, v6  }
0x45b: {  	v6 =	vperm.xlane v5, v2;
	_ =	sdelay $0x1  }
0x45c: {  	v5 =	vperm.xlane v5, v4;
	v6 =	vadd.s32 v3, v6;
	_ =	sdelay $0x1  }
0x45d: {  	v5 =	vadd.s32 v3, v5;
	_ =	sdelay $0x2  }
0x45e: {  	[tilespmem:s20], [sflag:$0x3] =	stream.indirect_vreg.gather [hbm4b:s0+s7], $0x80, v6, vm0, $0xb8;
	[tilespmem:$0x11400] =	vst v63  }
0x45f: {  	_ = 	snop  }
0x460: {  	[tilespmem:s21], [sflag:$0x3] =	stream.indirect_vreg.gather [hbm4b:s0+s7], $0x80, v5, vm0, $0xb8;
	[tilespmem:$0x11400] =	vst v63  }
0x461: {  	v5 =	vld [tilespmem:$0x1390];
	_ =	sdelay $0x4  }
0x462: {  	v6 =	vshll.u32 v5, $0x1  }
0x463: {  	v5 =	vand.u32 $0x7, v5;
	v6 =	vand.u32 $0xFFFFFFF0, v6  }
0x464: {  	v5 =	vor.u32 v5, v6  }
0x465: {  	v6 =	vperm.xlane v5, v2;
	_ =	sdelay $0x1  }
0x466: {  	v5 =	vperm.xlane v5, v4;
	v6 =	vadd.s32 v3, v6;
	_ =	sdelay $0x1  }
0x467: {  	v5 =	vadd.s32 v3, v5;
	_ =	sdelay $0x2  }
0x468: {  	[tilespmem:s22], [sflag:$0x3] =	stream.indirect_vreg.gather [hbm4b:s0+s7], $0x80, v6, vm0, $0xb8;
	[tilespmem:$0x11400] =	vst v63  }
0x469: {  	_ = 	snop  }
0x46a: {  	[tilespmem:s23], [sflag:$0x3] =	stream.indirect_vreg.gather [hbm4b:s0+s7], $0x80, v5, vm0, $0xb8;
	[tilespmem:$0x11400] =	vst v63  }
0x46b: {  	v5 =	vld [tilespmem:$0x13A0];
	_ =	sdelay $0x4  }
0x46c: {  	v6 =	vshll.u32 v5, $0x1  }
0x46d: {  	v5 =	vand.u32 $0x7, v5;
	v6 =	vand.u32 $0xFFFFFFF0, v6  }
0x46e: {  	v5 =	vor.u32 v5, v6  }
0x46f: {  	v6 =	vperm.xlane v5, v2;
	_ =	sdelay $0x1  }
0x470: {  	v5 =	vperm.xlane v5, v4;
	v6 =	vadd.s32 v3, v6;
	_ =	sdelay $0x1  }
0x471: {  	v5 =	vadd.s32 v3, v5;
	_ =	sdelay $0x2  }
0x472: {  	[tilespmem:s24], [sflag:$0x3] =	stream.indirect_vreg.gather [hbm4b:s0+s7], $0x80, v6, vm0, $0xb8;
	[tilespmem:$0x11400] =	vst v63  }
0x473: {  	_ = 	snop  }
0x474: {  	[tilespmem:s25], [sflag:$0x3] =	stream.indirect_vreg.gather [hbm4b:s0+s7], $0x80, v5, vm0, $0xb8;
	[tilespmem:$0x11400] =	vst v63  }
0x475: {  	v5 =	vld [tilespmem:$0x13B0];
	_ =	sdelay $0x4  }
0x476: {  	v6 =	vshll.u32 v5, $0x1  }
0x477: {  	v5 =	vand.u32 $0x7, v5;
	v6 =	vand.u32 $0xFFFFFFF0, v6  }
0x478: {  	v5 =	vor.u32 v5, v6  }
0x479: {  	v6 =	vperm.xlane v5, v2;
	_ =	sdelay $0x1  }
0x47a: {  	v5 =	vperm.xlane v5, v4;
	v6 =	vadd.s32 v3, v6;
	_ =	sdelay $0x1  }
0x47b: {  	v5 =	vadd.s32 v3, v5;
	_ =	sdelay $0x2  }
0x47c: {  	[tilespmem:s26], [sflag:$0x3] =	stream.indirect_vreg.gather [hbm4b:s0+s7], $0x80, v6, vm0, $0xb8;
	[tilespmem:$0x11400] =	vst v63  }
0x47d: {  	_ = 	snop  }
0x47e: {  	[tilespmem:s28], [sflag:$0x3] =	stream.indirect_vreg.gather [hbm4b:s0+s7], $0x80, v5, vm0, $0xb8;
	[tilespmem:$0x11400] =	vst v63  }
0x47f: {  	_ =	swait.ge [sflag:s1], $0x4000  }
0x480: {  	s17 =	sld [smem:$0x7F7]  }
0x481: {  	[sflag:s1] =	ssyncset.done $0x0  }
0x482: {  	[sflag:s1] =	ssyncadd.s32 $0xFFFFC000  }
0x483: {  	[hbm4b:s17+s7] =	stream.linear.scatter [tilespmem:s29], [sflag:$0x8], $0x4000, $0x38;
	[tilespmem:$0x11400] =	vst v63  }
0x484: {  	_ =	swait.ge [sflag:s3], $0x4000  }
0x485: {  	[sflag:s3] =	ssyncset.done $0x0  }
0x486: {  	[sflag:s3] =	ssyncadd.s32 $0xFFFFC000  }
0x487: {  	v5 =	vld [tilespmem:$0x13C0];
	_ =	sdelay $0x4  }
0x488: {  	v6 =	vshll.u32 v5, $0x1  }
0x489: {  	v5 =	vand.u32 $0x7, v5;
	v6 =	vand.u32 $0xFFFFFFF0, v6  }
0x48a: {  	v5 =	vor.u32 v5, v6  }
0x48b: {  	v6 =	vperm.xlane v5, v2;
	_ =	sdelay $0x1  }
0x48c: {  	v5 =	vperm.xlane v5, v4;
	v6 =	vadd.s32 v3, v6;
	_ =	sdelay $0x1  }
0x48d: {  	v5 =	vadd.s32 v3, v5;
	_ =	sdelay $0x2  }
0x48e: {  	[tilespmem:s29], [sflag:$0x4] =	stream.indirect_vreg.gather [hbm4b:s0+s7], $0x80, v6, vm0, $0xb8;
	[tilespmem:$0x11400] =	vst v63  }
0x48f: {  	_ = 	snop  }
0x490: {  	[tilespmem:s30], [sflag:$0x4] =	stream.indirect_vreg.gather [hbm4b:s0+s7], $0x80, v5, vm0, $0xb8;
	[tilespmem:$0x11400] =	vst v63  }
0x491: {  	v5 =	vld [tilespmem:$0x13D0];
	_ =	sdelay $0x4  }
0x492: {  	v6 =	vshll.u32 v5, $0x1  }
0x493: {  	v5 =	vand.u32 $0x7, v5;
	v6 =	vand.u32 $0xFFFFFFF0, v6  }
0x494: {  	v5 =	vor.u32 v5, v6  }
0x495: {  	v6 =	vperm.xlane v5, v2;
	_ =	sdelay $0x1  }
0x496: {  	v5 =	vperm.xlane v5, v4;
	v6 =	vadd.s32 v3, v6;
	_ =	sdelay $0x1  }
0x497: {  	v5 =	vadd.s32 v3, v5;
	_ =	sdelay $0x2  }
0x498: {  	[tilespmem:s31], [sflag:$0x4] =	stream.indirect_vreg.gather [hbm4b:s0+s7], $0x80, v6, vm0, $0xb8;
	[tilespmem:$0x11400] =	vst v63  }
0x499: {  	s18 =	simm.s32 $0xEC00  }
0x49a: {  	[tilespmem:s18], [sflag:$0x4] =	stream.indirect_vreg.gather [hbm4b:s0+s7], $0x80, v5, vm0, $0xb8;
	[tilespmem:$0x11400] =	vst v63  }
0x49b: {  	v5 =	vld [tilespmem:$0x13E0];
	_ =	sdelay $0x4  }
0x49c: {  	v6 =	vshll.u32 v5, $0x1  }
0x49d: {  	v5 =	vand.u32 $0x7, v5;
	v6 =	vand.u32 $0xFFFFFFF0, v6  }
0x49e: {  	v5 =	vor.u32 v5, v6  }
0x49f: {  	v6 =	vperm.xlane v5, v2;
	_ =	sdelay $0x1  }
0x4a0: {  	v5 =	vperm.xlane v5, v4;
	v6 =	vadd.s32 v3, v6;
	_ =	sdelay $0x1  }
0x4a1: {  	v5 =	vadd.s32 v3, v5;
	_ =	sdelay $0x1  }
0x4a2: {  	s19 =	simm.s32 $0xF400  }
0x4a3: {  	[tilespmem:s19], [sflag:$0x4] =	stream.indirect_vreg.gather [hbm4b:s0+s7], $0x80, v6, vm0, $0xb8;
	[tilespmem:$0x11400] =	vst v63  }
0x4a4: {  	s21 =	simm.s32 $0xFC00  }
0x4a5: {  	[tilespmem:s21], [sflag:$0x4] =	stream.indirect_vreg.gather [hbm4b:s0+s7], $0x80, v5, vm0, $0xb8;
	[tilespmem:$0x11400] =	vst v63  }
0x4a6: {  	v5 =	vld [tilespmem:$0x13F0];
	_ =	sdelay $0x4  }
0x4a7: {  	v6 =	vshll.u32 v5, $0x1  }
0x4a8: {  	v5 =	vand.u32 $0x7, v5;
	v6 =	vand.u32 $0xFFFFFFF0, v6  }
0x4a9: {  	v5 =	vor.u32 v5, v6  }
0x4aa: {  	v6 =	vperm.xlane v5, v2;
	_ =	sdelay $0x1  }
0x4ab: {  	v5 =	vperm.xlane v5, v4;
	v6 =	vadd.s32 v3, v6;
	_ =	sdelay $0x1  }
0x4ac: {  	v5 =	vadd.s32 v3, v5;
	_ =	sdelay $0x1  }
0x4ad: {  	s22 =	simm.s32 $0x10400  }
0x4ae: {  	[tilespmem:s22], [sflag:$0x4] =	stream.indirect_vreg.gather [hbm4b:s0+s7], $0x80, v6, vm0, $0xb8;
	[tilespmem:$0x11400] =	vst v63  }
0x4af: {  	s23 =	simm.s32 $0x10C00  }
0x4b0: {  	[tilespmem:s23], [sflag:$0x4] =	stream.indirect_vreg.gather [hbm4b:s0+s7], $0x80, v5, vm0, $0xb8;
	[tilespmem:$0x11400] =	vst v63  }
0x4b1: {  	_ =	swait.ge [sflag:s9], $0x4000  }
0x4b2: {  	s24 =	sld [smem:$0x7F8]  }
0x4b3: {  	[sflag:s9] =	ssyncset.done $0x0  }
0x4b4: {  	[sflag:s9] =	ssyncadd.s32 $0xFFFFC000  }
0x4b5: {  	[hbm4b:s24+s7] =	stream.linear.scatter [tilespmem:s11], [sflag:$0x5], $0x4000, $0x38;
	[tilespmem:$0x11400] =	vst v63  }
0x4b6: {  	_ =	swait.ge [sflag:s6], $0x4000  }
0x4b7: {  	s25 =	sld [smem:$0x7F9]  }
0x4b8: {  	[sflag:s6] =	ssyncset.done $0x0  }
0x4b9: {  	[sflag:s6] =	ssyncadd.s32 $0xFFFFC000  }
0x4ba: {  	[hbm4b:s25+s7] =	stream.linear.scatter [tilespmem:s12], [sflag:$0x6], $0x4000, $0x38;
	[tilespmem:$0x11400] =	vst v63  }
0x4bb: {  	_ =	swait.ge [sflag:s4], $0x4000  }
0x4bc: {  	s26 =	sld [smem:$0x7FA]  }
0x4bd: {  	[sflag:s4] =	ssyncset.done $0x0  }
0x4be: {  	[sflag:s4] =	ssyncadd.s32 $0xFFFFC000  }
0x4bf: {  	[hbm4b:s26+s7] =	stream.linear.scatter [tilespmem:s20], [sflag:$0x7], $0x4000, $0x38;
	[tilespmem:$0x11400] =	vst v63  }
0x4c0: {  	_ =	swait.ge [sflag:s1], $0x4000  }
0x4c1: {  	s28 =	sld [smem:$0x7FB]  }
0x4c2: {  	[sflag:s1] =	ssyncset.done $0x0  }
0x4c3: {  	[sflag:s1] =	ssyncadd.s32 $0xFFFFC000  }
0x4c4: {  	[hbm4b:s28+s7] =	stream.linear.scatter [tilespmem:s29], [sflag:$0x8], $0x4000, $0x38;
	[tilespmem:$0x11400] =	vst v63  }
0x4c5: {  	_ =	swait.ge [sflag:s10], $0x4000  }
0x4c6: {  	[sflag:s10] =	ssyncset.done $0x0  }
0x4c7: {  	[sflag:s10] =	ssyncadd.s32 $0xFFFFC000  }
0x4c8: {  	_ =	swait.ge [sflag:s8], $0x4000  }
0x4c9: {  	[sflag:s8] =	ssyncset.done $0x0  }
0x4ca: {  	[sflag:s8] =	ssyncadd.s32 $0xFFFFC000  }
0x4cb: {  	_ =	swait.ge [sflag:s5], $0x4000  }
0x4cc: {  	[sflag:s5] =	ssyncset.done $0x0  }
0x4cd: {  	[sflag:s5] =	ssyncadd.s32 $0xFFFFC000  }
0x4ce: {  	_ =	swait.ge [sflag:s3], $0x4000  }
0x4cf: {  	s30 =	sld [smem:$0x7ED]  }
0x4d0: {  	s31 =	sld [smem:$0x7FC];
	_ =	sdelay $0x1  }
0x4d1: {  	s1 =	sadd.s32 $0x1, s30  }
0x4d2: {  	p0 =	sne.s32 s1, s31  }
.Ltmp3:
0x4d3: {  	_ = 	snop;
	(pc) =	sbr.rel @p0 .LBB2_1-.Ltmp3, $3  }
0x4d4: {  	_ =	sdelay $0x1  }
0x4d5: {  	[sflag:s3] =	ssyncset.done $0x0  }
0x4d6: {  	vm2 =	vmmov vm5;
	vm5 =	vmmov vm7;
	vm7 =	vmmov vm9;
	[sflag:s3] =	ssyncadd.s32 $0xFFFFC000  }
0x4d7: {  	_ =	sfence.sel $0x180000  }
0x4d8: {  	[bflag:$0x0] =	sbarrier.arrive $0xFFFF  }
0x4d9: {  	_ =	strace $0x90000047  }
0x4da: {  	s0 =	stileid.u32;
	[bflag:$0x2] =	sbarrier.arrive $0xFFFF  }
0x4db: {  	p0 =	sne.s32 s0, $0x0;
	s0 =	rddreg [dreg:$0x3]  }
0x4dc: {  	s0 =	sadd.s32 @!p0 $0x100000, s0  }
0x4dd: {  	[sflag:s0] =	ssyncadd.tile.s32 @!p0 $0x1;
	_ =	shalt  }
.Lfunc_end2:
_tile_overlayer_lowered:
.L_overlay_start_2:
0x4de: {  	(tag) =	ssettag $0x2  }
0x4df: {  	s0 =	rddreg [dreg:$0x0];
	s2 =	stileid.u32  }
0x4e0: {  	s1 =	rddreg [dreg:$0x1];
	p0 =	sne.s32 s2, $0x0  }
0x4e1: {  	s3 =	rddreg [dreg:$0x2];
	[bflag:$0x3] =	sbarrier.arrive $0xFFFF;
	s2 =	simm.s32 @!p0 $0x1C09  }
0x4e2: {  	[timem:s3], [sflag:s2] =	dma.local @!p0 [hbm:s0], s1  }
0x4e3: {  	s0 =	simm.s32 @!p0 $0x9  }
0x4e4: {  	_ =	swait.ge @!p0 [sflag:s0], s1  }
0x4e5: {  	s1 =	ssub.s32 @!p0 $0x0, s1;
	[sflag:s0] =	ssyncset.done @!p0 $0x0  }
0x4e6: {  	[sflag:s0] =	ssyncadd.s32 @!p0 s1  }
0x4e7: {  	[bflag:$0x3] =	sbarrier.arrive $0xFFFF  }
0x4e8: {  	_ =	shalt  }

</sc_bundles>
